<compile_context>
chip_gen: v7x
topology: tpu7x:2x2x1
jax: 0.10.2.dev20260603
libtpu: 0.0.44.dev20260713+nightly
codegen_flags: <defaults>
</compile_context>

<pallas_src>
import functools

import jax
import jax.numpy as jnp
from jax import lax
from jax.experimental import pallas as pl
from jax.experimental.pallas import tpu as pltpu
from jax.experimental.pallas import tpu_sc as plsc

L = 16
B, T, P = 32, 100, 2048
LEAKY = 1e-05

S_DEN, E_DEN = 1000, 20000
S_NUM, E_NUM = 200, 1000
SP_DEN, SP_NUM = 1024, 256
EP_DEN, EP_NUM = 20000, 1024
EU_DEN, EU_NUM = 5, 8
SU = 8
OUTW = 128


def _sc_body(x_hbm, dpk_hbm, dtp_hbm, npk_hbm, ntp_hbm,
             dinit_hbm, dfinal_hbm, ninit_hbm, nfinal_hbm,
             dout_hbm, nout_hbm,
             dpk, dtp, npk, ntp,
             dinit, dfinal, dalpha, daleak,
             ninit, nfinal, nalpha, naleak,
             xa, xb, ex, outd, outn,
             sema, semb):
    b = lax.axis_index("s") * 2 + lax.axis_index("c")

    pltpu.async_copy(x_hbm.at[b, 0], xa, sema)
    pltpu.async_copy(x_hbm.at[b, 1], xb, semb)

    pltpu.sync_copy(dpk_hbm, dpk)
    pltpu.sync_copy(dtp_hbm, dtp)
    pltpu.sync_copy(npk_hbm, npk)
    pltpu.sync_copy(ntp_hbm, ntp)
    pltpu.sync_copy(dinit_hbm, dinit)
    pltpu.sync_copy(dfinal_hbm, dfinal)
    pltpu.sync_copy(ninit_hbm, ninit)
    pltpu.sync_copy(nfinal_hbm, nfinal)

    zeros = jnp.zeros((L,), jnp.float32)
    ones = jnp.ones((L,), jnp.float32)
    lanes = lax.iota(jnp.int32, L)

    def init_state(init_r, aleak_r, alpha_r, n_sc):
        def bodyf(j, _):
            sl = pl.ds(j * L, L)
            iv = init_r[sl]
            aleak_r[sl] = iv + LEAKY * iv
            alpha_r[sl] = zeros
            return 0
        lax.fori_loop(0, n_sc, bodyf, 0)

    init_state(dinit, daleak, dalpha, SP_DEN // L)
    init_state(ninit, naleak, nalpha, SP_NUM // L)

    def initout(j, _):
        sl = pl.ds(j * L, L)
        outd[sl] = ones
        outn[sl] = ones
        return 0
    lax.fori_loop(0, OUTW // L, initout, 0)

    def hmm_step(t, pk, tp, init_r, final_r, aleak, alpha_r, outr,
                 n_ec, n_sc, eu):
        @plsc.parallel_loop(0, n_ec * L, step=2 * L, unroll=eu, carry=zeros)
        def edge_body(off, macc):
            wab = tp[pl.ds(lax.shift_right_logical(off, 1), L)]
            wa = plsc.bitcast(lax.shift_left(wab, 16), jnp.float32)
            wb = plsc.bitcast(wab & jnp.int32(-65536), jnp.float32)
            for k, w in ((0, wa), (1, wb)):
                sl = pl.ds(off + k * L, L)
                p = pk[sl]
                srcv = p & 1023
                dstv = lax.shift_right_logical(p, 10) & 1023
                pdfv = lax.shift_right_logical(p, 21)
                a = plsc.load_gather(aleak, [srcv])
                e = plsc.load_gather(ex, [pdfv])
                msg = a * w * e
                plsc.addupdate_scatter(alpha_r, [dstv], msg)
                macc = macc + msg
            return macc

        scale_v = jnp.full((L,), jnp.sum(edge_body) + 1e-30, jnp.float32)
        inv_v = ones / scale_v
        plsc.store_scatter(outr, [jnp.full((L,), t, jnp.int32)], scale_v,
                           mask=lanes == 0)

        @pl.when(t == T - 1)
        def _():
            def dot_body(j, acc):
                sl = pl.ds(j * L, L)
                return acc + alpha_r[sl] * final_r[sl]
            dacc = lax.fori_loop(0, n_sc, dot_body, zeros)
            dot_v = jnp.full((L,), jnp.sum(dacc), jnp.float32) * inv_v + 1e-30
            plsc.store_scatter(outr, [jnp.full((L,), OUTW - 1, jnp.int32)],
                               dot_v, mask=lanes == 0)

        @plsc.parallel_loop(0, n_sc * L, step=L, unroll=SU)
        def p2(off):
            sl = pl.ds(off, L)
            aleak[sl] = alpha_r[sl] * inv_v + init_r[sl] * LEAKY
            alpha_r[sl] = zeros

    def compute_ex(xbuf):
        @plsc.parallel_loop(0, P, step=L, unroll=SU)
        def bodyf(off):
            sl = pl.ds(off, L)
            ex[sl] = jnp.exp(jnp.clip(xbuf[sl], -30.0, 30.0))

    def substep(t, xbuf, sem):
        pltpu.make_async_copy(x_hbm.at[b, 0], xbuf, sem).wait()
        compute_ex(xbuf)

        @pl.when(t + 2 < T)
        def _():
            pltpu.async_copy(x_hbm.at[b, t + 2], xbuf, sem)

        hmm_step(t, dpk, dtp, dinit, dfinal, daleak, dalpha, outd,
                 EP_DEN // L, SP_DEN // L, EU_DEN)
        hmm_step(t, npk, ntp, ninit, nfinal, naleak, nalpha, outn,
                 EP_NUM // L, SP_NUM // L, EU_NUM)

    def t2_body(t2, carry):
        t0 = 2 * t2
        substep(t0, xa, sema)
        substep(t0 + 1, xb, semb)
        return carry

    lax.fori_loop(0, T // 2, t2_body, 0)

    pltpu.sync_copy(outd, dout_hbm.at[b])
    pltpu.sync_copy(outn, nout_hbm.at[b])


_SC_SCRATCH = [
    pltpu.VMEM((EP_DEN,), jnp.int32),
    pltpu.VMEM((EP_DEN // 2,), jnp.int32),
    pltpu.VMEM((EP_NUM,), jnp.int32),
    pltpu.VMEM((EP_NUM // 2,), jnp.int32),
    pltpu.VMEM((SP_DEN,), jnp.float32),
    pltpu.VMEM((SP_DEN,), jnp.float32),
    pltpu.VMEM((SP_DEN,), jnp.float32),
    pltpu.VMEM((SP_DEN,), jnp.float32),
    pltpu.VMEM((SP_NUM,), jnp.float32),
    pltpu.VMEM((SP_NUM,), jnp.float32),
    pltpu.VMEM((SP_NUM,), jnp.float32),
    pltpu.VMEM((SP_NUM,), jnp.float32),
    pltpu.VMEM((P,), jnp.float32),
    pltpu.VMEM((P,), jnp.float32),
    pltpu.VMEM((P,), jnp.float32),
    pltpu.VMEM((OUTW,), jnp.float32),
    pltpu.VMEM((OUTW,), jnp.float32),
    pltpu.SemaphoreType.DMA,
    pltpu.SemaphoreType.DMA,
]

_sc_fwd = functools.partial(
    pl.kernel,
    out_type=(jax.ShapeDtypeStruct((B, OUTW), jnp.float32),
              jax.ShapeDtypeStruct((B, OUTW), jnp.float32)),
    mesh=plsc.VectorSubcoreMesh(core_axis_name="c", subcore_axis_name="s"),
    scratch_types=_SC_SCRATCH,
    compiler_params=pltpu.CompilerParams(needs_layout_passes=False),
)(_sc_body)


def _fin_body(d_ref, n_ref, o_ref):
    o_ref[0, 0] = (jnp.sum(jnp.log(d_ref[...])) -
                   jnp.sum(jnp.log(n_ref[...]))) / float(B * T)


def _finalize(dout, nout):
    return pl.pallas_call(
        _fin_body,
        out_shape=jax.ShapeDtypeStruct((1, 1), jnp.float32),
        in_specs=[pl.BlockSpec(memory_space=pltpu.VMEM),
                  pl.BlockSpec(memory_space=pltpu.VMEM)],
        out_specs=pl.BlockSpec(memory_space=pltpu.SMEM),
    )(dout, nout)[0, 0]


def _pad1d(v, n, dtype):
    out = jnp.zeros((n,), dtype)
    return out.at[: v.shape[0]].set(v.astype(dtype))


def _pair_pack_bf16(tp):
    tpr = tp.reshape(-1, 2, L).astype(jnp.bfloat16)
    bits = lax.bitcast_convert_type(tpr, jnp.uint16).astype(jnp.uint32)
    words = bits[:, 0, :] | (bits[:, 1, :] << 16)
    return lax.bitcast_convert_type(words.reshape(-1), jnp.int32)


def kernel(x, den_src, den_dst, den_pdf, den_tprobs, den_init, den_final,
           num_src, num_dst, num_pdf, num_tprobs, num_init, num_final):
    f32 = jnp.float32
    i32 = jnp.int32
    dpk = (den_src.astype(i32) | (den_dst.astype(i32) << 10)
           | (den_pdf.astype(i32) << 21))
    npk = (num_src.astype(i32) | (num_dst.astype(i32) << 10)
           | (num_pdf.astype(i32) << 21))
    dpk = _pad1d(dpk, EP_DEN, i32)
    dtp = _pair_pack_bf16(_pad1d(den_tprobs, EP_DEN, f32))
    npk = _pad1d(npk, EP_NUM, i32)
    ntp = _pair_pack_bf16(_pad1d(num_tprobs, EP_NUM, f32))
    dinit = _pad1d(den_init, SP_DEN, f32)
    dfinal = _pad1d(den_final, SP_DEN, f32)
    ninit = _pad1d(num_init, SP_NUM, f32)
    nfinal = _pad1d(num_final, SP_NUM, f32)

    dout, nout = _sc_fwd(x.astype(f32), dpk, dtp, npk, ntp,
                         dinit, dfinal, ninit, nfinal)
    return _finalize(dout, nout)

# --- scband reference (transcript-rebuilt; emitter-appended) ---
"""Pipeline reference for scband-chain-loss-27075473834428 (READ-ONLY COPY).

The authoritative reference and input builder live on the scoring server;
editing this copy changes nothing except your own understanding.
"""

import jax, jax.numpy as jnp
import numpy as np

LEAKY_HMM_COEFFICIENT = 1e-05


def _forward_backward_objf(exp_x, src, dst, pdf, tprobs, init_p, final_p, leaky):
    # pychain_C.forward_backward equivalent: leaky-HMM alpha recursion with
    # per-frame normalization; returns total log-prob summed over the batch.
    B, T, P = exp_x.shape
    S = init_p.shape[0]
    alpha0 = jnp.broadcast_to(init_p[None, :], (B, S))
    log_scale0 = jnp.zeros((B,), dtype=jnp.result_type(exp_x.dtype, init_p.dtype, tprobs.dtype))

    def step(carry, xt):
        alpha, log_scale = carry
        tot = jnp.sum(alpha, axis=1, keepdims=True)
        # leaky HMM: every state leaks a fraction of total mass back through initial_probs
        alpha_leaky = alpha + leaky * tot * init_p[None, :]
        # message over every transition: gather src state + pdf emission, scatter-add to dst
        msg = alpha_leaky[:, src] * tprobs[None, :] * xt[:, pdf]  # [B, E]
        new_alpha = jax.ops.segment_sum(msg.T, dst, num_segments=S).T  # [B, S]
        scale = jnp.sum(new_alpha, axis=1, keepdims=True) + 1e-30
        new_alpha = new_alpha / scale
        return (new_alpha, log_scale + jnp.log(scale[:, 0])), None

    (alpha_T, log_scale), _ = jax.lax.scan(step, (alpha0, log_scale0), jnp.swapaxes(exp_x, 0, 1))
    objf_per_seq = jnp.log(jnp.sum(alpha_T * final_p[None, :], axis=1) + 1e-30) + log_scale
    return jnp.sum(objf_per_seq)


def setup_inputs(seed: int = 0) -> dict:
    key = jax.random.key(seed)
    ks = jax.random.split(key, 13)
    B, T, P = 32, 100, 2048
    S_den, E_den = 1000, 20000
    S_num, E_num = 200, 1000
    x = jax.random.normal(ks[0], (B, T, P), dtype=jnp.float32)
    den_src = jax.random.randint(ks[1], (E_den,), 0, S_den)
    den_dst = jax.random.randint(ks[2], (E_den,), 0, S_den)
    den_pdf = jax.random.randint(ks[3], (E_den,), 0, P)
    den_tprobs = jax.random.uniform(ks[4], (E_den,), minval=0.05, maxval=1.0)
    den_init = jax.random.uniform(ks[5], (S_den,), minval=0.1, maxval=1.0)
    den_init = den_init / jnp.sum(den_init)
    den_final = jax.random.uniform(ks[6], (S_den,), minval=0.1, maxval=1.0)
    num_src = jax.random.randint(ks[7], (E_num,), 0, S_num)
    num_dst = jax.random.randint(ks[8], (E_num,), 0, S_num)
    num_pdf = jax.random.randint(ks[9], (E_num,), 0, P)
    num_tprobs = jax.random.uniform(ks[10], (E_num,), minval=0.05, maxval=1.0)
    num_init = jax.random.uniform(ks[11], (S_num,), minval=0.1, maxval=1.0)
    num_init = num_init / jnp.sum(num_init)
    num_final = jax.random.uniform(ks[12], (S_num,), minval=0.1, maxval=1.0)
    return {
        'x': x,
        'den_src': den_src, 'den_dst': den_dst, 'den_pdf': den_pdf,
        'den_tprobs': den_tprobs, 'den_init': den_init, 'den_final': den_final,
        'num_src': num_src, 'num_dst': num_dst, 'num_pdf': num_pdf,
        'num_tprobs': num_tprobs, 'num_init': num_init, 'num_final': num_final,
    }


def reference(x, den_src, den_dst, den_pdf, den_tprobs, den_init, den_final,
              num_src, num_dst, num_pdf, num_tprobs, num_init, num_final):
    # ChainFunction.forward: exp of clamped input
    exp_x = jnp.exp(jnp.clip(x, -30.0, 30.0))
    # denominator graph is replicated across the batch (ChainGraphBatch(den_graph, B))
    den_objf = _forward_backward_objf(exp_x, den_src, den_dst, den_pdf,
                                      den_tprobs, den_init, den_final,
                                      LEAKY_HMM_COEFFICIENT)
    num_objf = _forward_backward_objf(exp_x, num_src, num_dst, num_pdf,
                                      num_tprobs, num_init, num_final,
                                      LEAKY_HMM_COEFFICIENT)
    objf = -(num_objf - den_objf)
    # avg=True
    objf = objf / (x.shape[0] * x.shape[1])
    return objf

if __name__ == "__main__":
    import jax
    _d = setup_inputs()
    print(jax.jit(kernel)(*tuple(_d.values())))

</pallas_src>

<mosaic_0001>
#map = affine_map<(d0, d1) -> (0, 0, 0)>
#map1 = affine_map<(d0, d1) -> (0)>
#map2 = affine_map<(d0, d1) -> (0, 0)>
module attributes {stable_mosaic.version = 14 : i64} {
  func.func @_sc_body(%arg0: i32, %arg1: i32, %arg2: memref<32x100x2048xf32, #tpu.memory_space<hbm>>, %arg3: memref<20000xi32, #tpu.memory_space<hbm>>, %arg4: memref<10000xi32, #tpu.memory_space<hbm>>, %arg5: memref<1024xi32, #tpu.memory_space<hbm>>, %arg6: memref<512xi32, #tpu.memory_space<hbm>>, %arg7: memref<1024xf32, #tpu.memory_space<hbm>>, %arg8: memref<1024xf32, #tpu.memory_space<hbm>>, %arg9: memref<256xf32, #tpu.memory_space<hbm>>, %arg10: memref<256xf32, #tpu.memory_space<hbm>>, %arg11: memref<32x128xf32, #tpu.memory_space<hbm>>, %arg12: memref<32x128xf32, #tpu.memory_space<hbm>>, %arg13: memref<20000xi32, #tpu.memory_space<vmem>>, %arg14: memref<10000xi32, #tpu.memory_space<vmem>>, %arg15: memref<1024xi32, #tpu.memory_space<vmem>>, %arg16: memref<512xi32, #tpu.memory_space<vmem>>, %arg17: memref<1024xf32, #tpu.memory_space<vmem>>, %arg18: memref<1024xf32, #tpu.memory_space<vmem>>, %arg19: memref<1024xf32, #tpu.memory_space<vmem>>, %arg20: memref<1024xf32, #tpu.memory_space<vmem>>, %arg21: memref<256xf32, #tpu.memory_space<vmem>>, %arg22: memref<256xf32, #tpu.memory_space<vmem>>, %arg23: memref<256xf32, #tpu.memory_space<vmem>>, %arg24: memref<256xf32, #tpu.memory_space<vmem>>, %arg25: memref<2048xf32, #tpu.memory_space<vmem>>, %arg26: memref<2048xf32, #tpu.memory_space<vmem>>, %arg27: memref<2048xf32, #tpu.memory_space<vmem>>, %arg28: memref<128xf32, #tpu.memory_space<vmem>>, %arg29: memref<128xf32, #tpu.memory_space<vmem>>, %arg30: memref<!tpu.dma_semaphore, #tpu.memory_space<semaphore_mem>>, %arg31: memref<!tpu.dma_semaphore, #tpu.memory_space<semaphore_mem>>) attributes {dimension_semantics = [#tpu.dimension_semantics<core_parallel>, #tpu.dimension_semantics<subcore_parallel>], iteration_bounds = array<i64: 2, 16>, scalar_prefetch = 0 : i64, scratch_operands = 19 : i64, tpu.core_type = #tpu.core_type<sc_vector_subcore>, window_params = [{transform_indices = #map}, {transform_indices = #map1}, {transform_indices = #map1}, {transform_indices = #map1}, {transform_indices = #map1}, {transform_indices = #map1}, {transform_indices = #map1}, {transform_indices = #map1}, {transform_indices = #map1}, {transform_indices = #map2}, {transform_indices = #map2}]} {
    %mul3A = arith.constant 2 : i32
    %mul3A_0 = arith.muli %arg1, %mul3A : i32
    %add3A = arith.addi %mul3A_0, %arg0 : i32
    %dma_start3A = arith.constant 0 : i32
    %dma_start3A_1 = arith.constant 0 : i32
    %dma_start3A_2 = tpu.memref_slice %arg2[%add3A, %dma_start3A, %dma_start3A_1] : memref<32x100x2048xf32, #tpu.memory_space<hbm>> -> memref<1x1x2048xf32, #tpu.memory_space<hbm>>
    %dma_start3A_3 = tpu.memref_squeeze %dma_start3A_2 : memref<1x1x2048xf32, #tpu.memory_space<hbm>> -> memref<2048xf32, #tpu.memory_space<hbm>>
    %dma_start3A_4 = arith.constant 0 : i32
    %dma_start3A_5 = tpu.memref_slice %arg2[%add3A, %dma_start3A, %dma_start3A_4] : memref<32x100x2048xf32, #tpu.memory_space<hbm>> -> memref<1x1x2048xf32, #tpu.memory_space<hbm>>
    %dma_start3A_6 = tpu.memref_squeeze %dma_start3A_5 : memref<1x1x2048xf32, #tpu.memory_space<hbm>> -> memref<2048xf32, #tpu.memory_space<hbm>>
    tpu.enqueue_dma source(%dma_start3A_6 : memref<2048xf32, #tpu.memory_space<hbm>>) target(%arg25 : memref<2048xf32, #tpu.memory_space<vmem>>) target_semaphore(%arg30 : memref<!tpu.dma_semaphore, #tpu.memory_space<semaphore_mem>>)
    %dma_start3A_7 = arith.constant 1 : i32
    %dma_start3A_8 = arith.constant 0 : i32
    %dma_start3A_9 = tpu.memref_slice %arg2[%add3A, %dma_start3A_7, %dma_start3A_8] : memref<32x100x2048xf32, #tpu.memory_space<hbm>> -> memref<1x1x2048xf32, #tpu.memory_space<hbm>>
    %dma_start3A_10 = tpu.memref_squeeze %dma_start3A_9 : memref<1x1x2048xf32, #tpu.memory_space<hbm>> -> memref<2048xf32, #tpu.memory_space<hbm>>
    %dma_start3A_11 = arith.constant 0 : i32
    %dma_start3A_12 = tpu.memref_slice %arg2[%add3A, %dma_start3A_7, %dma_start3A_11] : memref<32x100x2048xf32, #tpu.memory_space<hbm>> -> memref<1x1x2048xf32, #tpu.memory_space<hbm>>
    %dma_start3A_13 = tpu.memref_squeeze %dma_start3A_12 : memref<1x1x2048xf32, #tpu.memory_space<hbm>> -> memref<2048xf32, #tpu.memory_space<hbm>>
    tpu.enqueue_dma source(%dma_start3A_13 : memref<2048xf32, #tpu.memory_space<hbm>>) target(%arg26 : memref<2048xf32, #tpu.memory_space<vmem>>) target_semaphore(%arg31 : memref<!tpu.dma_semaphore, #tpu.memory_space<semaphore_mem>>)
    "tpu.region"() ({
      %run_scoped3A = tpu.sem_alloc : memref<!tpu.dma_semaphore, #tpu.memory_space<semaphore_mem>>
      tpu.enqueue_dma source(%arg3 : memref<20000xi32, #tpu.memory_space<hbm>>) target(%arg13 : memref<20000xi32, #tpu.memory_space<vmem>>) target_semaphore(%run_scoped3A : memref<!tpu.dma_semaphore, #tpu.memory_space<semaphore_mem>>)
      tpu.wait_dma2 semaphore(%run_scoped3A : memref<!tpu.dma_semaphore, #tpu.memory_space<semaphore_mem>>) src(%arg3 : memref<20000xi32, #tpu.memory_space<hbm>>) dst(%arg13 : memref<20000xi32, #tpu.memory_space<vmem>>)
      tpu.yield
    }) : () -> ()
    "tpu.region"() ({
      %run_scoped3A = tpu.sem_alloc : memref<!tpu.dma_semaphore, #tpu.memory_space<semaphore_mem>>
      tpu.enqueue_dma source(%arg4 : memref<10000xi32, #tpu.memory_space<hbm>>) target(%arg14 : memref<10000xi32, #tpu.memory_space<vmem>>) target_semaphore(%run_scoped3A : memref<!tpu.dma_semaphore, #tpu.memory_space<semaphore_mem>>)
      tpu.wait_dma2 semaphore(%run_scoped3A : memref<!tpu.dma_semaphore, #tpu.memory_space<semaphore_mem>>) src(%arg4 : memref<10000xi32, #tpu.memory_space<hbm>>) dst(%arg14 : memref<10000xi32, #tpu.memory_space<vmem>>)
      tpu.yield
    }) : () -> ()
    "tpu.region"() ({
      %run_scoped3A = tpu.sem_alloc : memref<!tpu.dma_semaphore, #tpu.memory_space<semaphore_mem>>
      tpu.enqueue_dma source(%arg5 : memref<1024xi32, #tpu.memory_space<hbm>>) target(%arg15 : memref<1024xi32, #tpu.memory_space<vmem>>) target_semaphore(%run_scoped3A : memref<!tpu.dma_semaphore, #tpu.memory_space<semaphore_mem>>)
      tpu.wait_dma2 semaphore(%run_scoped3A : memref<!tpu.dma_semaphore, #tpu.memory_space<semaphore_mem>>) src(%arg5 : memref<1024xi32, #tpu.memory_space<hbm>>) dst(%arg15 : memref<1024xi32, #tpu.memory_space<vmem>>)
      tpu.yield
    }) : () -> ()
    "tpu.region"() ({
      %run_scoped3A = tpu.sem_alloc : memref<!tpu.dma_semaphore, #tpu.memory_space<semaphore_mem>>
      tpu.enqueue_dma source(%arg6 : memref<512xi32, #tpu.memory_space<hbm>>) target(%arg16 : memref<512xi32, #tpu.memory_space<vmem>>) target_semaphore(%run_scoped3A : memref<!tpu.dma_semaphore, #tpu.memory_space<semaphore_mem>>)
      tpu.wait_dma2 semaphore(%run_scoped3A : memref<!tpu.dma_semaphore, #tpu.memory_space<semaphore_mem>>) src(%arg6 : memref<512xi32, #tpu.memory_space<hbm>>) dst(%arg16 : memref<512xi32, #tpu.memory_space<vmem>>)
      tpu.yield
    }) : () -> ()
    "tpu.region"() ({
      %run_scoped3A = tpu.sem_alloc : memref<!tpu.dma_semaphore, #tpu.memory_space<semaphore_mem>>
      tpu.enqueue_dma source(%arg7 : memref<1024xf32, #tpu.memory_space<hbm>>) target(%arg17 : memref<1024xf32, #tpu.memory_space<vmem>>) target_semaphore(%run_scoped3A : memref<!tpu.dma_semaphore, #tpu.memory_space<semaphore_mem>>)
      tpu.wait_dma2 semaphore(%run_scoped3A : memref<!tpu.dma_semaphore, #tpu.memory_space<semaphore_mem>>) src(%arg7 : memref<1024xf32, #tpu.memory_space<hbm>>) dst(%arg17 : memref<1024xf32, #tpu.memory_space<vmem>>)
      tpu.yield
    }) : () -> ()
    "tpu.region"() ({
      %run_scoped3A = tpu.sem_alloc : memref<!tpu.dma_semaphore, #tpu.memory_space<semaphore_mem>>
      tpu.enqueue_dma source(%arg8 : memref<1024xf32, #tpu.memory_space<hbm>>) target(%arg18 : memref<1024xf32, #tpu.memory_space<vmem>>) target_semaphore(%run_scoped3A : memref<!tpu.dma_semaphore, #tpu.memory_space<semaphore_mem>>)
      tpu.wait_dma2 semaphore(%run_scoped3A : memref<!tpu.dma_semaphore, #tpu.memory_space<semaphore_mem>>) src(%arg8 : memref<1024xf32, #tpu.memory_space<hbm>>) dst(%arg18 : memref<1024xf32, #tpu.memory_space<vmem>>)
      tpu.yield
    }) : () -> ()
    "tpu.region"() ({
      %run_scoped3A = tpu.sem_alloc : memref<!tpu.dma_semaphore, #tpu.memory_space<semaphore_mem>>
      tpu.enqueue_dma source(%arg9 : memref<256xf32, #tpu.memory_space<hbm>>) target(%arg21 : memref<256xf32, #tpu.memory_space<vmem>>) target_semaphore(%run_scoped3A : memref<!tpu.dma_semaphore, #tpu.memory_space<semaphore_mem>>)
      tpu.wait_dma2 semaphore(%run_scoped3A : memref<!tpu.dma_semaphore, #tpu.memory_space<semaphore_mem>>) src(%arg9 : memref<256xf32, #tpu.memory_space<hbm>>) dst(%arg21 : memref<256xf32, #tpu.memory_space<vmem>>)
      tpu.yield
    }) : () -> ()
    "tpu.region"() ({
      %run_scoped3A = tpu.sem_alloc : memref<!tpu.dma_semaphore, #tpu.memory_space<semaphore_mem>>
      tpu.enqueue_dma source(%arg10 : memref<256xf32, #tpu.memory_space<hbm>>) target(%arg22 : memref<256xf32, #tpu.memory_space<vmem>>) target_semaphore(%run_scoped3A : memref<!tpu.dma_semaphore, #tpu.memory_space<semaphore_mem>>)
      tpu.wait_dma2 semaphore(%run_scoped3A : memref<!tpu.dma_semaphore, #tpu.memory_space<semaphore_mem>>) src(%arg10 : memref<256xf32, #tpu.memory_space<hbm>>) dst(%arg22 : memref<256xf32, #tpu.memory_space<vmem>>)
      tpu.yield
    }) : () -> ()
    %broadcast_in_dim3A = arith.constant 0.000000e+00 : f32
    %broadcast_in_dim3A_14 = vector.broadcast %broadcast_in_dim3A : f32 to vector<16xf32>
    %broadcast_in_dim3A_15 = arith.constant 1.000000e+00 : f32
    %broadcast_in_dim3A_16 = vector.broadcast %broadcast_in_dim3A_15 : f32 to vector<16xf32>
    %iota3A = tpu.iota {dimensions = array<i32: 0>} : vector<16xi32>
    %scan3A = arith.constant 0 : i32
    %scan3A_17 = arith.constant 0 : i32
    %scan3A_18 = arith.constant 64 : i32
    %scan3A_19 = arith.addi %scan3A_17, %scan3A_18 : i32
    %scan3A_20 = arith.constant 1 : i32
    %scan3A_21 = scf.for %scan3A_43 = %scan3A_17 to %scan3A_19 step %scan3A_20 iter_args(%scan3A_44 = %scan3A) -> (i32)  : i32 {
      %mul3A_45 = arith.constant 16 : i32
      %mul3A_46 = arith.muli %scan3A_43, %mul3A_45 : i32
      %get3A = arith.index_cast %mul3A_46 : i32 to index
      %get3A_47 = tpu.vector_load %arg17[%get3A] {strides = array<i32>} : memref<1024xf32, #tpu.memory_space<vmem>>, vector<16xf32>,
      %mul3A_48 = arith.constant 9.99999974E-6 : f32
      %mul3A_49 = vector.broadcast %mul3A_48 : f32 to vector<16xf32>
      %mul3A_50 = arith.mulf %mul3A_49, %get3A_47 : vector<16xf32>
      %add3A_51 = arith.addf %get3A_47, %mul3A_50 : vector<16xf32>
      %swap3A = arith.index_cast %mul3A_46 : i32 to index
      %swap3A_52 = tpu.vector_load %arg20[%swap3A] {strides = array<i32>} : memref<1024xf32, #tpu.memory_space<vmem>>, vector<16xf32>,
      tpu.vector_store %arg20[%swap3A], %add3A_51 {strides = array<i32>} : memref<1024xf32, #tpu.memory_space<vmem>>, vector<16xf32>,
      %swap3A_53 = arith.index_cast %mul3A_46 : i32 to index
      %swap3A_54 = tpu.vector_load %arg19[%swap3A_53] {strides = array<i32>} : memref<1024xf32, #tpu.memory_space<vmem>>, vector<16xf32>,
      tpu.vector_store %arg19[%swap3A_53], %broadcast_in_dim3A_14 {strides = array<i32>} : memref<1024xf32, #tpu.memory_space<vmem>>, vector<16xf32>,
      %scan3A_55 = arith.constant 0 : i32
      scf.yield %scan3A_55 : i32
    }
    %scan3A_22 = arith.constant 64 : i32
    %scan3A_23 = arith.constant 0 : i32
    %scan3A_24 = arith.constant 0 : i32
    %scan3A_25 = arith.constant 16 : i32
    %scan3A_26 = arith.addi %scan3A_24, %scan3A_25 : i32
    %scan3A_27 = arith.constant 1 : i32
    %scan3A_28 = scf.for %scan3A_43 = %scan3A_24 to %scan3A_26 step %scan3A_27 iter_args(%scan3A_44 = %scan3A_23) -> (i32)  : i32 {
      %mul3A_45 = arith.constant 16 : i32
      %mul3A_46 = arith.muli %scan3A_43, %mul3A_45 : i32
      %get3A = arith.index_cast %mul3A_46 : i32 to index
      %get3A_47 = tpu.vector_load %arg21[%get3A] {strides = array<i32>} : memref<256xf32, #tpu.memory_space<vmem>>, vector<16xf32>,
      %mul3A_48 = arith.constant 9.99999974E-6 : f32
      %mul3A_49 = vector.broadcast %mul3A_48 : f32 to vector<16xf32>
      %mul3A_50 = arith.mulf %mul3A_49, %get3A_47 : vector<16xf32>
      %add3A_51 = arith.addf %get3A_47, %mul3A_50 : vector<16xf32>
      %swap3A = arith.index_cast %mul3A_46 : i32 to index
      %swap3A_52 = tpu.vector_load %arg24[%swap3A] {strides = array<i32>} : memref<256xf32, #tpu.memory_space<vmem>>, vector<16xf32>,
      tpu.vector_store %arg24[%swap3A], %add3A_51 {strides = array<i32>} : memref<256xf32, #tpu.memory_space<vmem>>, vector<16xf32>,
      %swap3A_53 = arith.index_cast %mul3A_46 : i32 to index
      %swap3A_54 = tpu.vector_load %arg23[%swap3A_53] {strides = array<i32>} : memref<256xf32, #tpu.memory_space<vmem>>, vector<16xf32>,
      tpu.vector_store %arg23[%swap3A_53], %broadcast_in_dim3A_14 {strides = array<i32>} : memref<256xf32, #tpu.memory_space<vmem>>, vector<16xf32>,
      %scan3A_55 = arith.constant 0 : i32
      scf.yield %scan3A_55 : i32
    }
    %scan3A_29 = arith.constant 16 : i32
    %scan3A_30 = arith.constant 0 : i32
    %scan3A_31 = arith.constant 0 : i32
    %scan3A_32 = arith.constant 8 : i32
    %scan3A_33 = arith.addi %scan3A_31, %scan3A_32 : i32
    %scan3A_34 = arith.constant 1 : i32
    %scan3A_35 = scf.for %scan3A_43 = %scan3A_31 to %scan3A_33 step %scan3A_34 iter_args(%scan3A_44 = %scan3A_30) -> (i32)  : i32 {
      %mul3A_45 = arith.constant 16 : i32
      %mul3A_46 = arith.muli %scan3A_43, %mul3A_45 : i32
      %swap3A = arith.index_cast %mul3A_46 : i32 to index
      %swap3A_47 = tpu.vector_load %arg28[%swap3A] {strides = array<i32>} : memref<128xf32, #tpu.memory_space<vmem>>, vector<16xf32>,
      tpu.vector_store %arg28[%swap3A], %broadcast_in_dim3A_16 {strides = array<i32>} : memref<128xf32, #tpu.memory_space<vmem>>, vector<16xf32>,
      %swap3A_48 = arith.index_cast %mul3A_46 : i32 to index
      %swap3A_49 = tpu.vector_load %arg29[%swap3A_48] {strides = array<i32>} : memref<128xf32, #tpu.memory_space<vmem>>, vector<16xf32>,
      tpu.vector_store %arg29[%swap3A_48], %broadcast_in_dim3A_16 {strides = array<i32>} : memref<128xf32, #tpu.memory_space<vmem>>, vector<16xf32>,
      %scan3A_50 = arith.constant 0 : i32
      scf.yield %scan3A_50 : i32
    }
    %scan3A_36 = arith.constant 8 : i32
    %scan3A_37 = arith.constant 0 : i32
    %scan3A_38 = arith.constant 0 : i32
    %scan3A_39 = arith.constant 50 : i32
    %scan3A_40 = arith.addi %scan3A_38, %scan3A_39 : i32
    %scan3A_41 = arith.constant 1 : i32
    scf.for %scan3A_43 = %scan3A_38 to %scan3A_40 step %scan3A_41  : i32 {
      %mul3A_44 = arith.constant 2 : i32
      %mul3A_45 = arith.muli %mul3A_44, %scan3A_43 : i32
      %dma_wait3A = arith.constant 0 : i32
      %dma_wait3A_46 = arith.constant 0 : i32
      %dma_wait3A_47 = tpu.memref_slice %arg2[%add3A, %dma_wait3A, %dma_wait3A_46] : memref<32x100x2048xf32, #tpu.memory_space<hbm>> -> memref<1x1x2048xf32, #tpu.memory_space<hbm>>
      %dma_wait3A_48 = tpu.memref_squeeze %dma_wait3A_47 : memref<1x1x2048xf32, #tpu.memory_space<hbm>> -> memref<2048xf32, #tpu.memory_space<hbm>>
      %dma_wait3A_49 = arith.constant 0 : i32
      %dma_wait3A_50 = tpu.memref_slice %arg2[%add3A, %dma_wait3A, %dma_wait3A_49] : memref<32x100x2048xf32, #tpu.memory_space<hbm>> -> memref<1x1x2048xf32, #tpu.memory_space<hbm>>
      %dma_wait3A_51 = tpu.memref_squeeze %dma_wait3A_50 : memref<1x1x2048xf32, #tpu.memory_space<hbm>> -> memref<2048xf32, #tpu.memory_space<hbm>>
      tpu.wait_dma2 semaphore(%arg30 : memref<!tpu.dma_semaphore, #tpu.memory_space<semaphore_mem>>) src(%dma_wait3A_51 : memref<2048xf32, #tpu.memory_space<hbm>>) dst(%arg25 : memref<2048xf32, #tpu.memory_space<vmem>>)
      %parallel_loop3A = arith.constant 0 : i32
      %parallel_loop3A_52 = arith.constant 2048 : i32
      %parallel_loop3A_53 = arith.constant 16 : i32
      scf.for %parallel_loop3A_170 = %parallel_loop3A to %parallel_loop3A_52 step %parallel_loop3A_53  : i32 {
        %parallel_loop3A_171 = arith.index_cast %parallel_loop3A_170 : i32 to index
        %parallel_loop3A_172 = tpu.vector_load %arg25[%parallel_loop3A_171] {strides = array<i32>} : memref<2048xf32, #tpu.memory_space<vmem>>, vector<16xf32>,
        %parallel_loop3A_173 = arith.constant -3.000000e+01 : f32
        %parallel_loop3A_174 = arith.constant 3.000000e+01 : f32
        %parallel_loop3A_175 = vector.broadcast %parallel_loop3A_173 : f32 to vector<16xf32>
        %parallel_loop3A_176 = arith.maximumf %parallel_loop3A_175, %parallel_loop3A_172 : vector<16xf32>
        %parallel_loop3A_177 = vector.broadcast %parallel_loop3A_174 : f32 to vector<16xf32>
        %parallel_loop3A_178 = arith.minimumf %parallel_loop3A_177, %parallel_loop3A_176 : vector<16xf32>
        %parallel_loop3A_179 = math.exp %parallel_loop3A_178 : vector<16xf32>
        %parallel_loop3A_180 = arith.index_cast %parallel_loop3A_170 : i32 to index
        %parallel_loop3A_181 = tpu.vector_load %arg27[%parallel_loop3A_180] {strides = array<i32>} : memref<2048xf32, #tpu.memory_space<vmem>>, vector<16xf32>,
        tpu.vector_store %arg27[%parallel_loop3A_180], %parallel_loop3A_179 {strides = array<i32>} : memref<2048xf32, #tpu.memory_space<vmem>>, vector<16xf32>,
      } {sc.loop_unroll_factor = 8 : i64, sc.parallel_access}
      %add3A_54 = arith.constant 2 : i32
      %add3A_55 = arith.addi %mul3A_45, %add3A_54 : i32
      %lt3A = arith.constant 100 : i32
      %lt3A_56 = arith.cmpi slt, %add3A_55, %lt3A : i32
      %convert_element_type3A = arith.extui %lt3A_56 : i1 to i32
      %cond3A = arith.constant 0 : i32
      %cond3A_57 = arith.cmpi ne, %convert_element_type3A, %cond3A : i32
      scf.if %cond3A_57 {
        %add3A_170 = arith.constant 2 : i32
        %add3A_171 = arith.addi %mul3A_45, %add3A_170 : i32
        %dma_start3A_172 = arith.constant 0 : i32
        %dma_start3A_173 = tpu.memref_slice %arg2[%add3A, %add3A_171, %dma_start3A_172] : memref<32x100x2048xf32, #tpu.memory_space<hbm>> -> memref<1x1x2048xf32, #tpu.memory_space<hbm>>
        %dma_start3A_174 = tpu.memref_squeeze %dma_start3A_173 : memref<1x1x2048xf32, #tpu.memory_space<hbm>> -> memref<2048xf32, #tpu.memory_space<hbm>>
        %dma_start3A_175 = arith.constant 0 : i32
        %dma_start3A_176 = tpu.memref_slice %arg2[%add3A, %add3A_171, %dma_start3A_175] : memref<32x100x2048xf32, #tpu.memory_space<hbm>> -> memref<1x1x2048xf32, #tpu.memory_space<hbm>>
        %dma_start3A_177 = tpu.memref_squeeze %dma_start3A_176 : memref<1x1x2048xf32, #tpu.memory_space<hbm>> -> memref<2048xf32, #tpu.memory_space<hbm>>
        tpu.enqueue_dma source(%dma_start3A_177 : memref<2048xf32, #tpu.memory_space<hbm>>) target(%arg25 : memref<2048xf32, #tpu.memory_space<vmem>>) target_semaphore(%arg30 : memref<!tpu.dma_semaphore, #tpu.memory_space<semaphore_mem>>)
      } else {
      }
      %parallel_loop3A_58 = arith.constant 0 : i32
      %parallel_loop3A_59 = arith.constant 20000 : i32
      %parallel_loop3A_60 = arith.constant 32 : i32
      %parallel_loop3A_61 = scf.for %parallel_loop3A_170 = %parallel_loop3A_58 to %parallel_loop3A_59 step %parallel_loop3A_60 iter_args(%parallel_loop3A_171 = %broadcast_in_dim3A_14) -> (vector<16xf32>)  : i32 {
        %parallel_loop3A_172 = arith.constant 1 : i32
        %parallel_loop3A_173 = arith.shrui %parallel_loop3A_170, %parallel_loop3A_172 : i32
        %parallel_loop3A_174 = arith.index_cast %parallel_loop3A_173 : i32 to index
        %parallel_loop3A_175 = tpu.vector_load %arg14[%parallel_loop3A_174] {strides = array<i32>} : memref<10000xi32, #tpu.memory_space<vmem>>, vector<16xi32>,
        %parallel_loop3A_176 = arith.constant 16 : i32
        %parallel_loop3A_177 = vector.broadcast %parallel_loop3A_176 : i32 to vector<16xi32>
        %parallel_loop3A_178 = arith.shli %parallel_loop3A_175, %parallel_loop3A_177 : vector<16xi32>
        %parallel_loop3A_179 = vector.bitcast %parallel_loop3A_178 : vector<16xi32> to vector<16xf32>
        %parallel_loop3A_180 = arith.constant -65536 : i32
        %parallel_loop3A_181 = vector.broadcast %parallel_loop3A_180 : i32 to vector<16xi32>
        %parallel_loop3A_182 = arith.andi %parallel_loop3A_175, %parallel_loop3A_181 : vector<16xi32>
        %parallel_loop3A_183 = vector.bitcast %parallel_loop3A_182 : vector<16xi32> to vector<16xf32>
        %parallel_loop3A_184 = arith.constant 0 : i32
        %parallel_loop3A_185 = arith.addi %parallel_loop3A_170, %parallel_loop3A_184 : i32
        %parallel_loop3A_186 = arith.index_cast %parallel_loop3A_185 : i32 to index
        %parallel_loop3A_187 = tpu.vector_load %arg13[%parallel_loop3A_186] {strides = array<i32>} : memref<20000xi32, #tpu.memory_space<vmem>>, vector<16xi32>,
        %parallel_loop3A_188 = arith.constant 1023 : i32
        %parallel_loop3A_189 = vector.broadcast %parallel_loop3A_188 : i32 to vector<16xi32>
        %parallel_loop3A_190 = arith.andi %parallel_loop3A_187, %parallel_loop3A_189 : vector<16xi32>
        %parallel_loop3A_191 = arith.constant 10 : i32
        %parallel_loop3A_192 = vector.broadcast %parallel_loop3A_191 : i32 to vector<16xi32>
        %parallel_loop3A_193 = arith.shrui %parallel_loop3A_187, %parallel_loop3A_192 : vector<16xi32>
        %parallel_loop3A_194 = arith.constant 1023 : i32
        %parallel_loop3A_195 = vector.broadcast %parallel_loop3A_194 : i32 to vector<16xi32>
        %parallel_loop3A_196 = arith.andi %parallel_loop3A_193, %parallel_loop3A_195 : vector<16xi32>
        %parallel_loop3A_197 = arith.constant 21 : i32
        %parallel_loop3A_198 = vector.broadcast %parallel_loop3A_197 : i32 to vector<16xi32>
        %parallel_loop3A_199 = arith.shrui %parallel_loop3A_187, %parallel_loop3A_198 : vector<16xi32>
        %parallel_loop3A_200 = tpu.vector_load_idx %arg20[%parallel_loop3A_190] : memref<1024xf32, #tpu.memory_space<vmem>>[vector<16xi32>], vector<16xf32>,
        %parallel_loop3A_201 = tpu.vector_load_idx %arg27[%parallel_loop3A_199] : memref<2048xf32, #tpu.memory_space<vmem>>[vector<16xi32>], vector<16xf32>,
        %parallel_loop3A_202 = arith.mulf %parallel_loop3A_200, %parallel_loop3A_179 : vector<16xf32>
        %parallel_loop3A_203 = arith.mulf %parallel_loop3A_202, %parallel_loop3A_201 : vector<16xf32>
        tpu.vector_store_idx %arg19[%parallel_loop3A_196], %parallel_loop3A_203 {add = true} : memref<1024xf32, #tpu.memory_space<vmem>>[vector<16xi32>], vector<16xf32>,
        %parallel_loop3A_204 = arith.addf %parallel_loop3A_171, %parallel_loop3A_203 : vector<16xf32>
        %parallel_loop3A_205 = arith.constant 16 : i32
        %parallel_loop3A_206 = arith.addi %parallel_loop3A_170, %parallel_loop3A_205 : i32
        %parallel_loop3A_207 = arith.index_cast %parallel_loop3A_206 : i32 to index
        %parallel_loop3A_208 = tpu.vector_load %arg13[%parallel_loop3A_207] {strides = array<i32>} : memref<20000xi32, #tpu.memory_space<vmem>>, vector<16xi32>,
        %parallel_loop3A_209 = arith.constant 1023 : i32
        %parallel_loop3A_210 = vector.broadcast %parallel_loop3A_209 : i32 to vector<16xi32>
        %parallel_loop3A_211 = arith.andi %parallel_loop3A_208, %parallel_loop3A_210 : vector<16xi32>
        %parallel_loop3A_212 = arith.constant 10 : i32
        %parallel_loop3A_213 = vector.broadcast %parallel_loop3A_212 : i32 to vector<16xi32>
        %parallel_loop3A_214 = arith.shrui %parallel_loop3A_208, %parallel_loop3A_213 : vector<16xi32>
        %parallel_loop3A_215 = arith.constant 1023 : i32
        %parallel_loop3A_216 = vector.broadcast %parallel_loop3A_215 : i32 to vector<16xi32>
        %parallel_loop3A_217 = arith.andi %parallel_loop3A_214, %parallel_loop3A_216 : vector<16xi32>
        %parallel_loop3A_218 = arith.constant 21 : i32
        %parallel_loop3A_219 = vector.broadcast %parallel_loop3A_218 : i32 to vector<16xi32>
        %parallel_loop3A_220 = arith.shrui %parallel_loop3A_208, %parallel_loop3A_219 : vector<16xi32>
        %parallel_loop3A_221 = tpu.vector_load_idx %arg20[%parallel_loop3A_211] : memref<1024xf32, #tpu.memory_space<vmem>>[vector<16xi32>], vector<16xf32>,
        %parallel_loop3A_222 = tpu.vector_load_idx %arg27[%parallel_loop3A_220] : memref<2048xf32, #tpu.memory_space<vmem>>[vector<16xi32>], vector<16xf32>,
        %parallel_loop3A_223 = arith.mulf %parallel_loop3A_221, %parallel_loop3A_183 : vector<16xf32>
        %parallel_loop3A_224 = arith.mulf %parallel_loop3A_223, %parallel_loop3A_222 : vector<16xf32>
        tpu.vector_store_idx %arg19[%parallel_loop3A_217], %parallel_loop3A_224 {add = true} : memref<1024xf32, #tpu.memory_space<vmem>>[vector<16xi32>], vector<16xf32>,
        %parallel_loop3A_225 = arith.addf %parallel_loop3A_204, %parallel_loop3A_224 : vector<16xf32>
        scf.yield %parallel_loop3A_225 : vector<16xf32>
      } {sc.loop_unroll_factor = 5 : i64, sc.parallel_access}
      %reduce_sum3A = arith.constant true
      %reduce_sum3A_62 = vector.broadcast %reduce_sum3A : i1 to vector<16xi1>
      %reduce_sum3A_63 = tpu.scan <sum>, %parallel_loop3A_61 masked %reduce_sum3A_62 : vector<16xf32>, vector<16xi1> -> vector<16xf32>
      %reduce_sum3A_64 = vector.extract %reduce_sum3A_63[15] : f32 from vector<16xf32>
      %add3A_65 = arith.constant 1.000000e-30 : f32
      %add3A_66 = arith.addf %reduce_sum3A_64, %add3A_65 : f32
      %broadcast_in_dim3A_67 = vector.broadcast %add3A_66 : f32 to vector<16xf32>
      %div3A = arith.divf %broadcast_in_dim3A_16, %broadcast_in_dim3A_67 : vector<16xf32>
      %broadcast_in_dim3A_68 = vector.broadcast %mul3A_45 : i32 to vector<16xi32>
      %eq3A = arith.constant 0 : i32
      %eq3A_69 = vector.broadcast %eq3A : i32 to vector<16xi32>
      %eq3A_70 = arith.cmpi eq, %iota3A, %eq3A_69 : vector<16xi32>
      tpu.vector_store_idx %arg28[%broadcast_in_dim3A_68], %broadcast_in_dim3A_67 masked %eq3A_70 : memref<128xf32, #tpu.memory_space<vmem>>[vector<16xi32>], vector<16xf32>, vector<16xi1>
      %eq3A_71 = arith.constant 99 : i32
      %eq3A_72 = arith.cmpi eq, %mul3A_45, %eq3A_71 : i32
      %convert_element_type3A_73 = arith.extui %eq3A_72 : i1 to i32
      %cond3A_74 = arith.constant 0 : i32
      %cond3A_75 = arith.cmpi ne, %convert_element_type3A_73, %cond3A_74 : i32
      scf.if %cond3A_75 {
        %scan3A_170 = arith.constant 0 : i32
        %scan3A_171 = arith.constant 64 : i32
        %scan3A_172 = arith.addi %scan3A_170, %scan3A_171 : i32
        %scan3A_173 = arith.constant 1 : i32
        %scan3A_174 = scf.for %scan3A_190 = %scan3A_170 to %scan3A_172 step %scan3A_173 iter_args(%scan3A_191 = %broadcast_in_dim3A_14) -> (vector<16xf32>)  : i32 {
          %mul3A_192 = arith.constant 16 : i32
          %mul3A_193 = arith.muli %scan3A_190, %mul3A_192 : i32
          %get3A = arith.index_cast %mul3A_193 : i32 to index
          %get3A_194 = tpu.vector_load %arg19[%get3A] {strides = array<i32>} : memref<1024xf32, #tpu.memory_space<vmem>>, vector<16xf32>,
          %get3A_195 = arith.index_cast %mul3A_193 : i32 to index
          %get3A_196 = tpu.vector_load %arg18[%get3A_195] {strides = array<i32>} : memref<1024xf32, #tpu.memory_space<vmem>>, vector<16xf32>,
          %mul3A_197 = arith.mulf %get3A_194, %get3A_196 : vector<16xf32>
          %add3A_198 = arith.addf %scan3A_191, %mul3A_197 : vector<16xf32>
          scf.yield %add3A_198 : vector<16xf32>
        }
        %scan3A_175 = arith.constant 64 : i32
        %reduce_sum3A_176 = arith.constant true
        %reduce_sum3A_177 = vector.broadcast %reduce_sum3A_176 : i1 to vector<16xi1>
        %reduce_sum3A_178 = tpu.scan <sum>, %scan3A_174 masked %reduce_sum3A_177 : vector<16xf32>, vector<16xi1> -> vector<16xf32>
        %reduce_sum3A_179 = vector.extract %reduce_sum3A_178[15] : f32 from vector<16xf32>
        %broadcast_in_dim3A_180 = vector.broadcast %reduce_sum3A_179 : f32 to vector<16xf32>
        %mul3A_181 = arith.mulf %broadcast_in_dim3A_180, %div3A : vector<16xf32>
        %add3A_182 = arith.constant 1.000000e-30 : f32
        %add3A_183 = vector.broadcast %add3A_182 : f32 to vector<16xf32>
        %add3A_184 = arith.addf %mul3A_181, %add3A_183 : vector<16xf32>
        %broadcast_in_dim3A_185 = arith.constant 127 : i32
        %broadcast_in_dim3A_186 = vector.broadcast %broadcast_in_dim3A_185 : i32 to vector<16xi32>
        %eq3A_187 = arith.constant 0 : i32
        %eq3A_188 = vector.broadcast %eq3A_187 : i32 to vector<16xi32>
        %eq3A_189 = arith.cmpi eq, %iota3A, %eq3A_188 : vector<16xi32>
        tpu.vector_store_idx %arg28[%broadcast_in_dim3A_186], %add3A_184 masked %eq3A_189 : memref<128xf32, #tpu.memory_space<vmem>>[vector<16xi32>], vector<16xf32>, vector<16xi1>
      } else {
      }
      %parallel_loop3A_76 = arith.constant 0 : i32
      %parallel_loop3A_77 = arith.constant 1024 : i32
      %parallel_loop3A_78 = arith.constant 16 : i32
      scf.for %parallel_loop3A_170 = %parallel_loop3A_76 to %parallel_loop3A_77 step %parallel_loop3A_78  : i32 {
        %parallel_loop3A_171 = arith.index_cast %parallel_loop3A_170 : i32 to index
        %parallel_loop3A_172 = tpu.vector_load %arg19[%parallel_loop3A_171] {strides = array<i32>} : memref<1024xf32, #tpu.memory_space<vmem>>, vector<16xf32>,
        %parallel_loop3A_173 = arith.mulf %parallel_loop3A_172, %div3A : vector<16xf32>
        %parallel_loop3A_174 = arith.index_cast %parallel_loop3A_170 : i32 to index
        %parallel_loop3A_175 = tpu.vector_load %arg17[%parallel_loop3A_174] {strides = array<i32>} : memref<1024xf32, #tpu.memory_space<vmem>>, vector<16xf32>,
        %parallel_loop3A_176 = arith.constant 9.99999974E-6 : f32
        %parallel_loop3A_177 = vector.broadcast %parallel_loop3A_176 : f32 to vector<16xf32>
        %parallel_loop3A_178 = arith.mulf %parallel_loop3A_175, %parallel_loop3A_177 : vector<16xf32>
        %parallel_loop3A_179 = arith.addf %parallel_loop3A_173, %parallel_loop3A_178 : vector<16xf32>
        %parallel_loop3A_180 = arith.index_cast %parallel_loop3A_170 : i32 to index
        %parallel_loop3A_181 = tpu.vector_load %arg20[%parallel_loop3A_180] {strides = array<i32>} : memref<1024xf32, #tpu.memory_space<vmem>>, vector<16xf32>,
        tpu.vector_store %arg20[%parallel_loop3A_180], %parallel_loop3A_179 {strides = array<i32>} : memref<1024xf32, #tpu.memory_space<vmem>>, vector<16xf32>,
        %parallel_loop3A_182 = arith.index_cast %parallel_loop3A_170 : i32 to index
        %parallel_loop3A_183 = tpu.vector_load %arg19[%parallel_loop3A_182] {strides = array<i32>} : memref<1024xf32, #tpu.memory_space<vmem>>, vector<16xf32>,
        tpu.vector_store %arg19[%parallel_loop3A_182], %broadcast_in_dim3A_14 {strides = array<i32>} : memref<1024xf32, #tpu.memory_space<vmem>>, vector<16xf32>,
      } {sc.loop_unroll_factor = 8 : i64, sc.parallel_access}
      %parallel_loop3A_79 = arith.constant 0 : i32
      %parallel_loop3A_80 = arith.constant 1024 : i32
      %parallel_loop3A_81 = arith.constant 32 : i32
      %parallel_loop3A_82 = scf.for %parallel_loop3A_170 = %parallel_loop3A_79 to %parallel_loop3A_80 step %parallel_loop3A_81 iter_args(%parallel_loop3A_171 = %broadcast_in_dim3A_14) -> (vector<16xf32>)  : i32 {
        %parallel_loop3A_172 = arith.constant 1 : i32
        %parallel_loop3A_173 = arith.shrui %parallel_loop3A_170, %parallel_loop3A_172 : i32
        %parallel_loop3A_174 = arith.index_cast %parallel_loop3A_173 : i32 to index
        %parallel_loop3A_175 = tpu.vector_load %arg16[%parallel_loop3A_174] {strides = array<i32>} : memref<512xi32, #tpu.memory_space<vmem>>, vector<16xi32>,
        %parallel_loop3A_176 = arith.constant 16 : i32
        %parallel_loop3A_177 = vector.broadcast %parallel_loop3A_176 : i32 to vector<16xi32>
        %parallel_loop3A_178 = arith.shli %parallel_loop3A_175, %parallel_loop3A_177 : vector<16xi32>
        %parallel_loop3A_179 = vector.bitcast %parallel_loop3A_178 : vector<16xi32> to vector<16xf32>
        %parallel_loop3A_180 = arith.constant -65536 : i32
        %parallel_loop3A_181 = vector.broadcast %parallel_loop3A_180 : i32 to vector<16xi32>
        %parallel_loop3A_182 = arith.andi %parallel_loop3A_175, %parallel_loop3A_181 : vector<16xi32>
        %parallel_loop3A_183 = vector.bitcast %parallel_loop3A_182 : vector<16xi32> to vector<16xf32>
        %parallel_loop3A_184 = arith.constant 0 : i32
        %parallel_loop3A_185 = arith.addi %parallel_loop3A_170, %parallel_loop3A_184 : i32
        %parallel_loop3A_186 = arith.index_cast %parallel_loop3A_185 : i32 to index
        %parallel_loop3A_187 = tpu.vector_load %arg15[%parallel_loop3A_186] {strides = array<i32>} : memref<1024xi32, #tpu.memory_space<vmem>>, vector<16xi32>,
        %parallel_loop3A_188 = arith.constant 1023 : i32
        %parallel_loop3A_189 = vector.broadcast %parallel_loop3A_188 : i32 to vector<16xi32>
        %parallel_loop3A_190 = arith.andi %parallel_loop3A_187, %parallel_loop3A_189 : vector<16xi32>
        %parallel_loop3A_191 = arith.constant 10 : i32
        %parallel_loop3A_192 = vector.broadcast %parallel_loop3A_191 : i32 to vector<16xi32>
        %parallel_loop3A_193 = arith.shrui %parallel_loop3A_187, %parallel_loop3A_192 : vector<16xi32>
        %parallel_loop3A_194 = arith.constant 1023 : i32
        %parallel_loop3A_195 = vector.broadcast %parallel_loop3A_194 : i32 to vector<16xi32>
        %parallel_loop3A_196 = arith.andi %parallel_loop3A_193, %parallel_loop3A_195 : vector<16xi32>
        %parallel_loop3A_197 = arith.constant 21 : i32
        %parallel_loop3A_198 = vector.broadcast %parallel_loop3A_197 : i32 to vector<16xi32>
        %parallel_loop3A_199 = arith.shrui %parallel_loop3A_187, %parallel_loop3A_198 : vector<16xi32>
        %parallel_loop3A_200 = tpu.vector_load_idx %arg24[%parallel_loop3A_190] : memref<256xf32, #tpu.memory_space<vmem>>[vector<16xi32>], vector<16xf32>,
        %parallel_loop3A_201 = tpu.vector_load_idx %arg27[%parallel_loop3A_199] : memref<2048xf32, #tpu.memory_space<vmem>>[vector<16xi32>], vector<16xf32>,
        %parallel_loop3A_202 = arith.mulf %parallel_loop3A_200, %parallel_loop3A_179 : vector<16xf32>
        %parallel_loop3A_203 = arith.mulf %parallel_loop3A_202, %parallel_loop3A_201 : vector<16xf32>
        tpu.vector_store_idx %arg23[%parallel_loop3A_196], %parallel_loop3A_203 {add = true} : memref<256xf32, #tpu.memory_space<vmem>>[vector<16xi32>], vector<16xf32>,
        %parallel_loop3A_204 = arith.addf %parallel_loop3A_171, %parallel_loop3A_203 : vector<16xf32>
        %parallel_loop3A_205 = arith.constant 16 : i32
        %parallel_loop3A_206 = arith.addi %parallel_loop3A_170, %parallel_loop3A_205 : i32
        %parallel_loop3A_207 = arith.index_cast %parallel_loop3A_206 : i32 to index
        %parallel_loop3A_208 = tpu.vector_load %arg15[%parallel_loop3A_207] {strides = array<i32>} : memref<1024xi32, #tpu.memory_space<vmem>>, vector<16xi32>,
        %parallel_loop3A_209 = arith.constant 1023 : i32
        %parallel_loop3A_210 = vector.broadcast %parallel_loop3A_209 : i32 to vector<16xi32>
        %parallel_loop3A_211 = arith.andi %parallel_loop3A_208, %parallel_loop3A_210 : vector<16xi32>
        %parallel_loop3A_212 = arith.constant 10 : i32
        %parallel_loop3A_213 = vector.broadcast %parallel_loop3A_212 : i32 to vector<16xi32>
        %parallel_loop3A_214 = arith.shrui %parallel_loop3A_208, %parallel_loop3A_213 : vector<16xi32>
        %parallel_loop3A_215 = arith.constant 1023 : i32
        %parallel_loop3A_216 = vector.broadcast %parallel_loop3A_215 : i32 to vector<16xi32>
        %parallel_loop3A_217 = arith.andi %parallel_loop3A_214, %parallel_loop3A_216 : vector<16xi32>
        %parallel_loop3A_218 = arith.constant 21 : i32
        %parallel_loop3A_219 = vector.broadcast %parallel_loop3A_218 : i32 to vector<16xi32>
        %parallel_loop3A_220 = arith.shrui %parallel_loop3A_208, %parallel_loop3A_219 : vector<16xi32>
        %parallel_loop3A_221 = tpu.vector_load_idx %arg24[%parallel_loop3A_211] : memref<256xf32, #tpu.memory_space<vmem>>[vector<16xi32>], vector<16xf32>,
        %parallel_loop3A_222 = tpu.vector_load_idx %arg27[%parallel_loop3A_220] : memref<2048xf32, #tpu.memory_space<vmem>>[vector<16xi32>], vector<16xf32>,
        %parallel_loop3A_223 = arith.mulf %parallel_loop3A_221, %parallel_loop3A_183 : vector<16xf32>
        %parallel_loop3A_224 = arith.mulf %parallel_loop3A_223, %parallel_loop3A_222 : vector<16xf32>
        tpu.vector_store_idx %arg23[%parallel_loop3A_217], %parallel_loop3A_224 {add = true} : memref<256xf32, #tpu.memory_space<vmem>>[vector<16xi32>], vector<16xf32>,
        %parallel_loop3A_225 = arith.addf %parallel_loop3A_204, %parallel_loop3A_224 : vector<16xf32>
        scf.yield %parallel_loop3A_225 : vector<16xf32>
      } {sc.loop_unroll_factor = 8 : i64, sc.parallel_access}
      %reduce_sum3A_83 = arith.constant true
      %reduce_sum3A_84 = vector.broadcast %reduce_sum3A_83 : i1 to vector<16xi1>
      %reduce_sum3A_85 = tpu.scan <sum>, %parallel_loop3A_82 masked %reduce_sum3A_84 : vector<16xf32>, vector<16xi1> -> vector<16xf32>
      %reduce_sum3A_86 = vector.extract %reduce_sum3A_85[15] : f32 from vector<16xf32>
      %add3A_87 = arith.constant 1.000000e-30 : f32
      %add3A_88 = arith.addf %reduce_sum3A_86, %add3A_87 : f32
      %broadcast_in_dim3A_89 = vector.broadcast %add3A_88 : f32 to vector<16xf32>
      %div3A_90 = arith.divf %broadcast_in_dim3A_16, %broadcast_in_dim3A_89 : vector<16xf32>
      %broadcast_in_dim3A_91 = vector.broadcast %mul3A_45 : i32 to vector<16xi32>
      %eq3A_92 = arith.constant 0 : i32
      %eq3A_93 = vector.broadcast %eq3A_92 : i32 to vector<16xi32>
      %eq3A_94 = arith.cmpi eq, %iota3A, %eq3A_93 : vector<16xi32>
      tpu.vector_store_idx %arg29[%broadcast_in_dim3A_91], %broadcast_in_dim3A_89 masked %eq3A_94 : memref<128xf32, #tpu.memory_space<vmem>>[vector<16xi32>], vector<16xf32>, vector<16xi1>
      %eq3A_95 = arith.constant 99 : i32
      %eq3A_96 = arith.cmpi eq, %mul3A_45, %eq3A_95 : i32
      %convert_element_type3A_97 = arith.extui %eq3A_96 : i1 to i32
      %cond3A_98 = arith.constant 0 : i32
      %cond3A_99 = arith.cmpi ne, %convert_element_type3A_97, %cond3A_98 : i32
      scf.if %cond3A_99 {
        %scan3A_170 = arith.constant 0 : i32
        %scan3A_171 = arith.constant 16 : i32
        %scan3A_172 = arith.addi %scan3A_170, %scan3A_171 : i32
        %scan3A_173 = arith.constant 1 : i32
        %scan3A_174 = scf.for %scan3A_190 = %scan3A_170 to %scan3A_172 step %scan3A_173 iter_args(%scan3A_191 = %broadcast_in_dim3A_14) -> (vector<16xf32>)  : i32 {
          %mul3A_192 = arith.constant 16 : i32
          %mul3A_193 = arith.muli %scan3A_190, %mul3A_192 : i32
          %get3A = arith.index_cast %mul3A_193 : i32 to index
          %get3A_194 = tpu.vector_load %arg23[%get3A] {strides = array<i32>} : memref<256xf32, #tpu.memory_space<vmem>>, vector<16xf32>,
          %get3A_195 = arith.index_cast %mul3A_193 : i32 to index
          %get3A_196 = tpu.vector_load %arg22[%get3A_195] {strides = array<i32>} : memref<256xf32, #tpu.memory_space<vmem>>, vector<16xf32>,
          %mul3A_197 = arith.mulf %get3A_194, %get3A_196 : vector<16xf32>
          %add3A_198 = arith.addf %scan3A_191, %mul3A_197 : vector<16xf32>
          scf.yield %add3A_198 : vector<16xf32>
        }
        %scan3A_175 = arith.constant 16 : i32
        %reduce_sum3A_176 = arith.constant true
        %reduce_sum3A_177 = vector.broadcast %reduce_sum3A_176 : i1 to vector<16xi1>
        %reduce_sum3A_178 = tpu.scan <sum>, %scan3A_174 masked %reduce_sum3A_177 : vector<16xf32>, vector<16xi1> -> vector<16xf32>
        %reduce_sum3A_179 = vector.extract %reduce_sum3A_178[15] : f32 from vector<16xf32>
        %broadcast_in_dim3A_180 = vector.broadcast %reduce_sum3A_179 : f32 to vector<16xf32>
        %mul3A_181 = arith.mulf %broadcast_in_dim3A_180, %div3A_90 : vector<16xf32>
        %add3A_182 = arith.constant 1.000000e-30 : f32
        %add3A_183 = vector.broadcast %add3A_182 : f32 to vector<16xf32>
        %add3A_184 = arith.addf %mul3A_181, %add3A_183 : vector<16xf32>
        %broadcast_in_dim3A_185 = arith.constant 127 : i32
        %broadcast_in_dim3A_186 = vector.broadcast %broadcast_in_dim3A_185 : i32 to vector<16xi32>
        %eq3A_187 = arith.constant 0 : i32
        %eq3A_188 = vector.broadcast %eq3A_187 : i32 to vector<16xi32>
        %eq3A_189 = arith.cmpi eq, %iota3A, %eq3A_188 : vector<16xi32>
        tpu.vector_store_idx %arg29[%broadcast_in_dim3A_186], %add3A_184 masked %eq3A_189 : memref<128xf32, #tpu.memory_space<vmem>>[vector<16xi32>], vector<16xf32>, vector<16xi1>
      } else {
      }
      %parallel_loop3A_100 = arith.constant 0 : i32
      %parallel_loop3A_101 = arith.constant 256 : i32
      %parallel_loop3A_102 = arith.constant 16 : i32
      scf.for %parallel_loop3A_170 = %parallel_loop3A_100 to %parallel_loop3A_101 step %parallel_loop3A_102  : i32 {
        %parallel_loop3A_171 = arith.index_cast %parallel_loop3A_170 : i32 to index
        %parallel_loop3A_172 = tpu.vector_load %arg23[%parallel_loop3A_171] {strides = array<i32>} : memref<256xf32, #tpu.memory_space<vmem>>, vector<16xf32>,
        %parallel_loop3A_173 = arith.mulf %parallel_loop3A_172, %div3A_90 : vector<16xf32>
        %parallel_loop3A_174 = arith.index_cast %parallel_loop3A_170 : i32 to index
        %parallel_loop3A_175 = tpu.vector_load %arg21[%parallel_loop3A_174] {strides = array<i32>} : memref<256xf32, #tpu.memory_space<vmem>>, vector<16xf32>,
        %parallel_loop3A_176 = arith.constant 9.99999974E-6 : f32
        %parallel_loop3A_177 = vector.broadcast %parallel_loop3A_176 : f32 to vector<16xf32>
        %parallel_loop3A_178 = arith.mulf %parallel_loop3A_175, %parallel_loop3A_177 : vector<16xf32>
        %parallel_loop3A_179 = arith.addf %parallel_loop3A_173, %parallel_loop3A_178 : vector<16xf32>
        %parallel_loop3A_180 = arith.index_cast %parallel_loop3A_170 : i32 to index
        %parallel_loop3A_181 = tpu.vector_load %arg24[%parallel_loop3A_180] {strides = array<i32>} : memref<256xf32, #tpu.memory_space<vmem>>, vector<16xf32>,
        tpu.vector_store %arg24[%parallel_loop3A_180], %parallel_loop3A_179 {strides = array<i32>} : memref<256xf32, #tpu.memory_space<vmem>>, vector<16xf32>,
        %parallel_loop3A_182 = arith.index_cast %parallel_loop3A_170 : i32 to index
        %parallel_loop3A_183 = tpu.vector_load %arg23[%parallel_loop3A_182] {strides = array<i32>} : memref<256xf32, #tpu.memory_space<vmem>>, vector<16xf32>,
        tpu.vector_store %arg23[%parallel_loop3A_182], %broadcast_in_dim3A_14 {strides = array<i32>} : memref<256xf32, #tpu.memory_space<vmem>>, vector<16xf32>,
      } {sc.loop_unroll_factor = 8 : i64, sc.parallel_access}
      %add3A_103 = arith.constant 1 : i32
      %add3A_104 = arith.addi %mul3A_45, %add3A_103 : i32
      %dma_wait3A_105 = arith.constant 0 : i32
      %dma_wait3A_106 = arith.constant 0 : i32
      %dma_wait3A_107 = tpu.memref_slice %arg2[%add3A, %dma_wait3A_105, %dma_wait3A_106] : memref<32x100x2048xf32, #tpu.memory_space<hbm>> -> memref<1x1x2048xf32, #tpu.memory_space<hbm>>
      %dma_wait3A_108 = tpu.memref_squeeze %dma_wait3A_107 : memref<1x1x2048xf32, #tpu.memory_space<hbm>> -> memref<2048xf32, #tpu.memory_space<hbm>>
      %dma_wait3A_109 = arith.constant 0 : i32
      %dma_wait3A_110 = tpu.memref_slice %arg2[%add3A, %dma_wait3A_105, %dma_wait3A_109] : memref<32x100x2048xf32, #tpu.memory_space<hbm>> -> memref<1x1x2048xf32, #tpu.memory_space<hbm>>
      %dma_wait3A_111 = tpu.memref_squeeze %dma_wait3A_110 : memref<1x1x2048xf32, #tpu.memory_space<hbm>> -> memref<2048xf32, #tpu.memory_space<hbm>>
      tpu.wait_dma2 semaphore(%arg31 : memref<!tpu.dma_semaphore, #tpu.memory_space<semaphore_mem>>) src(%dma_wait3A_111 : memref<2048xf32, #tpu.memory_space<hbm>>) dst(%arg26 : memref<2048xf32, #tpu.memory_space<vmem>>)
      %parallel_loop3A_112 = arith.constant 0 : i32
      %parallel_loop3A_113 = arith.constant 2048 : i32
      %parallel_loop3A_114 = arith.constant 16 : i32
      scf.for %parallel_loop3A_170 = %parallel_loop3A_112 to %parallel_loop3A_113 step %parallel_loop3A_114  : i32 {
        %parallel_loop3A_171 = arith.index_cast %parallel_loop3A_170 : i32 to index
        %parallel_loop3A_172 = tpu.vector_load %arg26[%parallel_loop3A_171] {strides = array<i32>} : memref<2048xf32, #tpu.memory_space<vmem>>, vector<16xf32>,
        %parallel_loop3A_173 = arith.constant -3.000000e+01 : f32
        %parallel_loop3A_174 = arith.constant 3.000000e+01 : f32
        %parallel_loop3A_175 = vector.broadcast %parallel_loop3A_173 : f32 to vector<16xf32>
        %parallel_loop3A_176 = arith.maximumf %parallel_loop3A_175, %parallel_loop3A_172 : vector<16xf32>
        %parallel_loop3A_177 = vector.broadcast %parallel_loop3A_174 : f32 to vector<16xf32>
        %parallel_loop3A_178 = arith.minimumf %parallel_loop3A_177, %parallel_loop3A_176 : vector<16xf32>
        %parallel_loop3A_179 = math.exp %parallel_loop3A_178 : vector<16xf32>
        %parallel_loop3A_180 = arith.index_cast %parallel_loop3A_170 : i32 to index
        %parallel_loop3A_181 = tpu.vector_load %arg27[%parallel_loop3A_180] {strides = array<i32>} : memref<2048xf32, #tpu.memory_space<vmem>>, vector<16xf32>,
        tpu.vector_store %arg27[%parallel_loop3A_180], %parallel_loop3A_179 {strides = array<i32>} : memref<2048xf32, #tpu.memory_space<vmem>>, vector<16xf32>,
      } {sc.loop_unroll_factor = 8 : i64, sc.parallel_access}
      %add3A_115 = arith.constant 2 : i32
      %add3A_116 = arith.addi %add3A_104, %add3A_115 : i32
      %lt3A_117 = arith.constant 100 : i32
      %lt3A_118 = arith.cmpi slt, %add3A_116, %lt3A_117 : i32
      %convert_element_type3A_119 = arith.extui %lt3A_118 : i1 to i32
      %cond3A_120 = arith.constant 0 : i32
      %cond3A_121 = arith.cmpi ne, %convert_element_type3A_119, %cond3A_120 : i32
      scf.if %cond3A_121 {
        %add3A_170 = arith.constant 2 : i32
        %add3A_171 = arith.addi %add3A_104, %add3A_170 : i32
        %dma_start3A_172 = arith.constant 0 : i32
        %dma_start3A_173 = tpu.memref_slice %arg2[%add3A, %add3A_171, %dma_start3A_172] : memref<32x100x2048xf32, #tpu.memory_space<hbm>> -> memref<1x1x2048xf32, #tpu.memory_space<hbm>>
        %dma_start3A_174 = tpu.memref_squeeze %dma_start3A_173 : memref<1x1x2048xf32, #tpu.memory_space<hbm>> -> memref<2048xf32, #tpu.memory_space<hbm>>
        %dma_start3A_175 = arith.constant 0 : i32
        %dma_start3A_176 = tpu.memref_slice %arg2[%add3A, %add3A_171, %dma_start3A_175] : memref<32x100x2048xf32, #tpu.memory_space<hbm>> -> memref<1x1x2048xf32, #tpu.memory_space<hbm>>
        %dma_start3A_177 = tpu.memref_squeeze %dma_start3A_176 : memref<1x1x2048xf32, #tpu.memory_space<hbm>> -> memref<2048xf32, #tpu.memory_space<hbm>>
        tpu.enqueue_dma source(%dma_start3A_177 : memref<2048xf32, #tpu.memory_space<hbm>>) target(%arg26 : memref<2048xf32, #tpu.memory_space<vmem>>) target_semaphore(%arg31 : memref<!tpu.dma_semaphore, #tpu.memory_space<semaphore_mem>>)
      } else {
      }
      %parallel_loop3A_122 = arith.constant 0 : i32
      %parallel_loop3A_123 = arith.constant 20000 : i32
      %parallel_loop3A_124 = arith.constant 32 : i32
      %parallel_loop3A_125 = scf.for %parallel_loop3A_170 = %parallel_loop3A_122 to %parallel_loop3A_123 step %parallel_loop3A_124 iter_args(%parallel_loop3A_171 = %broadcast_in_dim3A_14) -> (vector<16xf32>)  : i32 {
        %parallel_loop3A_172 = arith.constant 1 : i32
        %parallel_loop3A_173 = arith.shrui %parallel_loop3A_170, %parallel_loop3A_172 : i32
        %parallel_loop3A_174 = arith.index_cast %parallel_loop3A_173 : i32 to index
        %parallel_loop3A_175 = tpu.vector_load %arg14[%parallel_loop3A_174] {strides = array<i32>} : memref<10000xi32, #tpu.memory_space<vmem>>, vector<16xi32>,
        %parallel_loop3A_176 = arith.constant 16 : i32
        %parallel_loop3A_177 = vector.broadcast %parallel_loop3A_176 : i32 to vector<16xi32>
        %parallel_loop3A_178 = arith.shli %parallel_loop3A_175, %parallel_loop3A_177 : vector<16xi32>
        %parallel_loop3A_179 = vector.bitcast %parallel_loop3A_178 : vector<16xi32> to vector<16xf32>
        %parallel_loop3A_180 = arith.constant -65536 : i32
        %parallel_loop3A_181 = vector.broadcast %parallel_loop3A_180 : i32 to vector<16xi32>
        %parallel_loop3A_182 = arith.andi %parallel_loop3A_175, %parallel_loop3A_181 : vector<16xi32>
        %parallel_loop3A_183 = vector.bitcast %parallel_loop3A_182 : vector<16xi32> to vector<16xf32>
        %parallel_loop3A_184 = arith.constant 0 : i32
        %parallel_loop3A_185 = arith.addi %parallel_loop3A_170, %parallel_loop3A_184 : i32
        %parallel_loop3A_186 = arith.index_cast %parallel_loop3A_185 : i32 to index
        %parallel_loop3A_187 = tpu.vector_load %arg13[%parallel_loop3A_186] {strides = array<i32>} : memref<20000xi32, #tpu.memory_space<vmem>>, vector<16xi32>,
        %parallel_loop3A_188 = arith.constant 1023 : i32
        %parallel_loop3A_189 = vector.broadcast %parallel_loop3A_188 : i32 to vector<16xi32>
        %parallel_loop3A_190 = arith.andi %parallel_loop3A_187, %parallel_loop3A_189 : vector<16xi32>
        %parallel_loop3A_191 = arith.constant 10 : i32
        %parallel_loop3A_192 = vector.broadcast %parallel_loop3A_191 : i32 to vector<16xi32>
        %parallel_loop3A_193 = arith.shrui %parallel_loop3A_187, %parallel_loop3A_192 : vector<16xi32>
        %parallel_loop3A_194 = arith.constant 1023 : i32
        %parallel_loop3A_195 = vector.broadcast %parallel_loop3A_194 : i32 to vector<16xi32>
        %parallel_loop3A_196 = arith.andi %parallel_loop3A_193, %parallel_loop3A_195 : vector<16xi32>
        %parallel_loop3A_197 = arith.constant 21 : i32
        %parallel_loop3A_198 = vector.broadcast %parallel_loop3A_197 : i32 to vector<16xi32>
        %parallel_loop3A_199 = arith.shrui %parallel_loop3A_187, %parallel_loop3A_198 : vector<16xi32>
        %parallel_loop3A_200 = tpu.vector_load_idx %arg20[%parallel_loop3A_190] : memref<1024xf32, #tpu.memory_space<vmem>>[vector<16xi32>], vector<16xf32>,
        %parallel_loop3A_201 = tpu.vector_load_idx %arg27[%parallel_loop3A_199] : memref<2048xf32, #tpu.memory_space<vmem>>[vector<16xi32>], vector<16xf32>,
        %parallel_loop3A_202 = arith.mulf %parallel_loop3A_200, %parallel_loop3A_179 : vector<16xf32>
        %parallel_loop3A_203 = arith.mulf %parallel_loop3A_202, %parallel_loop3A_201 : vector<16xf32>
        tpu.vector_store_idx %arg19[%parallel_loop3A_196], %parallel_loop3A_203 {add = true} : memref<1024xf32, #tpu.memory_space<vmem>>[vector<16xi32>], vector<16xf32>,
        %parallel_loop3A_204 = arith.addf %parallel_loop3A_171, %parallel_loop3A_203 : vector<16xf32>
        %parallel_loop3A_205 = arith.constant 16 : i32
        %parallel_loop3A_206 = arith.addi %parallel_loop3A_170, %parallel_loop3A_205 : i32
        %parallel_loop3A_207 = arith.index_cast %parallel_loop3A_206 : i32 to index
        %parallel_loop3A_208 = tpu.vector_load %arg13[%parallel_loop3A_207] {strides = array<i32>} : memref<20000xi32, #tpu.memory_space<vmem>>, vector<16xi32>,
        %parallel_loop3A_209 = arith.constant 1023 : i32
        %parallel_loop3A_210 = vector.broadcast %parallel_loop3A_209 : i32 to vector<16xi32>
        %parallel_loop3A_211 = arith.andi %parallel_loop3A_208, %parallel_loop3A_210 : vector<16xi32>
        %parallel_loop3A_212 = arith.constant 10 : i32
        %parallel_loop3A_213 = vector.broadcast %parallel_loop3A_212 : i32 to vector<16xi32>
        %parallel_loop3A_214 = arith.shrui %parallel_loop3A_208, %parallel_loop3A_213 : vector<16xi32>
        %parallel_loop3A_215 = arith.constant 1023 : i32
        %parallel_loop3A_216 = vector.broadcast %parallel_loop3A_215 : i32 to vector<16xi32>
        %parallel_loop3A_217 = arith.andi %parallel_loop3A_214, %parallel_loop3A_216 : vector<16xi32>
        %parallel_loop3A_218 = arith.constant 21 : i32
        %parallel_loop3A_219 = vector.broadcast %parallel_loop3A_218 : i32 to vector<16xi32>
        %parallel_loop3A_220 = arith.shrui %parallel_loop3A_208, %parallel_loop3A_219 : vector<16xi32>
        %parallel_loop3A_221 = tpu.vector_load_idx %arg20[%parallel_loop3A_211] : memref<1024xf32, #tpu.memory_space<vmem>>[vector<16xi32>], vector<16xf32>,
        %parallel_loop3A_222 = tpu.vector_load_idx %arg27[%parallel_loop3A_220] : memref<2048xf32, #tpu.memory_space<vmem>>[vector<16xi32>], vector<16xf32>,
        %parallel_loop3A_223 = arith.mulf %parallel_loop3A_221, %parallel_loop3A_183 : vector<16xf32>
        %parallel_loop3A_224 = arith.mulf %parallel_loop3A_223, %parallel_loop3A_222 : vector<16xf32>
        tpu.vector_store_idx %arg19[%parallel_loop3A_217], %parallel_loop3A_224 {add = true} : memref<1024xf32, #tpu.memory_space<vmem>>[vector<16xi32>], vector<16xf32>,
        %parallel_loop3A_225 = arith.addf %parallel_loop3A_204, %parallel_loop3A_224 : vector<16xf32>
        scf.yield %parallel_loop3A_225 : vector<16xf32>
      } {sc.loop_unroll_factor = 5 : i64, sc.parallel_access}
      %reduce_sum3A_126 = arith.constant true
      %reduce_sum3A_127 = vector.broadcast %reduce_sum3A_126 : i1 to vector<16xi1>
      %reduce_sum3A_128 = tpu.scan <sum>, %parallel_loop3A_125 masked %reduce_sum3A_127 : vector<16xf32>, vector<16xi1> -> vector<16xf32>
      %reduce_sum3A_129 = vector.extract %reduce_sum3A_128[15] : f32 from vector<16xf32>
      %add3A_130 = arith.constant 1.000000e-30 : f32
      %add3A_131 = arith.addf %reduce_sum3A_129, %add3A_130 : f32
      %broadcast_in_dim3A_132 = vector.broadcast %add3A_131 : f32 to vector<16xf32>
      %div3A_133 = arith.divf %broadcast_in_dim3A_16, %broadcast_in_dim3A_132 : vector<16xf32>
      %broadcast_in_dim3A_134 = vector.broadcast %add3A_104 : i32 to vector<16xi32>
      %eq3A_135 = arith.constant 0 : i32
      %eq3A_136 = vector.broadcast %eq3A_135 : i32 to vector<16xi32>
      %eq3A_137 = arith.cmpi eq, %iota3A, %eq3A_136 : vector<16xi32>
      tpu.vector_store_idx %arg28[%broadcast_in_dim3A_134], %broadcast_in_dim3A_132 masked %eq3A_137 : memref<128xf32, #tpu.memory_space<vmem>>[vector<16xi32>], vector<16xf32>, vector<16xi1>
      %eq3A_138 = arith.constant 99 : i32
      %eq3A_139 = arith.cmpi eq, %add3A_104, %eq3A_138 : i32
      %convert_element_type3A_140 = arith.extui %eq3A_139 : i1 to i32
      %cond3A_141 = arith.constant 0 : i32
      %cond3A_142 = arith.cmpi ne, %convert_element_type3A_140, %cond3A_141 : i32
      scf.if %cond3A_142 {
        %scan3A_170 = arith.constant 0 : i32
        %scan3A_171 = arith.constant 64 : i32
        %scan3A_172 = arith.addi %scan3A_170, %scan3A_171 : i32
        %scan3A_173 = arith.constant 1 : i32
        %scan3A_174 = scf.for %scan3A_190 = %scan3A_170 to %scan3A_172 step %scan3A_173 iter_args(%scan3A_191 = %broadcast_in_dim3A_14) -> (vector<16xf32>)  : i32 {
          %mul3A_192 = arith.constant 16 : i32
          %mul3A_193 = arith.muli %scan3A_190, %mul3A_192 : i32
          %get3A = arith.index_cast %mul3A_193 : i32 to index
          %get3A_194 = tpu.vector_load %arg19[%get3A] {strides = array<i32>} : memref<1024xf32, #tpu.memory_space<vmem>>, vector<16xf32>,
          %get3A_195 = arith.index_cast %mul3A_193 : i32 to index
          %get3A_196 = tpu.vector_load %arg18[%get3A_195] {strides = array<i32>} : memref<1024xf32, #tpu.memory_space<vmem>>, vector<16xf32>,
          %mul3A_197 = arith.mulf %get3A_194, %get3A_196 : vector<16xf32>
          %add3A_198 = arith.addf %scan3A_191, %mul3A_197 : vector<16xf32>
          scf.yield %add3A_198 : vector<16xf32>
        }
        %scan3A_175 = arith.constant 64 : i32
        %reduce_sum3A_176 = arith.constant true
        %reduce_sum3A_177 = vector.broadcast %reduce_sum3A_176 : i1 to vector<16xi1>
        %reduce_sum3A_178 = tpu.scan <sum>, %scan3A_174 masked %reduce_sum3A_177 : vector<16xf32>, vector<16xi1> -> vector<16xf32>
        %reduce_sum3A_179 = vector.extract %reduce_sum3A_178[15] : f32 from vector<16xf32>
        %broadcast_in_dim3A_180 = vector.broadcast %reduce_sum3A_179 : f32 to vector<16xf32>
        %mul3A_181 = arith.mulf %broadcast_in_dim3A_180, %div3A_133 : vector<16xf32>
        %add3A_182 = arith.constant 1.000000e-30 : f32
        %add3A_183 = vector.broadcast %add3A_182 : f32 to vector<16xf32>
        %add3A_184 = arith.addf %mul3A_181, %add3A_183 : vector<16xf32>
        %broadcast_in_dim3A_185 = arith.constant 127 : i32
        %broadcast_in_dim3A_186 = vector.broadcast %broadcast_in_dim3A_185 : i32 to vector<16xi32>
        %eq3A_187 = arith.constant 0 : i32
        %eq3A_188 = vector.broadcast %eq3A_187 : i32 to vector<16xi32>
        %eq3A_189 = arith.cmpi eq, %iota3A, %eq3A_188 : vector<16xi32>
        tpu.vector_store_idx %arg28[%broadcast_in_dim3A_186], %add3A_184 masked %eq3A_189 : memref<128xf32, #tpu.memory_space<vmem>>[vector<16xi32>], vector<16xf32>, vector<16xi1>
      } else {
      }
      %parallel_loop3A_143 = arith.constant 0 : i32
      %parallel_loop3A_144 = arith.constant 1024 : i32
      %parallel_loop3A_145 = arith.constant 16 : i32
      scf.for %parallel_loop3A_170 = %parallel_loop3A_143 to %parallel_loop3A_144 step %parallel_loop3A_145  : i32 {
        %parallel_loop3A_171 = arith.index_cast %parallel_loop3A_170 : i32 to index
        %parallel_loop3A_172 = tpu.vector_load %arg19[%parallel_loop3A_171] {strides = array<i32>} : memref<1024xf32, #tpu.memory_space<vmem>>, vector<16xf32>,
        %parallel_loop3A_173 = arith.mulf %parallel_loop3A_172, %div3A_133 : vector<16xf32>
        %parallel_loop3A_174 = arith.index_cast %parallel_loop3A_170 : i32 to index
        %parallel_loop3A_175 = tpu.vector_load %arg17[%parallel_loop3A_174] {strides = array<i32>} : memref<1024xf32, #tpu.memory_space<vmem>>, vector<16xf32>,
        %parallel_loop3A_176 = arith.constant 9.99999974E-6 : f32
        %parallel_loop3A_177 = vector.broadcast %parallel_loop3A_176 : f32 to vector<16xf32>
        %parallel_loop3A_178 = arith.mulf %parallel_loop3A_175, %parallel_loop3A_177 : vector<16xf32>
        %parallel_loop3A_179 = arith.addf %parallel_loop3A_173, %parallel_loop3A_178 : vector<16xf32>
        %parallel_loop3A_180 = arith.index_cast %parallel_loop3A_170 : i32 to index
        %parallel_loop3A_181 = tpu.vector_load %arg20[%parallel_loop3A_180] {strides = array<i32>} : memref<1024xf32, #tpu.memory_space<vmem>>, vector<16xf32>,
        tpu.vector_store %arg20[%parallel_loop3A_180], %parallel_loop3A_179 {strides = array<i32>} : memref<1024xf32, #tpu.memory_space<vmem>>, vector<16xf32>,
        %parallel_loop3A_182 = arith.index_cast %parallel_loop3A_170 : i32 to index
        %parallel_loop3A_183 = tpu.vector_load %arg19[%parallel_loop3A_182] {strides = array<i32>} : memref<1024xf32, #tpu.memory_space<vmem>>, vector<16xf32>,
        tpu.vector_store %arg19[%parallel_loop3A_182], %broadcast_in_dim3A_14 {strides = array<i32>} : memref<1024xf32, #tpu.memory_space<vmem>>, vector<16xf32>,
      } {sc.loop_unroll_factor = 8 : i64, sc.parallel_access}
      %parallel_loop3A_146 = arith.constant 0 : i32
      %parallel_loop3A_147 = arith.constant 1024 : i32
      %parallel_loop3A_148 = arith.constant 32 : i32
      %parallel_loop3A_149 = scf.for %parallel_loop3A_170 = %parallel_loop3A_146 to %parallel_loop3A_147 step %parallel_loop3A_148 iter_args(%parallel_loop3A_171 = %broadcast_in_dim3A_14) -> (vector<16xf32>)  : i32 {
        %parallel_loop3A_172 = arith.constant 1 : i32
        %parallel_loop3A_173 = arith.shrui %parallel_loop3A_170, %parallel_loop3A_172 : i32
        %parallel_loop3A_174 = arith.index_cast %parallel_loop3A_173 : i32 to index
        %parallel_loop3A_175 = tpu.vector_load %arg16[%parallel_loop3A_174] {strides = array<i32>} : memref<512xi32, #tpu.memory_space<vmem>>, vector<16xi32>,
        %parallel_loop3A_176 = arith.constant 16 : i32
        %parallel_loop3A_177 = vector.broadcast %parallel_loop3A_176 : i32 to vector<16xi32>
        %parallel_loop3A_178 = arith.shli %parallel_loop3A_175, %parallel_loop3A_177 : vector<16xi32>
        %parallel_loop3A_179 = vector.bitcast %parallel_loop3A_178 : vector<16xi32> to vector<16xf32>
        %parallel_loop3A_180 = arith.constant -65536 : i32
        %parallel_loop3A_181 = vector.broadcast %parallel_loop3A_180 : i32 to vector<16xi32>
        %parallel_loop3A_182 = arith.andi %parallel_loop3A_175, %parallel_loop3A_181 : vector<16xi32>
        %parallel_loop3A_183 = vector.bitcast %parallel_loop3A_182 : vector<16xi32> to vector<16xf32>
        %parallel_loop3A_184 = arith.constant 0 : i32
        %parallel_loop3A_185 = arith.addi %parallel_loop3A_170, %parallel_loop3A_184 : i32
        %parallel_loop3A_186 = arith.index_cast %parallel_loop3A_185 : i32 to index
        %parallel_loop3A_187 = tpu.vector_load %arg15[%parallel_loop3A_186] {strides = array<i32>} : memref<1024xi32, #tpu.memory_space<vmem>>, vector<16xi32>,
        %parallel_loop3A_188 = arith.constant 1023 : i32
        %parallel_loop3A_189 = vector.broadcast %parallel_loop3A_188 : i32 to vector<16xi32>
        %parallel_loop3A_190 = arith.andi %parallel_loop3A_187, %parallel_loop3A_189 : vector<16xi32>
        %parallel_loop3A_191 = arith.constant 10 : i32
        %parallel_loop3A_192 = vector.broadcast %parallel_loop3A_191 : i32 to vector<16xi32>
        %parallel_loop3A_193 = arith.shrui %parallel_loop3A_187, %parallel_loop3A_192 : vector<16xi32>
        %parallel_loop3A_194 = arith.constant 1023 : i32
        %parallel_loop3A_195 = vector.broadcast %parallel_loop3A_194 : i32 to vector<16xi32>
        %parallel_loop3A_196 = arith.andi %parallel_loop3A_193, %parallel_loop3A_195 : vector<16xi32>
        %parallel_loop3A_197 = arith.constant 21 : i32
        %parallel_loop3A_198 = vector.broadcast %parallel_loop3A_197 : i32 to vector<16xi32>
        %parallel_loop3A_199 = arith.shrui %parallel_loop3A_187, %parallel_loop3A_198 : vector<16xi32>
        %parallel_loop3A_200 = tpu.vector_load_idx %arg24[%parallel_loop3A_190] : memref<256xf32, #tpu.memory_space<vmem>>[vector<16xi32>], vector<16xf32>,
        %parallel_loop3A_201 = tpu.vector_load_idx %arg27[%parallel_loop3A_199] : memref<2048xf32, #tpu.memory_space<vmem>>[vector<16xi32>], vector<16xf32>,
        %parallel_loop3A_202 = arith.mulf %parallel_loop3A_200, %parallel_loop3A_179 : vector<16xf32>
        %parallel_loop3A_203 = arith.mulf %parallel_loop3A_202, %parallel_loop3A_201 : vector<16xf32>
        tpu.vector_store_idx %arg23[%parallel_loop3A_196], %parallel_loop3A_203 {add = true} : memref<256xf32, #tpu.memory_space<vmem>>[vector<16xi32>], vector<16xf32>,
        %parallel_loop3A_204 = arith.addf %parallel_loop3A_171, %parallel_loop3A_203 : vector<16xf32>
        %parallel_loop3A_205 = arith.constant 16 : i32
        %parallel_loop3A_206 = arith.addi %parallel_loop3A_170, %parallel_loop3A_205 : i32
        %parallel_loop3A_207 = arith.index_cast %parallel_loop3A_206 : i32 to index
        %parallel_loop3A_208 = tpu.vector_load %arg15[%parallel_loop3A_207] {strides = array<i32>} : memref<1024xi32, #tpu.memory_space<vmem>>, vector<16xi32>,
        %parallel_loop3A_209 = arith.constant 1023 : i32
        %parallel_loop3A_210 = vector.broadcast %parallel_loop3A_209 : i32 to vector<16xi32>
        %parallel_loop3A_211 = arith.andi %parallel_loop3A_208, %parallel_loop3A_210 : vector<16xi32>
        %parallel_loop3A_212 = arith.constant 10 : i32
        %parallel_loop3A_213 = vector.broadcast %parallel_loop3A_212 : i32 to vector<16xi32>
        %parallel_loop3A_214 = arith.shrui %parallel_loop3A_208, %parallel_loop3A_213 : vector<16xi32>
        %parallel_loop3A_215 = arith.constant 1023 : i32
        %parallel_loop3A_216 = vector.broadcast %parallel_loop3A_215 : i32 to vector<16xi32>
        %parallel_loop3A_217 = arith.andi %parallel_loop3A_214, %parallel_loop3A_216 : vector<16xi32>
        %parallel_loop3A_218 = arith.constant 21 : i32
        %parallel_loop3A_219 = vector.broadcast %parallel_loop3A_218 : i32 to vector<16xi32>
        %parallel_loop3A_220 = arith.shrui %parallel_loop3A_208, %parallel_loop3A_219 : vector<16xi32>
        %parallel_loop3A_221 = tpu.vector_load_idx %arg24[%parallel_loop3A_211] : memref<256xf32, #tpu.memory_space<vmem>>[vector<16xi32>], vector<16xf32>,
        %parallel_loop3A_222 = tpu.vector_load_idx %arg27[%parallel_loop3A_220] : memref<2048xf32, #tpu.memory_space<vmem>>[vector<16xi32>], vector<16xf32>,
        %parallel_loop3A_223 = arith.mulf %parallel_loop3A_221, %parallel_loop3A_183 : vector<16xf32>
        %parallel_loop3A_224 = arith.mulf %parallel_loop3A_223, %parallel_loop3A_222 : vector<16xf32>
        tpu.vector_store_idx %arg23[%parallel_loop3A_217], %parallel_loop3A_224 {add = true} : memref<256xf32, #tpu.memory_space<vmem>>[vector<16xi32>], vector<16xf32>,
        %parallel_loop3A_225 = arith.addf %parallel_loop3A_204, %parallel_loop3A_224 : vector<16xf32>
        scf.yield %parallel_loop3A_225 : vector<16xf32>
      } {sc.loop_unroll_factor = 8 : i64, sc.parallel_access}
      %reduce_sum3A_150 = arith.constant true
      %reduce_sum3A_151 = vector.broadcast %reduce_sum3A_150 : i1 to vector<16xi1>
      %reduce_sum3A_152 = tpu.scan <sum>, %parallel_loop3A_149 masked %reduce_sum3A_151 : vector<16xf32>, vector<16xi1> -> vector<16xf32>
      %reduce_sum3A_153 = vector.extract %reduce_sum3A_152[15] : f32 from vector<16xf32>
      %add3A_154 = arith.constant 1.000000e-30 : f32
      %add3A_155 = arith.addf %reduce_sum3A_153, %add3A_154 : f32
      %broadcast_in_dim3A_156 = vector.broadcast %add3A_155 : f32 to vector<16xf32>
      %div3A_157 = arith.divf %broadcast_in_dim3A_16, %broadcast_in_dim3A_156 : vector<16xf32>
      %broadcast_in_dim3A_158 = vector.broadcast %add3A_104 : i32 to vector<16xi32>
      %eq3A_159 = arith.constant 0 : i32
      %eq3A_160 = vector.broadcast %eq3A_159 : i32 to vector<16xi32>
      %eq3A_161 = arith.cmpi eq, %iota3A, %eq3A_160 : vector<16xi32>
      tpu.vector_store_idx %arg29[%broadcast_in_dim3A_158], %broadcast_in_dim3A_156 masked %eq3A_161 : memref<128xf32, #tpu.memory_space<vmem>>[vector<16xi32>], vector<16xf32>, vector<16xi1>
      %eq3A_162 = arith.constant 99 : i32
      %eq3A_163 = arith.cmpi eq, %add3A_104, %eq3A_162 : i32
      %convert_element_type3A_164 = arith.extui %eq3A_163 : i1 to i32
      %cond3A_165 = arith.constant 0 : i32
      %cond3A_166 = arith.cmpi ne, %convert_element_type3A_164, %cond3A_165 : i32
      scf.if %cond3A_166 {
        %scan3A_170 = arith.constant 0 : i32
        %scan3A_171 = arith.constant 16 : i32
        %scan3A_172 = arith.addi %scan3A_170, %scan3A_171 : i32
        %scan3A_173 = arith.constant 1 : i32
        %scan3A_174 = scf.for %scan3A_190 = %scan3A_170 to %scan3A_172 step %scan3A_173 iter_args(%scan3A_191 = %broadcast_in_dim3A_14) -> (vector<16xf32>)  : i32 {
          %mul3A_192 = arith.constant 16 : i32
          %mul3A_193 = arith.muli %scan3A_190, %mul3A_192 : i32
          %get3A = arith.index_cast %mul3A_193 : i32 to index
          %get3A_194 = tpu.vector_load %arg23[%get3A] {strides = array<i32>} : memref<256xf32, #tpu.memory_space<vmem>>, vector<16xf32>,
          %get3A_195 = arith.index_cast %mul3A_193 : i32 to index
          %get3A_196 = tpu.vector_load %arg22[%get3A_195] {strides = array<i32>} : memref<256xf32, #tpu.memory_space<vmem>>, vector<16xf32>,
          %mul3A_197 = arith.mulf %get3A_194, %get3A_196 : vector<16xf32>
          %add3A_198 = arith.addf %scan3A_191, %mul3A_197 : vector<16xf32>
          scf.yield %add3A_198 : vector<16xf32>
        }
        %scan3A_175 = arith.constant 16 : i32
        %reduce_sum3A_176 = arith.constant true
        %reduce_sum3A_177 = vector.broadcast %reduce_sum3A_176 : i1 to vector<16xi1>
        %reduce_sum3A_178 = tpu.scan <sum>, %scan3A_174 masked %reduce_sum3A_177 : vector<16xf32>, vector<16xi1> -> vector<16xf32>
        %reduce_sum3A_179 = vector.extract %reduce_sum3A_178[15] : f32 from vector<16xf32>
        %broadcast_in_dim3A_180 = vector.broadcast %reduce_sum3A_179 : f32 to vector<16xf32>
        %mul3A_181 = arith.mulf %broadcast_in_dim3A_180, %div3A_157 : vector<16xf32>
        %add3A_182 = arith.constant 1.000000e-30 : f32
        %add3A_183 = vector.broadcast %add3A_182 : f32 to vector<16xf32>
        %add3A_184 = arith.addf %mul3A_181, %add3A_183 : vector<16xf32>
        %broadcast_in_dim3A_185 = arith.constant 127 : i32
        %broadcast_in_dim3A_186 = vector.broadcast %broadcast_in_dim3A_185 : i32 to vector<16xi32>
        %eq3A_187 = arith.constant 0 : i32
        %eq3A_188 = vector.broadcast %eq3A_187 : i32 to vector<16xi32>
        %eq3A_189 = arith.cmpi eq, %iota3A, %eq3A_188 : vector<16xi32>
        tpu.vector_store_idx %arg29[%broadcast_in_dim3A_186], %add3A_184 masked %eq3A_189 : memref<128xf32, #tpu.memory_space<vmem>>[vector<16xi32>], vector<16xf32>, vector<16xi1>
      } else {
      }
      %parallel_loop3A_167 = arith.constant 0 : i32
      %parallel_loop3A_168 = arith.constant 256 : i32
      %parallel_loop3A_169 = arith.constant 16 : i32
      scf.for %parallel_loop3A_170 = %parallel_loop3A_167 to %parallel_loop3A_168 step %parallel_loop3A_169  : i32 {
        %parallel_loop3A_171 = arith.index_cast %parallel_loop3A_170 : i32 to index
        %parallel_loop3A_172 = tpu.vector_load %arg23[%parallel_loop3A_171] {strides = array<i32>} : memref<256xf32, #tpu.memory_space<vmem>>, vector<16xf32>,
        %parallel_loop3A_173 = arith.mulf %parallel_loop3A_172, %div3A_157 : vector<16xf32>
        %parallel_loop3A_174 = arith.index_cast %parallel_loop3A_170 : i32 to index
        %parallel_loop3A_175 = tpu.vector_load %arg21[%parallel_loop3A_174] {strides = array<i32>} : memref<256xf32, #tpu.memory_space<vmem>>, vector<16xf32>,
        %parallel_loop3A_176 = arith.constant 9.99999974E-6 : f32
        %parallel_loop3A_177 = vector.broadcast %parallel_loop3A_176 : f32 to vector<16xf32>
        %parallel_loop3A_178 = arith.mulf %parallel_loop3A_175, %parallel_loop3A_177 : vector<16xf32>
        %parallel_loop3A_179 = arith.addf %parallel_loop3A_173, %parallel_loop3A_178 : vector<16xf32>
        %parallel_loop3A_180 = arith.index_cast %parallel_loop3A_170 : i32 to index
        %parallel_loop3A_181 = tpu.vector_load %arg24[%parallel_loop3A_180] {strides = array<i32>} : memref<256xf32, #tpu.memory_space<vmem>>, vector<16xf32>,
        tpu.vector_store %arg24[%parallel_loop3A_180], %parallel_loop3A_179 {strides = array<i32>} : memref<256xf32, #tpu.memory_space<vmem>>, vector<16xf32>,
        %parallel_loop3A_182 = arith.index_cast %parallel_loop3A_170 : i32 to index
        %parallel_loop3A_183 = tpu.vector_load %arg23[%parallel_loop3A_182] {strides = array<i32>} : memref<256xf32, #tpu.memory_space<vmem>>, vector<16xf32>,
        tpu.vector_store %arg23[%parallel_loop3A_182], %broadcast_in_dim3A_14 {strides = array<i32>} : memref<256xf32, #tpu.memory_space<vmem>>, vector<16xf32>,
      } {sc.loop_unroll_factor = 8 : i64, sc.parallel_access}
    }
    %scan3A_42 = arith.constant 50 : i32
    "tpu.region"() ({
      %run_scoped3A = tpu.sem_alloc : memref<!tpu.dma_semaphore, #tpu.memory_space<semaphore_mem>>
      %dma_start3A_43 = arith.constant 0 : i32
      %dma_start3A_44 = tpu.memref_slice %arg11[%add3A, %dma_start3A_43] : memref<32x128xf32, #tpu.memory_space<hbm>> -> memref<1x128xf32, #tpu.memory_space<hbm>>
      %dma_start3A_45 = tpu.memref_squeeze %dma_start3A_44 : memref<1x128xf32, #tpu.memory_space<hbm>> -> memref<128xf32, #tpu.memory_space<hbm>>
      %dma_start3A_46 = arith.constant 0 : i32
      %dma_start3A_47 = tpu.memref_slice %arg11[%add3A, %dma_start3A_46] : memref<32x128xf32, #tpu.memory_space<hbm>> -> memref<1x128xf32, #tpu.memory_space<hbm>>
      %dma_start3A_48 = tpu.memref_squeeze %dma_start3A_47 : memref<1x128xf32, #tpu.memory_space<hbm>> -> memref<128xf32, #tpu.memory_space<hbm>>
      tpu.enqueue_dma source(%arg28 : memref<128xf32, #tpu.memory_space<vmem>>) target(%dma_start3A_48 : memref<128xf32, #tpu.memory_space<hbm>>) target_semaphore(%run_scoped3A : memref<!tpu.dma_semaphore, #tpu.memory_space<semaphore_mem>>)
      %dma_wait3A = arith.constant 0 : i32
      %dma_wait3A_49 = tpu.memref_slice %arg11[%add3A, %dma_wait3A] : memref<32x128xf32, #tpu.memory_space<hbm>> -> memref<1x128xf32, #tpu.memory_space<hbm>>
      %dma_wait3A_50 = tpu.memref_squeeze %dma_wait3A_49 : memref<1x128xf32, #tpu.memory_space<hbm>> -> memref<128xf32, #tpu.memory_space<hbm>>
      %dma_wait3A_51 = arith.constant 0 : i32
      %dma_wait3A_52 = tpu.memref_slice %arg11[%add3A, %dma_wait3A_51] : memref<32x128xf32, #tpu.memory_space<hbm>> -> memref<1x128xf32, #tpu.memory_space<hbm>>
      %dma_wait3A_53 = tpu.memref_squeeze %dma_wait3A_52 : memref<1x128xf32, #tpu.memory_space<hbm>> -> memref<128xf32, #tpu.memory_space<hbm>>
      tpu.wait_dma2 semaphore(%run_scoped3A : memref<!tpu.dma_semaphore, #tpu.memory_space<semaphore_mem>>) src(%arg28 : memref<128xf32, #tpu.memory_space<vmem>>) dst(%dma_wait3A_53 : memref<128xf32, #tpu.memory_space<hbm>>)
      tpu.yield
    }) : () -> ()
    "tpu.region"() ({
      %run_scoped3A = tpu.sem_alloc : memref<!tpu.dma_semaphore, #tpu.memory_space<semaphore_mem>>
      %dma_start3A_43 = arith.constant 0 : i32
      %dma_start3A_44 = tpu.memref_slice %arg12[%add3A, %dma_start3A_43] : memref<32x128xf32, #tpu.memory_space<hbm>> -> memref<1x128xf32, #tpu.memory_space<hbm>>
      %dma_start3A_45 = tpu.memref_squeeze %dma_start3A_44 : memref<1x128xf32, #tpu.memory_space<hbm>> -> memref<128xf32, #tpu.memory_space<hbm>>
      %dma_start3A_46 = arith.constant 0 : i32
      %dma_start3A_47 = tpu.memref_slice %arg12[%add3A, %dma_start3A_46] : memref<32x128xf32, #tpu.memory_space<hbm>> -> memref<1x128xf32, #tpu.memory_space<hbm>>
      %dma_start3A_48 = tpu.memref_squeeze %dma_start3A_47 : memref<1x128xf32, #tpu.memory_space<hbm>> -> memref<128xf32, #tpu.memory_space<hbm>>
      tpu.enqueue_dma source(%arg29 : memref<128xf32, #tpu.memory_space<vmem>>) target(%dma_start3A_48 : memref<128xf32, #tpu.memory_space<hbm>>) target_semaphore(%run_scoped3A : memref<!tpu.dma_semaphore, #tpu.memory_space<semaphore_mem>>)
      %dma_wait3A = arith.constant 0 : i32
      %dma_wait3A_49 = tpu.memref_slice %arg12[%add3A, %dma_wait3A] : memref<32x128xf32, #tpu.memory_space<hbm>> -> memref<1x128xf32, #tpu.memory_space<hbm>>
      %dma_wait3A_50 = tpu.memref_squeeze %dma_wait3A_49 : memref<1x128xf32, #tpu.memory_space<hbm>> -> memref<128xf32, #tpu.memory_space<hbm>>
      %dma_wait3A_51 = arith.constant 0 : i32
      %dma_wait3A_52 = tpu.memref_slice %arg12[%add3A, %dma_wait3A_51] : memref<32x128xf32, #tpu.memory_space<hbm>> -> memref<1x128xf32, #tpu.memory_space<hbm>>
      %dma_wait3A_53 = tpu.memref_squeeze %dma_wait3A_52 : memref<1x128xf32, #tpu.memory_space<hbm>> -> memref<128xf32, #tpu.memory_space<hbm>>
      tpu.wait_dma2 semaphore(%run_scoped3A : memref<!tpu.dma_semaphore, #tpu.memory_space<semaphore_mem>>) src(%arg29 : memref<128xf32, #tpu.memory_space<vmem>>) dst(%dma_wait3A_53 : memref<128xf32, #tpu.memory_space<hbm>>)
      tpu.yield
    }) : () -> ()
    return
  }
}

module attributes {stable_mosaic.version = 14 : i64} {
  func.func @_fin_body(%arg0: memref<32x128xf32, #tpu.memory_space<vmem>>, %arg1: memref<32x128xf32, #tpu.memory_space<vmem>>, %arg2: memref<1x1xf32, #tpu.memory_space<smem>>) attributes {dimension_semantics = [], scalar_prefetch = 0 : i64, scratch_operands = 0 : i64, tpu.core_type = #tpu.core_type<tc>} {
    %get3A = arith.constant 0 : index
    %get3A_0 = arith.constant 0 : index
    %get3A_1 = vector.load %arg0[%get3A, %get3A_0] : memref<32x128xf32, #tpu.memory_space<vmem>>, vector<32x128xf32>
    %log3A = math.log %get3A_1 : vector<32x128xf32>
    %reduce_sum3A = vector.shape_cast %log3A : vector<32x128xf32> to vector<1x32x128xf32>
    %reduce_sum3A_2 = arith.constant dense<0.000000e+00> : vector<1xf32>
    %reduce_sum3A_3 = vector.multi_reduction <add>, %reduce_sum3A, %reduce_sum3A_2 [1, 2] : vector<1x32x128xf32> to vector<1xf32>
    %reduce_sum3A_4 = vector.shape_cast %reduce_sum3A_3 : vector<1xf32> to vector<1x1x1xf32>
    %reduce_sum3A_5 = vector.extract %reduce_sum3A_4[0, 0, 0] : f32 from vector<1x1x1xf32>
    %get3A_6 = arith.constant 0 : index
    %get3A_7 = arith.constant 0 : index
    %get3A_8 = vector.load %arg1[%get3A_6, %get3A_7] : memref<32x128xf32, #tpu.memory_space<vmem>>, vector<32x128xf32>
    %log3A_9 = math.log %get3A_8 : vector<32x128xf32>
    %reduce_sum3A_10 = vector.shape_cast %log3A_9 : vector<32x128xf32> to vector<1x32x128xf32>
    %reduce_sum3A_11 = arith.constant dense<0.000000e+00> : vector<1xf32>
    %reduce_sum3A_12 = vector.multi_reduction <add>, %reduce_sum3A_10, %reduce_sum3A_11 [1, 2] : vector<1x32x128xf32> to vector<1xf32>
    %reduce_sum3A_13 = vector.shape_cast %reduce_sum3A_12 : vector<1xf32> to vector<1x1x1xf32>
    %reduce_sum3A_14 = vector.extract %reduce_sum3A_13[0, 0, 0] : f32 from vector<1x1x1xf32>
    %sub3A = arith.subf %reduce_sum3A_5, %reduce_sum3A_14 : f32
    %div3A = arith.constant 3.200000e+03 : f32
    %div3A_15 = arith.divf %sub3A, %div3A : f32
    %swap3A = arith.constant 0 : index
    %swap3A_16 = arith.constant 0 : index
    %swap3A_17 = memref.load %arg2[%swap3A, %swap3A_16] : memref<1x1xf32, #tpu.memory_space<smem>>
    memref.store %div3A_15, %arg2[%swap3A, %swap3A_16] : memref<1x1xf32, #tpu.memory_space<smem>>
    return
  }
}

</mosaic_0001>

<sc_bundles>
// kernel: kernel.4.cloned.1.call-start
scs
__scs_entry_jumppad:
0x0: {  	(pc) =	sbr.rel $0x88, $3  }
0x1: {  	(tag) =	ssettag $0x0;
	lr =	simm.s32 $0x1  }
0x2: {  	[smem:$0x3F94] =	sst lr;
	_ =	strace $0xD0000000  }
0x3: {  	_ = 	snop  }
0x4: {  	_ = 	snop  }
0x5: {  	_ = 	snop  }
0x6: {  	_ = 	snop  }
0x7: {  	_ = 	snop  }
__scs_overlays_trampoline_lowered:
0x8: {  	[smem:$0x3FA3] =	sst s0  }
0x9: {  	[smem:$0x3FA4] =	sst s1  }
0xa: {  	[smem:$0x3FA5] =	sst s2  }
0xb: {  	[smem:$0x3FA6] =	sst s3  }
0xc: {  	[smem:$0x3FA7] =	sst s4  }
0xd: {  	[smem:$0x3FA8] =	sst s5  }
0xe: {  	[smem:$0x3FA9] =	sst s6  }
0xf: {  	[smem:$0x3FAA] =	sst s7  }
0x10: {  	[smem:$0x3FAB] =	sst s8  }
0x11: {  	[smem:$0x3FAC] =	sst s9;
	s0 =	simm.s32 @!p0 $0x0  }
0x12: {  	s1 =	sld [smem:$0x3F92];
	s0 =	simm.s32 @p0 $0x1  }
0x13: {  	[smem:$0x3FAD] =	sst s0;
	s0 =	simm.s32 @!p1 $0x0  }
0x14: {  	s2 =	sld [smem:$0x3F91];
	s0 =	simm.s32 @p1 $0x1  }
0x15: {  	[smem:$0x3FAE] =	sst s0;
	s0 =	simm.s32 @!p2 $0x0  }
0x16: {  	s3 =	sld [smem:$0x3FDB];
	s0 =	simm.s32 @p2 $0x1  }
0x17: {  	s4 =	simm.s32 $0x1BF5;
	[smem:$0x3FB0] =	sst s0  }
0x18: {  	s0 =	sld [smem:$0x3F93];
	_ =	swait.ge [sflag:s4], $0x0  }
0x19: {  	s7 =	sld [smem:$0x3F94]  }
0x1a: {  	s8 =	sadd.s32 $0xFFFFE003, lr  }
0x1b: {  	s9 =	sadd.s32 $0xFFFFFEF7, lr;
	s5 =	simm.s32 $0xFFFFFFFF;
	p2 =	slt.u32 s8, $0xFFFFF086  }
0x1c: {  	p1 =	slt.u32 s9, $0xF7A;
	s5 =	simm.s32 @!p2 $0x0  }
0x1d: {  	s5 =	simm.s32 @p1 $0x1;
	p0 =	seq.s32 s7, s2  }
0x1e: {  	s7 =	smul.u32 @!p0 $0xF7A, s2;
	p2 =	seq.s32 @!p0 s5, $0x0  }
0x1f: {  	s9 =	smul.u32 $0xF7A, s1;
	s8 =	simm.s32 @!p0 $0x1BF5;
	p2 =	por !p2, p0  }
0x20: {  	[sflag:s8] =	ssyncset.s32 @!p0 $0xFFFFF086;
	s6 =	sadd.s32 @!p0 s3, s7;
	s7 =	simm.s32 @!p0 $0x108  }
0x21: {  	s3 =	sadd.s32 s3, s9;
	s6 =	sadd.s32 @!p0 $0x88, s6;
	s7 =	simm.s32 @p2 $0x1082  }
0x22: {  	[simem:s7], [sflag:s8] =	dma.local @!p0 [hbm:s6], $0xF7A  }
0x23: {  	s9 =	sor.u32 $0xD0000000, s2;
	s6 =	simm.s32 $0x108;
	_ =	swait.ge @!p0 [sflag:s8], $0x0  }
0x24: {  	s3 =	sadd.s32 $0x88, s3;
	s6 =	simm.s32 @!p1 $0x1082;
	[sflag:s4] =	ssyncset.s32 $0xFFFFF086  }
0x25: {  	[simem:s6], [sflag:s4] =	dma.local [hbm:s3], $0xF7A  }
0x26: {  	[smem:$0x3F94] =	sst s1;
	(tag) =	ssettag s2;
	_ =	strace s9  }
0x27: {  	s1 =	sld [smem:$0x3FA4]  }
0x28: {  	s2 =	sld [smem:$0x3FA5]  }
0x29: {  	s4 =	sld [smem:$0x3FA7]  }
0x2a: {  	p0 =	seq.s32 s5, $0x0;
	s5 =	sld [smem:$0x3FA8]  }
0x2b: {  	s6 =	sld [smem:$0x3FA9]  }
0x2c: {  	s7 =	sld [smem:$0x3FAA]  }
0x2d: {  	s3 =	simm.s32 $0x108;
	s8 =	sld [smem:$0x3FAB]  }
0x2e: {  	s3 =	simm.s32 @!p0 $0x1082;
	s9 =	sld [smem:$0x3FAC]  }
0x2f: {  	lr =	sadd.s32 s0, s3;
	s0 =	sld [smem:$0x3FA3]  }
0x30: {  	s3 =	sld [smem:$0x3FA6]  }
0x31: {  	[smem:$0x3FAF] =	sst s10  }
0x32: {  	s10 =	sld [smem:$0x3FAD];
	_ =	sdelay $0x3  }
0x33: {  	p0 =	seq.s32 s10, $0x1;
	s10 =	sld [smem:$0x3FAF];
	_ =	sdelay $0x3  }
0x34: {  	[smem:$0x3FAF] =	sst s10  }
0x35: {  	s10 =	sld [smem:$0x3FAE];
	_ =	sdelay $0x3  }
0x36: {  	p1 =	seq.s32 s10, $0x1;
	s10 =	sld [smem:$0x3FAF];
	_ =	sdelay $0x3  }
0x37: {  	[smem:$0x3FAF] =	sst s10  }
0x38: {  	s10 =	sld [smem:$0x3FB0]  }
0x39: {  	_ = 	snop;
	(pc) =	sbr.ind lr, $3  }
0x3a: {  	_ = 	snop  }
0x3b: {  	_ = 	snop  }
0x3c: {  	p2 =	seq.s32 s10, $0x1;
	s10 =	sld [smem:$0x3FAF]  }
0x3d: {  	_ =	shalt  }
0x3e: {  	_ =	shalt  }
0x3f: {  	_ =	shalt  }
0x40: {  	_ =	shalt  }
0x41: {  	_ =	shalt  }
0x42: {  	_ =	shalt  }
0x43: {  	_ =	shalt  }
0x44: {  	_ =	shalt  }
0x45: {  	_ =	shalt  }
0x46: {  	_ =	shalt  }
0x47: {  	_ =	shalt  }
0x48: {  	_ =	shalt  }
0x49: {  	_ =	shalt  }
0x4a: {  	_ =	shalt  }
0x4b: {  	_ =	shalt  }
0x4c: {  	_ =	shalt  }
0x4d: {  	_ =	shalt  }
0x4e: {  	_ =	shalt  }
0x4f: {  	_ =	shalt  }
0x50: {  	_ =	shalt  }
0x51: {  	_ =	shalt  }
0x52: {  	_ =	shalt  }
0x53: {  	_ =	shalt  }
0x54: {  	_ =	shalt  }
0x55: {  	_ =	shalt  }
0x56: {  	_ =	shalt  }
0x57: {  	_ =	shalt  }
0x58: {  	_ =	shalt  }
0x59: {  	_ =	shalt  }
0x5a: {  	_ =	shalt  }
0x5b: {  	_ =	shalt  }
0x5c: {  	_ =	shalt  }
0x5d: {  	_ =	shalt  }
0x5e: {  	_ =	shalt  }
0x5f: {  	_ =	shalt  }
0x60: {  	_ =	shalt  }
0x61: {  	_ =	shalt  }
0x62: {  	_ =	shalt  }
0x63: {  	_ =	shalt  }
0x64: {  	_ =	shalt  }
0x65: {  	_ =	shalt  }
0x66: {  	_ =	shalt  }
0x67: {  	_ =	shalt  }
0x68: {  	_ =	shalt  }
0x69: {  	_ =	shalt  }
0x6a: {  	_ =	shalt  }
0x6b: {  	_ =	shalt  }
0x6c: {  	_ =	shalt  }
0x6d: {  	_ =	shalt  }
0x6e: {  	_ =	shalt  }
0x6f: {  	_ =	shalt  }
0x70: {  	_ =	shalt  }
0x71: {  	_ =	shalt  }
0x72: {  	_ =	shalt  }
0x73: {  	_ =	shalt  }
0x74: {  	_ =	shalt  }
0x75: {  	_ =	shalt  }
0x76: {  	_ =	shalt  }
0x77: {  	_ =	shalt  }
0x78: {  	_ =	shalt  }
0x79: {  	_ =	shalt  }
0x7a: {  	_ =	shalt  }
0x7b: {  	_ =	shalt  }
0x7c: {  	_ =	shalt  }
0x7d: {  	_ =	shalt  }
0x7e: {  	_ =	shalt  }
0x7f: {  	_ =	shalt  }
0x80: {  	_ =	shalt  }
0x81: {  	_ =	shalt  }
0x82: {  	_ =	shalt  }
0x83: {  	_ =	shalt  }
0x84: {  	_ =	shalt  }
0x85: {  	_ =	shalt  }
0x86: {  	_ =	shalt  }
0x87: {  	_ =	shalt  }
.Lfunc_end0:
.L_simem_size_0:
called_computation_lowered:
.L_overlay_start_0:
0x88: {  	s2 =	sld [smem:$0x3FD9]  }
0x89: {  	s3 =	sld [smem:$0x3FFE];
	_ =	sdelay $0x1  }
0x8a: {  	s1 =	srdreg.scid  }
0x8b: {  	s0 =	sand.u32 $0x1, s1  }
0x8c: {  	s16 =	sshll.u32 s0, $0xA;
	s2 =	sadd.s32 s3, s2  }
0x8d: {  	s2 =	sadd.s32 s2, s16  }
0x8e: {  	[smem:$0x3FBB] =	sst s2  }
0x8f: {  	_ = 	snop  }
0x90: {  	(tm) =	ssettm $0x1  }
0x91: {  	s17 =	sld [smem:$0x3FFB];
	_ =	sdelay $0x3  }
0x92: {  	_ =	strace s17  }
0x93: {  	s2 =	sld [smem:$0x3FFC];
	_ =	sdelay $0x3  }
0x94: {  	_ =	strace s2  }
0x95: {  	s2 =	sld [smem:$0x3FFD];
	_ =	sdelay $0x3  }
0x96: {  	_ =	strace s2  }
0x97: {  	_ =	strace $0x8FFFFFFF  }
0x98: {  	s18 =	sld [smem:$0x3FDB];
	_ =	sdelay $0x1  }
0x99: {  	s19 =	simm.s32 $_scs_section_size  }
0x9a: {  	s4 =	simm.s32 $_size__tile_overlayer_lowered;
	s5 =	simm.s32 $_tile_overlayer_lowered  }
0x9b: {  	s22 =	simm.s32 $0x1BFF;
	s21 =	sshll.u32 s5, $0x1;
	s2 =	sadd.s32 s19, s18  }
0x9c: {  	s6 =	simm.s32 $0x0;
	s20 =	sshll.u32 s4, $0x1;
	s4 =	sadd.s32 s21, s2  }
0x9d: {  	[timem:s6], [sflag:s22] =	dma.local [hbm:s4], s20  }
0x9e: {  	_ =	swait.ge [sflag:s22], s20  }
0x9f: {  	s3 =	ssub.s32 $0x0, s20;
	[sflag:s22] =	ssyncset.done $0x0  }
0xa0: {  	[sflag:s22] =	ssyncadd.s32 s3;
	_ =	sdelay $0x1  }
0xa1: {  	s23 =	simm.s32 $0x1B8B  }
0xa2: {  	_ =	swait.ge [sflag:s23], $0x1  }
0xa3: {  	[sflag:s23] =	ssyncset.done $0x0  }
0xa4: {  	s25 =	simm.s32 $0x1B8E;
	s24 =	sld [smem:$0x3FFE];
	[sflag:s23] =	ssyncadd.s32 $0xFFFFFFFF  }
0xa5: {  	s26 =	simm.s32 $execute0_lowered;
	[smem:$0x3FD2] =	sst s25  }
0xa6: {  	s4 =	sshll.u32 s26, $0x1;
	_ =	strace $0x80000046;
	[dreg:$0x1] =	wrdreg $0xFFFFFFFF  }
0xa7: {  	s28 =	simm.s32 $_size_execute0_lowered;
	s2 =	sadd.s32 s2, s4;
	[dreg:$0x0] =	wrdreg $0x0  }
0xa8: {  	s4 =	sshll.u32 s28, $0x1;
	[dreg:$0x2] =	wrdreg s2  }
0xa9: {  	[dreg:$0x3] =	wrdreg s4  }
0xaa: {  	[dreg:$0x4] =	wrdreg $0xC0  }
0xab: {  	_ =	task [dreg:s6], $0x5FFFF  }
0xac: {  	[dreg:$0x1] =	wrdreg $0xFFFFFFFF  }
0xad: {  	[dreg:$0x0] =	wrdreg $0x60  }
0xae: {  	[dreg:$0x2] =	wrdreg s24  }
0xaf: {  	[dreg:$0x3] =	wrdreg $0x9  }
0xb0: {  	_ =	task.clear_ibuf [dreg:s6], $0x4FFFF;
	_ =	strace $0x90000046  }
0xb1: {  	s29 =	simm.s32 $0x9;
	_ =	strace $0x80000048  }
0xb2: {  	_ =	swait.ge [sflag:s29], $0x1  }
0xb3: {  	[sflag:s29] =	ssyncadd.s32 $0xFFFFFFFF  }
0xb4: {  	_ =	strace $0x90000048  }
0xb5: {  	_ =	sfence  }
0xb6: {  	s30 =	sld [smem:$0x0];
	_ =	sdelay $0x2  }
0xb7: {  	s31 =	sshll.u32 s1, $0xD;
	s1 =	sshrl.u32 s1, $0x2  }
0xb8: {  	s3 =	sand.u32 $0x4000, s31;
	s1 =	sadd.s32 s1, s30  }
0xb9: {  	s0 =	sor.u32 s3, s0;
	s1 =	sshll.u32 s1, $0x11  }
0xba: {  	s0 =	sor.u32 s1, s0  }
0xbb: {  	s0 =	sadd.s32 $0x8F2B, s0  }
0xbc: {  	[sflag:s0] =	ssyncadd.remote.s32 $0x1  }
0xbd: {  	_ =	sfence.sel $0xFFFF  }
0xbe: {  	[dreg:$0x0] =	wrdreg $0xFFFFFFFF;
	(pc) =	sbr.abs _section_cstart, $3  }
0xbf: {  	[dreg:$0x1] =	wrdreg $0xFFFFFFFF  }
0xc0: {  	_ =	task.clear_ibuf [dreg:s6], $0x2FFFF;
	_ =	strace $0x9FFFFFFF  }
0xc1: {  	(tm) =	ssettm $0x7FFFFFFF  }
tec
execute0_lowered:
.L_overlay_start_1:
0x0: {  	(tag) =	ssettag $0x1  }
0x1: {  	s0 =	rddreg [dreg:$0x0]  }
0x2: {  	s1 =	simm.s32 $0x0;
	s2 =	srdreg.scid;
	s4 =	stileid.u32  }
0x3: {  	s22 =	simm.s32 $0x3;
	s31 =	simm.s32 $0x1;
	s20 =	simm.s32 $0x8400  }
0x4: {  	s21 =	simm.s32 $0xA800;
	s28 =	simm.s32 $0x0;
	[smem:$0x7FF] =	sst s1  }
0x5: {  	s3 =	sadd.s32 $0x1E00, s0;
	s5 =	sadd.s32 $0xD2000, s0;
	s2 =	sand.u32 $0x1, s2  }
0x6: {  	s23 =	sadd.s32 $0x1800, s0;
	_ =	strace $0x80000047;
	[dreg:$0x2] =	wrdreg s5  }
0x7: {  	s4 =	sshll.u32 s4, $0x1;
	s24 =	sadd.s32 $0xD1E00, s0;
	[dreg:$0x3] =	wrdreg s23  }
0x8: {  	s25 =	sadd.s32 $0x1600, s0;
	s26 =	sadd.s32 $0x1200, s0;
	[dreg:$0x4] =	wrdreg s24  }
0x9: {  	s10 =	sadd.s32 $0x1400, s0;
	s11 =	sadd.s32 $0xE00, s0;
	[dreg:$0x5] =	wrdreg s25  }
0xa: {  	s12 =	sadd.s32 $0x1000, s0;
	s4 =	sor.u32 s2, s4;
	[dreg:$0x6] =	wrdreg s26  }
0xb: {  	s2 =	ssub.s32 $0x2, s2;
	s23 =	simm.s32 $0x8F00;
	s24 =	simm.s32 $0x8E00  }
0xc: {  	s25 =	simm.s32 $0xA880;
	s9 =	smul.u32 $0x34000, s4;
	s4 =	sshll.u32 s4, $0x4  }
0xd: {  	s26 =	simm.s32 $0x2;
	s30 =	sshrl.u32 s2, $0x1;
	s0 =	sadd.s32 s4, s0  }
0xe: {  	s2 =	ssub.s32 s2, s30;
	s29 =	sshrl.u32 s9, $0x3;
	s15 =	sadd.s32 $0xD2A00, s0  }
0xf: {  	s16 =	sadd.s32 $0xD2C00, s0;
	s17 =	smax.u32 s2, $0x1;
	s13 =	sadd.s32 s3, s29  }
0x10: {  	v0 =	vimm.f32 $0.0e+00;
	v1 =	vimm.f32 $1.000000000e+00;
	v2 =	vimm.s32 $0x7F;
	s0 =	simm.s32 $0x8800;
	s2 =	simm.s32 $0xA000;
	s14 =	sadd.s32 $0x10, s13  }
.LBB2_1:
0x11: {  	s4 =	simm.s32 $0x80;
	s5 =	simm.s32 $0x400;
	s6 =	simm.s32 $0x9000  }
0x12: {  	[tilespmem:s6], [sflag:$0x1] =	stream.strided.gather [hbm4b:s13+s4], $0x800, s5, s4, $0x38;
	[tilespmem:$0xA900] =	vst v63  }
0x13: {  	s7 =	simm.s32 $0x9800  }
0x14: {  	[tilespmem:s7], [sflag:$0x2] =	stream.strided.gather [hbm4b:s14+s4], $0x800, s5, s4, $0x38;
	[tilespmem:$0xA900] =	vst v63  }
0x15: {  	s8 =	rddreg [dreg:$0x2]  }
0x16: {  	[tilespmem:s1], [sflag:$0x3] =	stream.linear.gather [hbm4b:s8+s1], $0x4E80, $0x38;
	[tilespmem:$0xA900] =	vst v63  }
0x17: {  	_ =	swait.ge [sflag:s22], $0x4E80  }
0x18: {  	[sflag:s22] =	ssyncset.done $0x0  }
0x19: {  	s19 =	simm.s32 $0x4E80;
	s18 =	rddreg [dreg:$0x3];
	[sflag:s22] =	ssyncadd.s32 $0xFFFFB180  }
0x1a: {  	[tilespmem:s19], [sflag:$0x3] =	stream.linear.gather [hbm4b:s18+s1], $0x2780, $0x38;
	[tilespmem:$0xA900] =	vst v63  }
0x1b: {  	_ =	swait.ge [sflag:s22], $0x2780  }
0x1c: {  	[sflag:s22] =	ssyncset.done $0x0  }
0x1d: {  	s30 =	simm.s32 $0x7600;
	s29 =	rddreg [dreg:$0x4];
	[sflag:s22] =	ssyncadd.s32 $0xFFFFD880  }
0x1e: {  	[tilespmem:s30], [sflag:$0x3] =	stream.linear.gather [hbm4b:s29+s1], $0x400, $0x38;
	[tilespmem:$0xA900] =	vst v63  }
0x1f: {  	_ =	swait.ge [sflag:s22], $0x400  }
0x20: {  	[sflag:s22] =	ssyncset.done $0x0  }
0x21: {  	s7 =	simm.s32 $0x7A00;
	s6 =	rddreg [dreg:$0x5];
	[sflag:s22] =	ssyncadd.s32 $0xFFFFFC00  }
0x22: {  	[tilespmem:s7], [sflag:$0x3] =	stream.linear.gather [hbm4b:s6+s1], $0x200, $0x38;
	[tilespmem:$0xA900] =	vst v63  }
0x23: {  	_ =	swait.ge [sflag:s22], $0x200  }
0x24: {  	[sflag:s22] =	ssyncset.done $0x0  }
0x25: {  	s18 =	simm.s32 $0x7C00;
	s8 =	rddreg [dreg:$0x6];
	[sflag:s22] =	ssyncadd.s32 $0xFFFFFE00  }
0x26: {  	[tilespmem:s18], [sflag:$0x3] =	stream.linear.gather [hbm4b:s8+s1], $0x400, $0x38;
	[tilespmem:$0xA900] =	vst v63  }
0x27: {  	_ =	swait.ge [sflag:s22], $0x400  }
0x28: {  	[sflag:s22] =	ssyncset.done $0x0  }
0x29: {  	s19 =	simm.s32 $0x8000;
	[sflag:s22] =	ssyncadd.s32 $0xFFFFFC00  }
0x2a: {  	[tilespmem:s19], [sflag:$0x3] =	stream.linear.gather [hbm4b:s10+s1], $0x400, $0x38;
	[tilespmem:$0xA900] =	vst v63  }
0x2b: {  	_ =	swait.ge [sflag:s22], $0x400  }
0x2c: {  	[sflag:s22] =	ssyncset.done $0x0  }
0x2d: {  	s29 =	simm.s32 $0x8C00;
	[sflag:s22] =	ssyncadd.s32 $0xFFFFFC00  }
0x2e: {  	[tilespmem:s29], [sflag:$0x3] =	stream.linear.gather [hbm4b:s11+s1], $0x100, $0x38;
	[tilespmem:$0xA900] =	vst v63  }
0x2f: {  	_ =	swait.ge [sflag:s22], $0x100  }
0x30: {  	[sflag:s22] =	ssyncset.done $0x0  }
0x31: {  	s30 =	simm.s32 $0x8D00;
	[sflag:s22] =	ssyncadd.s32 $0xFFFFFF00  }
0x32: {  	[tilespmem:s30], [sflag:$0x3] =	stream.linear.gather [hbm4b:s12+s1], $0x100, $0x38;
	[tilespmem:$0xA900] =	vst v63  }
0x33: {  	_ =	swait.ge [sflag:s22], $0x100  }
0x34: {  	[sflag:s22] =	ssyncset.done $0x0  }
0x35: {  	s4 =	simm.s32 $0x0;
	[sflag:s22] =	ssyncadd.s32 $0xFFFFFF00  }
0x36: {  	v3 =	vld [tilespmem:s4+$0x7C00];
	_ =	sdelay $0x2  }
0x37: {  	s5 =	simm.s32 $0x40;
	[tilespmem:s4+$0x8400] =	vst v0  }
.LBB2_2:
0x38: {  	p0 =	sne.s32 s5, $0xFC0  }
.Ltmp0:
0x39: {  	s6 =	sshra.s32 s5, $0x2;
	s5 =	sadd.s32 $0x40, s5;
	v4 =	vmul.f32 $9.999999740e-06, v3;
	v5 =	vmov v3;
	(pc) =	sbr.rel @p0 .LBB2_2-.Ltmp0, $3  }
0x3a: {  	v3 =	vld [tilespmem:s6+$0x7C00];
	[tilespmem:s6+$0x8400] =	vst v0  }
0x3b: {  	v4 =	vadd.f32 v4, v5;
	_ =	sdelay $0x1  }
0x3c: {  	[tilespmem:s4+$0x8800] =	vst v4;
	s4 =	smov.u32 s6  }
0x3d: {  	_ = 	snop  }
0x3e: {  	v4 =	vmul.f32 $9.999999740e-06, v3;
	_ =	sdelay $0x1  }
0x3f: {  	v3 =	vadd.f32 v4, v3;
	_ =	sdelay $0x1  }
0x40: {  	[tilespmem:s4+$0x8800] =	vst v3;
	s4 =	simm.s32 $0x0  }
0x41: {  	v3 =	vld [tilespmem:s4+$0x8C00];
	_ =	sdelay $0x2  }
0x42: {  	s5 =	simm.s32 $0x40;
	[tilespmem:s4+$0x8E00] =	vst v0  }
.LBB2_4:
0x43: {  	p0 =	sne.s32 s5, $0x3C0  }
.Ltmp1:
0x44: {  	s6 =	sshra.s32 s5, $0x2;
	s5 =	sadd.s32 $0x40, s5;
	v4 =	vmul.f32 $9.999999740e-06, v3;
	v5 =	vmov v3;
	(pc) =	sbr.rel @p0 .LBB2_4-.Ltmp1, $3  }
0x45: {  	v3 =	vld [tilespmem:s6+$0x8C00];
	[tilespmem:s6+$0x8E00] =	vst v0  }
0x46: {  	v4 =	vadd.f32 v4, v5;
	_ =	sdelay $0x1  }
0x47: {  	[tilespmem:s4+$0x8F00] =	vst v4;
	s4 =	smov.u32 s6  }
0x48: {  	_ = 	snop  }
0x49: {  	v4 =	vmul.f32 $9.999999740e-06, v3;
	_ =	sdelay $0x1  }
0x4a: {  	v3 =	vadd.f32 v4, v3;
	_ =	sdelay $0x1  }
0x4b: {  	[tilespmem:s4+$0x8F00] =	vst v3  }
0x4c: {  	[tilespmem:$0xA800] =	vst v1  }
0x4d: {  	[tilespmem:$0xA880] =	vst v1  }
0x4e: {  	[tilespmem:$0xA810] =	vst v1  }
0x4f: {  	[tilespmem:$0xA890] =	vst v1  }
0x50: {  	[tilespmem:$0xA820] =	vst v1  }
0x51: {  	[tilespmem:$0xA8A0] =	vst v1  }
0x52: {  	[tilespmem:$0xA830] =	vst v1  }
0x53: {  	[tilespmem:$0xA8B0] =	vst v1  }
0x54: {  	[tilespmem:$0xA840] =	vst v1  }
0x55: {  	[tilespmem:$0xA8C0] =	vst v1  }
0x56: {  	[tilespmem:$0xA850] =	vst v1  }
0x57: {  	[tilespmem:$0xA8D0] =	vst v1  }
0x58: {  	[tilespmem:$0xA860] =	vst v1  }
0x59: {  	[tilespmem:$0xA8E0] =	vst v1  }
0x5a: {  	[tilespmem:$0xA870] =	vst v1  }
0x5b: {  	s29 =	simm.s32 $0x0;
	[tilespmem:$0xA8F0] =	vst v1  }
.LBB2_6:
0x5c: {  	_ =	swait.ge [sflag:s31], $0x800  }
0x5d: {  	[sflag:s31] =	ssyncset.done $0x0  }
0x5e: {  	s4 =	simm.s32 $0x9040;
	[sflag:s31] =	ssyncadd.s32 $0xFFFFF800  }
0x5f: {  	v3 =	vld [tilespmem:s4+$0xFFFFFFD0]  }
0x60: {  	v4 =	vld [tilespmem:s4+$0x30]  }
0x61: {  	v5 =	vld [tilespmem:s4+$0x20]  }
0x62: {  	v6 =	vld [tilespmem:s4+$0x0]  }
0x63: {  	v7 =	vld [tilespmem:s4+$0xFFFFFFE0]  }
0x64: {  	v8 =	vld [tilespmem:s4+$0xFFFFFFC0]  }
0x65: {  	v9 =	vld [tilespmem:s4+$0xFFFFFFF0]  }
0x66: {  	v10 =	vld [tilespmem:s4+$0x10];
	_ =	sdelay $0x1  }
0x67: {  	v3 =	vmax.f32 v3, $-3.000000000e+01;
	v5 =	vmax.f32 v5, $-3.000000000e+01  }
0x68: {  	v4 =	vmax.f32 v4, $-3.000000000e+01;
	v6 =	vmax.f32 v6, $-3.000000000e+01;
	v3 =	vmin.f32 v3, $3.000000000e+01  }
0x69: {  	v7 =	vmax.f32 v7, $-3.000000000e+01;
	v8 =	vmax.f32 v8, $-3.000000000e+01;
	v3 =	vmul.f32 $1.442695020e+00, v3  }
0x6a: {  	s5 =	simm.s32 $0x90C0;
	v9 =	vmax.f32 v9, $-3.000000000e+01;
	v10 =	vmax.f32 v10, $-3.000000000e+01;
	v4 =	vmin.f32 v4, $3.000000000e+01  }
0x6b: {  	v11 =	vld [tilespmem:s5+$0xFFFFFFD0];
	v7 =	vmin.f32 v7, $3.000000000e+01;
	v4 =	vmul.f32 $1.442695020e+00, v4;
	(erf) = vpow2.f32 v3  }
0x6c: {  	v12 =	vld [tilespmem:s5+$0x20];
	v5 =	vmin.f32 v5, $3.000000000e+01;
	v8 =	vmin.f32 v8, $3.000000000e+01;
	v13 =	vmul.f32 $1.442695020e+00, v7  }
0x6d: {  	v14 =	vld [tilespmem:s5+$0xFFFFFFE0];
	v6 =	vmin.f32 v6, $3.000000000e+01;
	v3 =	vmul.f32 $1.442695020e+00, v5;
	(erf) = vpow2.f32 v4  }
0x6e: {  	v7 =	vmin.f32 v10, $3.000000000e+01;
	v6 =	vmul.f32 $1.442695020e+00, v6;
	v5 =	vld [tilespmem:s5+$0x30];
	v4 =	vmul.f32 $1.442695020e+00, v8  }
0x6f: {  	v7 =	vmul.f32 $1.442695020e+00, v7;
	v8 =	vld [tilespmem:s5+$0x0];
	(erf) = vpow2.f32 v3;
	v3 =	vmin.f32 v9, $3.000000000e+01  }
0x70: {  	(erf) = vpow2.f32 v4;
	v9 =	vmul.f32 $1.442695020e+00, v3;
	v3 =	vld [tilespmem:s5+$0x10]  }
0x71: {  	v10 =	vmax.f32 v12, $-3.000000000e+01;
	(erf) = vpow2.f32 v7;
	v7 =	vld [tilespmem:s5+$0xFFFFFFC0]  }
0x72: {  	v4 =	vmax.f32 v11, $-3.000000000e+01;
	v11 =	vmin.f32 v10, $3.000000000e+01;
	(erf) = vpow2.f32 v6;
	v6 =	vld [tilespmem:s5+$0xFFFFFFF0]  }
0x73: {  	v4 =	vmin.f32 v4, $3.000000000e+01;
	v5 =	vmax.f32 v5, $-3.000000000e+01;
	(erf) = vpow2.f32 v9  }
0x74: {  	s4 =	simm.s32 $0xA040;
	v9 =	vmul.f32 $1.442695020e+00, v4;
	v4 =	vmax.f32 v8, $-3.000000000e+01;
	v10 =	vmin.f32 v5, $3.000000000e+01;
	v63 =	vpop (erf)  }
0x75: {  	s6 =	simm.s32 $0x80;
	s7 =	simm.s32 $0x9140;
	s5 =	simm.s32 $0xA040;
	v8 =	vmax.f32 v14, $-3.000000000e+01;
	v5 =	vmul.f32 $1.442695020e+00, v11;
	(erf) = vpow2.f32 v13;
	[tilespmem:s4+$0xFFFFFFD0] =	vst v63  }
.LBB2_7:
0x76: {  	v11 =	vld [tilespmem:s7+$0xFFFFFFD0];
	s6 =	sadd.s32 $0x80, s6;
	v7 =	vmax.f32 v7, $-3.000000000e+01;
	v14 =	vmul.f32 $1.442695020e+00, v10;
	(erf) = vpow2.f32 v9;
	s4 =	sadd.s32 $0x80, s4;
	v9 =	vpop (erf)  }
0x77: {  	v13 =	vmax.f32 v3, $-3.000000000e+01;
	v12 =	vld [tilespmem:s7+$0x30];
	p0 =	slt.u32 s6, $0x780;
	v7 =	vmin.f32 v7, $3.000000000e+01;
	v6 =	vmax.f32 v6, $-3.000000000e+01;
	[tilespmem:s5+$0x30] =	vst v9  }
0x78: {  	v8 =	vmin.f32 v8, $3.000000000e+01;
	v9 =	vld [tilespmem:s7+$0x20];
	v6 =	vmin.f32 v6, $3.000000000e+01;
	(erf) = vpow2.f32 v14;
	v10 =	vpop (erf)  }
0x79: {  	v7 =	vmul.f32 $1.442695020e+00, v7;
	v14 =	vmul.f32 $1.442695020e+00, v8;
	v8 =	vmin.f32 v13, $3.000000000e+01;
	v3 =	vld [tilespmem:s7+$0x10];
	[tilespmem:s5+$0x20] =	vst v10;
	v10 =	vpop (erf)  }
0x7a: {  	v4 =	vmin.f32 v4, $3.000000000e+01;
	v8 =	vmul.f32 $1.442695020e+00, v8;
	v13 =	vld [tilespmem:s7+$0x0];
	(erf) = vpow2.f32 v5;
	[tilespmem:s5+$0xFFFFFFC0] =	vst v10;
	v5 =	vpop (erf)  }
0x7b: {  	v4 =	vmul.f32 $1.442695020e+00, v4;
	v10 =	vmax.f32 v11, $-3.000000000e+01;
	v11 =	vld [tilespmem:s7+$0xFFFFFFE0];
	(erf) = vpow2.f32 v7;
	[tilespmem:s5+$0x10] =	vst v5;
	v5 =	vpop (erf)  }
.Ltmp2:
0x7c: {  	v15 =	vmul.f32 $1.442695020e+00, v6;
	v7 =	vld [tilespmem:s7+$0xFFFFFFC0];
	(erf) = vpow2.f32 v8;
	[tilespmem:s5+$0x0] =	vst v5;
	v5 =	vpop (erf);
	(pc) =	sbr.rel @p0 .LBB2_7-.Ltmp2, $4  }
0x7d: {  	v16 =	vmax.f32 v12, $-3.000000000e+01;
	v6 =	vld [tilespmem:s7+$0xFFFFFFF0];
	v9 =	vmax.f32 v9, $-3.000000000e+01;
	(erf) = vpow2.f32 v4;
	[tilespmem:s5+$0xFFFFFFF0] =	vst v5  }
0x7e: {  	v4 =	vmin.f32 v10, $3.000000000e+01;
	v5 =	vmin.f32 v9, $3.000000000e+01;
	(erf) = vpow2.f32 v15;
	v8 =	vpop (erf)  }
0x7f: {  	v10 =	vmin.f32 v16, $3.000000000e+01;
	v9 =	vmul.f32 $1.442695020e+00, v4;
	v4 =	vmax.f32 v13, $-3.000000000e+01;
	v12 =	vpop (erf);
	[tilespmem:s5+$0xFFFFFFE0] =	vst v8;
	s5 =	smov.u32 s4  }
0x80: {  	s7 =	sadd.s32 $0x80, s7;
	v5 =	vmul.f32 $1.442695020e+00, v5;
	v8 =	vmax.f32 v11, $-3.000000000e+01;
	[tilespmem:s4+$0xFFFFFFD0] =	vst v12;
	(erf) = vpow2.f32 v14  }
0x81: {  	v7 =	vmax.f32 v7, $-3.000000000e+01;
	v10 =	vmul.f32 $1.442695020e+00, v10  }
0x82: {  	(erf) = vpow2.f32 v9;
	v3 =	vmax.f32 v3, $-3.000000000e+01;
	v4 =	vmin.f32 v4, $3.000000000e+01  }
0x83: {  	v7 =	vmin.f32 v7, $3.000000000e+01;
	v6 =	vmax.f32 v6, $-3.000000000e+01;
	v4 =	vmul.f32 $1.442695020e+00, v4  }
0x84: {  	v3 =	vmin.f32 v3, $3.000000000e+01;
	(erf) = vpow2.f32 v10;
	v7 =	vmul.f32 $1.442695020e+00, v7  }
0x85: {  	v9 =	vpop (erf);
	v3 =	vmul.f32 $1.442695020e+00, v3;
	(erf) = vpow2.f32 v5;
	v5 =	vmin.f32 v6, $3.000000000e+01  }
0x86: {  	[tilespmem:s5+$0x30] =	vst v9;
	v6 =	vpop (erf);
	(erf) = vpow2.f32 v7;
	v7 =	vmin.f32 v8, $3.000000000e+01;
	v5 =	vmul.f32 $1.442695020e+00, v5  }
0x87: {  	[tilespmem:s5+$0x20] =	vst v6;
	v6 =	vpop (erf);
	(erf) = vpow2.f32 v3;
	v3 =	vmul.f32 $1.442695020e+00, v7  }
0x88: {  	[tilespmem:s5+$0xFFFFFFC0] =	vst v6;
	v6 =	vpop (erf);
	(erf) = vpow2.f32 v4  }
0x89: {  	[tilespmem:s5+$0x10] =	vst v6;
	v4 =	vpop (erf);
	(erf) = vpow2.f32 v5  }
0x8a: {  	[tilespmem:s5+$0x0] =	vst v4;
	v4 =	vpop (erf);
	(erf) = vpow2.f32 v3  }
0x8b: {  	v3 =	vpop (erf);
	[tilespmem:s5+$0xFFFFFFF0] =	vst v4  }
0x8c: {  	s4 =	sadd.s32 $0x80, s4;
	v4 =	vpop (erf);
	[tilespmem:s5+$0xFFFFFFE0] =	vst v3  }
0x8d: {  	s30 =	sshll.u32 s29, $0x1;
	p0 =	seq.s32 s29, $0x31;
	[tilespmem:s4+$0xFFFFFFD0] =	vst v4;
	v3 =	vpop (erf)  }
0x8e: {  	s5 =	sadd.s32 @!p0 $0x2, s30;
	[tilespmem:s4+$0x30] =	vst v3;
	v3 =	vpop (erf)  }
0x8f: {  	s6 =	sshll.u32 @!p0 s5, $0xB;
	[tilespmem:s4+$0x20] =	vst v3;
	v3 =	vpop (erf)  }
0x90: {  	s5 =	sshll.u32 @!p0 s5, $0x7;
	s6 =	sand.u32 @!p0 $0x7C000, s6;
	[tilespmem:s4+$0xFFFFFFC0] =	vst v3;
	v3 =	vpop (erf)  }
0x91: {  	s5 =	sand.u32 @!p0 $0x300, s5;
	s6 =	sadd.s32 @!p0 s9, s6;
	[tilespmem:s4+$0x10] =	vst v3;
	v3 =	vpop (erf)  }
0x92: {  	s5 =	sor.u32 @!p0 s5, s6;
	[tilespmem:s4+$0x0] =	vst v3;
	v3 =	vpop (erf)  }
0x93: {  	s7 =	simm.s32 @!p0 $0x9000;
	s5 =	sshrl.u32 @!p0 s5, $0x3;
	[tilespmem:s4+$0xFFFFFFF0] =	vst v3;
	v3 =	vpop (erf)  }
0x94: {  	s6 =	simm.s32 @!p0 $0x400;
	s5 =	sadd.s32 @!p0 s3, s5;
	[tilespmem:s4+$0xFFFFFFE0] =	vst v3;
	s4 =	simm.s32 @!p0 $0x80  }
0x95: {  	[tilespmem:s7], [sflag:$0x1] =	stream.strided.gather @!p0 [hbm4b:s5+s4], $0x800, s6, s4, $0x38;
	[tilespmem:$0xA900] =	vst v63  }
0x96: {  	s4 =	simm.s32 $0x50  }
0x97: {  	v5 =	vld [tilespmem:s4+$0xFFFFFFB0];
	_ =	sdelay $0x1  }
0x98: {  	v6 =	vld [tilespmem:s4+$0xFFFFFFD0]  }
0x99: {  	s18 =	simm.s32 $0x40;
	v8 =	vld [tilespmem:s4+$0x10]  }
0x9a: {  	s6 =	simm.s32 $0x30;
	s7 =	sand.u32 $0x7FF0, s18;
	v9 =	vld [tilespmem:s4+$0xFFFFFFF0]  }
0x9b: {  	s8 =	simm.s32 $0x0;
	s5 =	sand.u32 $0x7FF0, s6;
	v3 =	vld [tilespmem:s7+$0x4E80];
	v7 =	vand.u32 $0x3FF, v5  }
0x9c: {  	s19 =	simm.s32 $0x0;
	s7 =	sand.u32 $0x3FF0, s8;
	s8 =	simm.s32 $0x80;
	v4 =	vld [tilespmem:s5+$0x4E80]  }
0x9d: {  	v11 =	vld [tilespmem:s7+$0x4E80];
	s5 =	sand.u32 $0xFF80, s8;
	s7 =	sand.u32 $0x60, s19;
	v10 =	vshrl.u32 v5, $0x15  }
0x9e: {  	s5 =	sor.u32 s7, s5;
	v12 =	vand.u32 $0x3FF, v6  }
0x9f: {  	s8 =	simm.s32 $0x10;
	v15 =	vld [tilespmem:s5+$0x0]  }
0xa0: {  	s7 =	sand.u32 $0x7FF0, s8;
	v14 =	vshrl.u32 v6, $0x15;
	v13 =	vld.idx.msk [tilespmem:v7+s0+$0x0], $0xffff  }
0xa1: {  	v17 =	vld [tilespmem:s7+$0x4E80];
	v16 =	vand.u32 $0x3FF, v8  }
0xa2: {  	s8 =	simm.s32 $0x20;
	v18 =	vand.u32 $0x3FF, v9;
	v10 =	vld.idx.msk [tilespmem:v10+s2+$0x0], $0xffff  }
0xa3: {  	s5 =	sand.u32 $0x7FF0, s8;
	v5 =	vshrl.u32 v5, $0xA;
	v19 =	vshrl.u32 v9, $0x15;
	v12 =	vld.idx.msk [tilespmem:v12+s0+$0x0], $0xffff  }
0xa4: {  	v20 =	vshll.u32 v11, $0x10;
	v5 =	vand.u32 $0x3FF, v5;
	v7 =	vld [tilespmem:s5+$0x4E80]  }
0xa5: {  	v14 =	vld.idx.msk [tilespmem:v14+s2+$0x0], $0xffff;
	v13 =	vmul.f32 v20, v13  }
0xa6: {  	v16 =	vld.idx.msk [tilespmem:v16+s0+$0x0], $0xffff;
	v20 =	vshrl.u32 v8, $0x15  }
0xa7: {  	v6 =	vshrl.u32 v6, $0xA;
	v13 =	vmul.f32 v10, v13;
	v10 =	vld.idx.msk [tilespmem:v18+s0+$0x0], $0xffff;
	v18 =	vand.u32 $0x3FF, v15  }
0xa8: {  	v6 =	vand.u32 $0x3FF, v6;
	v21 =	vshll.u32 v17, $0x10;
	v19 =	vld.idx.msk [tilespmem:v19+s2+$0x0], $0xffff  }
0xa9: {  	[tilespmem:v5+s20+$0x0] =	vst.idx.add.f32.msk $0xffff, v13;
	v5 =	vmul.f32 v21, v12  }
0xaa: {  	v21 =	vld [tilespmem:s4+$0xFFFFFFC0]  }
0xab: {  	v22 =	vshrl.u32 v15, $0x15;
	v23 =	vmul.f32 v14, v5;
	v5 =	vshrl.u32 v9, $0xA;
	v9 =	vld.idx.msk [tilespmem:v20+s2+$0x0], $0xffff  }
0xac: {  	v12 =	vshll.u32 v7, $0x10;
	v5 =	vand.u32 $0x3FF, v5;
	v14 =	vld.idx.msk [tilespmem:v18+s0+$0x0], $0xffff  }
0xad: {  	v8 =	vshrl.u32 v8, $0xA;
	[tilespmem:v6+s20+$0x0] =	vst.idx.add.f32.msk $0xffff, v23;
	v6 =	vmul.f32 v12, v10  }
0xae: {  	v8 =	vand.u32 $0x3FF, v8;
	v10 =	vshll.u32 v4, $0x10;
	v18 =	vld [tilespmem:s4+$0xFFFFFFE0]  }
0xaf: {  	v20 =	vand.u32 $0x3FF, v21;
	v12 =	vmul.f32 v19, v6;
	v6 =	vmul.f32 v10, v16  }
0xb0: {  	v10 =	vld.idx.msk [tilespmem:v22+s2+$0x0], $0xffff  }
0xb1: {  	v16 =	vshrl.u32 v21, $0x15;
	[tilespmem:v5+s20+$0x0] =	vst.idx.add.f32.msk $0xffff, v12;
	v9 =	vmul.f32 v9, v6;
	v5 =	vshrl.u32 v15, $0xA  }
0xb2: {  	v15 =	vshll.u32 v3, $0x10;
	v6 =	vld [tilespmem:s4+$0x0];
	v5 =	vand.u32 $0x3FF, v5  }
0xb3: {  	v19 =	vand.u32 $0x3FF, v18;
	[tilespmem:v8+s20+$0x0] =	vst.idx.add.f32.msk $0xffff, v9;
	v8 =	vmul.f32 v15, v14  }
0xb4: {  	v14 =	vld.idx.msk [tilespmem:v20+s0+$0x0], $0xffff  }
0xb5: {  	v20 =	vshrl.u32 v18, $0x15;
	v22 =	vld [tilespmem:s4+$0x20];
	v10 =	vmul.f32 v10, v8  }
0xb6: {  	v8 =	vld.idx.msk [tilespmem:v16+s2+$0x0], $0xffff  }
0xb7: {  	v16 =	vand.u32 $0x3FF, v6;
	[tilespmem:v5+s20+$0x0] =	vst.idx.add.f32.msk $0xffff, v10  }
0xb8: {  	v11 =	vand.u32 $0xFFFF0000, v11;
	v5 =	vshrl.u32 v21, $0xA;
	v21 =	vshrl.u32 v6, $0x15;
	v19 =	vld.idx.msk [tilespmem:v19+s0+$0x0], $0xffff  }
0xb9: {  	v24 =	vand.u32 $0x3FF, v5;
	v5 =	vshrl.u32 v18, $0xA;
	v15 =	vld [tilespmem:s4+$0x40];
	v11 =	vmul.f32 v11, v14  }
0xba: {  	v18 =	vimm.f32 $0.0e+00;
	v14 =	vand.u32 $0x3FF, v5;
	v25 =	vld.idx.msk [tilespmem:v20+s2+$0x0], $0xffff;
	v26 =	vand.u32 $0x3FF, v22  }
0xbb: {  	v5 =	vshrl.u32 v6, $0xA;
	v13 =	vadd.f32 v13, v18;
	v8 =	vmul.f32 v8, v11  }
0xbc: {  	v6 =	vshrl.u32 v22, $0xA;
	v11 =	vld.idx.msk [tilespmem:v16+s0+$0x0], $0xffff;
	v16 =	vand.u32 $0xFFFF0000, v17;
	v17 =	vshrl.u32 v22, $0x15  }
0xbd: {  	v5 =	vand.u32 $0x3FF, v5;
	v13 =	vadd.f32 v8, v13;
	v19 =	vmul.f32 v16, v19;
	v16 =	vld.idx.msk [tilespmem:v21+s2+$0x0], $0xffff  }
0xbe: {  	v6 =	vand.u32 $0x3FF, v6;
	v20 =	vshrl.u32 v15, $0xA;
	[tilespmem:v24+s20+$0x0] =	vst.idx.add.f32.msk $0xffff, v8;
	v18 =	vand.u32 $0x3FF, v15  }
0xbf: {  	s4 =	simm.s32 $0xF0;
	v8 =	vand.u32 $0x3FF, v20;
	v20 =	vadd.f32 v23, v13;
	v13 =	vmul.f32 v25, v19;
	v19 =	vld.idx.msk [tilespmem:v26+s0+$0x0], $0xffff  }
.LBB2_9:
0xc0: {  	v21 =	vld [tilespmem:s4+$0xFFFFFFB0];
	v7 =	vand.u32 $0xFFFF0000, v7;
	v15 =	vshrl.u32 v15, $0x15  }
0xc1: {  	v20 =	vadd.f32 v13, v20;
	v7 =	vmul.f32 v7, v11;
	v17 =	vld.idx.msk [tilespmem:v17+s2+$0x0], $0xffff  }
0xc2: {  	[tilespmem:v14+s20+$0x0] =	vst.idx.add.f32.msk $0xffff, v13  }
0xc3: {  	v12 =	vadd.f32 v12, v20;
	v11 =	vmul.f32 v16, v7;
	v7 =	vld.idx.msk [tilespmem:v18+s0+$0x0], $0xffff  }
0xc4: {  	v4 =	vand.u32 $0xFFFF0000, v4;
	v14 =	vld [tilespmem:s4+$0xFFFFFFD0]  }
0xc5: {  	v4 =	vmul.f32 v4, v19;
	v12 =	vadd.f32 v11, v12;
	v15 =	vld.idx.msk [tilespmem:v15+s2+$0x0], $0xffff  }
0xc6: {  	s18 =	sadd.s32 $0x50, s18;
	v16 =	vand.u32 $0x3FF, v21;
	v18 =	vld [tilespmem:s4+$0x10]  }
0xc7: {  	s5 =	sadd.s32 $0xFFFFFFF0, s18;
	s6 =	sand.u32 $0x7FF0, s18;
	v13 =	vmul.f32 v17, v4;
	v19 =	vld [tilespmem:s4+$0xFFFFFFF0];
	v9 =	vadd.f32 v9, v12  }
0xc8: {  	s7 =	sadd.s32 $0xFFFFFFC0, s18;
	s5 =	sand.u32 $0x7FF0, s5;
	v17 =	vand.u32 $0xFFFF0000, v3;
	v12 =	vshrl.u32 v21, $0x15;
	v3 =	vld [tilespmem:s6+$0x4E80]  }
0xc9: {  	s6 =	sand.u32 $0x3FF0, s7;
	v7 =	vmul.f32 v17, v7;
	v4 =	vld [tilespmem:s5+$0x4E80];
	s5 =	sadd.s32 $0x120, s19;
	s19 =	sadd.s32 $0xA0, s19;
	v9 =	vadd.f32 v13, v9  }
0xca: {  	v20 =	vand.u32 $0x3FF, v14;
	v17 =	vld [tilespmem:s6+$0x4E80];
	s5 =	sand.u32 $0xFF80, s5;
	s6 =	sand.u32 $0x60, s19;
	p1 =	slt.u32 s19, $0x4D80  }
0xcb: {  	v16 =	vld.idx.msk [tilespmem:v16+s0+$0x0], $0xffff;
	s5 =	sor.u32 s6, s5;
	v9 =	vadd.f32 v10, v9;
	v10 =	vmul.f32 v15, v7  }
0xcc: {  	s6 =	sadd.s32 $0xFFFFFFD0, s18;
	v15 =	vshrl.u32 v14, $0x15;
	v22 =	vld [tilespmem:s5+$0x0]  }
0xcd: {  	v23 =	vand.u32 $0x3FF, v18;
	s5 =	sand.u32 $0x7FF0, s6;
	v12 =	vld.idx.msk [tilespmem:v12+s2+$0x0], $0xffff;
	v24 =	vadd.f32 v10, v9  }
0xce: {  	v9 =	vand.u32 $0x3FF, v19;
	v25 =	vld [tilespmem:s5+$0x4E80];
	s5 =	sadd.s32 $0xFFFFFFE0, s18  }
0xcf: {  	v7 =	vshrl.u32 v21, $0xA;
	v21 =	vshrl.u32 v19, $0x15;
	v20 =	vld.idx.msk [tilespmem:v20+s0+$0x0], $0xffff;
	s5 =	sand.u32 $0x7FF0, s5  }
0xd0: {  	v27 =	vand.u32 $0x3FF, v7;
	v26 =	vshll.u32 v17, $0x10;
	v7 =	vld [tilespmem:s5+$0x4E80]  }
0xd1: {  	v16 =	vmul.f32 v26, v16;
	v15 =	vld.idx.msk [tilespmem:v15+s2+$0x0], $0xffff  }
0xd2: {  	v26 =	vshrl.u32 v18, $0x15;
	v23 =	vld.idx.msk [tilespmem:v23+s0+$0x0], $0xffff  }
0xd3: {  	v16 =	vmul.f32 v12, v16;
	v12 =	vshrl.u32 v14, $0xA;
	v14 =	vand.u32 $0x3FF, v22;
	v9 =	vld.idx.msk [tilespmem:v9+s0+$0x0], $0xffff  }
0xd4: {  	v28 =	vshll.u32 v25, $0x10;
	v12 =	vand.u32 $0x3FF, v12;
	v21 =	vld.idx.msk [tilespmem:v21+s2+$0x0], $0xffff  }
0xd5: {  	v20 =	vmul.f32 v28, v20;
	[tilespmem:v27+s20+$0x0] =	vst.idx.add.f32.msk $0xffff, v16  }
0xd6: {  	v28 =	vshrl.u32 v22, $0x15;
	v27 =	vld [tilespmem:s4+$0xFFFFFFC0]  }
0xd7: {  	v20 =	vmul.f32 v15, v20;
	v15 =	vshrl.u32 v19, $0xA;
	v19 =	vld.idx.msk [tilespmem:v26+s2+$0x0], $0xffff  }
0xd8: {  	v26 =	vshll.u32 v7, $0x10;
	v15 =	vand.u32 $0x3FF, v15;
	v14 =	vld.idx.msk [tilespmem:v14+s0+$0x0], $0xffff  }
0xd9: {  	v9 =	vmul.f32 v26, v9;
	[tilespmem:v12+s20+$0x0] =	vst.idx.add.f32.msk $0xffff, v20;
	v12 =	vshrl.u32 v18, $0xA  }
0xda: {  	v26 =	vshll.u32 v4, $0x10;
	v18 =	vld [tilespmem:s4+$0xFFFFFFE0];
	v29 =	vand.u32 $0x3FF, v12  }
0xdb: {  	v12 =	vmul.f32 v21, v9;
	v9 =	vmul.f32 v26, v23;
	v30 =	vand.u32 $0x3FF, v27;
	v21 =	vld.idx.msk [tilespmem:v28+s2+$0x0], $0xffff  }
0xdc: {  	v23 =	vshrl.u32 v27, $0xA;
	[tilespmem:v8+s20+$0x0] =	vst.idx.add.f32.msk $0xffff, v10  }
0xdd: {  	v8 =	vshrl.u32 v27, $0x15;
	v9 =	vmul.f32 v19, v9;
	v10 =	vshrl.u32 v22, $0xA;
	[tilespmem:v15+s20+$0x0] =	vst.idx.add.f32.msk $0xffff, v12  }
0xde: {  	v19 =	vand.u32 $0x3FF, v23;
	v22 =	vshll.u32 v3, $0x10;
	v23 =	vand.u32 $0x3FF, v10;
	v15 =	vld [tilespmem:s4+$0x0]  }
0xdf: {  	v22 =	vmul.f32 v22, v14;
	v10 =	vshrl.u32 v18, $0xA;
	v26 =	vand.u32 $0x3FF, v18;
	[tilespmem:v29+s20+$0x0] =	vst.idx.add.f32.msk $0xffff, v9  }
0xe0: {  	v27 =	vld.idx.msk [tilespmem:v30+s0+$0x0], $0xffff;
	v14 =	vand.u32 $0x3FF, v10  }
0xe1: {  	v18 =	vshrl.u32 v18, $0x15;
	v10 =	vmul.f32 v21, v22;
	v28 =	vld [tilespmem:s4+$0x20]  }
0xe2: {  	v8 =	vld.idx.msk [tilespmem:v8+s2+$0x0], $0xffff  }
0xe3: {  	v21 =	vshrl.u32 v15, $0xA;
	v22 =	vand.u32 $0x3FF, v15;
	[tilespmem:v23+s20+$0x0] =	vst.idx.add.f32.msk $0xffff, v10  }
0xe4: {  	v23 =	vld.idx.msk [tilespmem:v26+s0+$0x0], $0xffff;
	v21 =	vand.u32 $0x3FF, v21  }
0xe5: {  	v17 =	vand.u32 $0xFFFF0000, v17;
	v26 =	vshrl.u32 v15, $0x15;
	v15 =	vld [tilespmem:s4+$0x40]  }
0xe6: {  	v17 =	vmul.f32 v17, v27;
	v27 =	vld.idx.msk [tilespmem:v18+s2+$0x0], $0xffff;
	v18 =	vshrl.u32 v28, $0xA  }
0xe7: {  	v29 =	vand.u32 $0x3FF, v28;
	v18 =	vand.u32 $0x3FF, v18;
	[tilespmem:v5+s20+$0x0] =	vst.idx.add.f32.msk $0xffff, v11;
	v5 =	vmov v21  }
.Ltmp3:
0xe8: {  	v16 =	vadd.f32 v16, v24;
	v8 =	vmul.f32 v8, v17;
	v11 =	vld.idx.msk [tilespmem:v22+s0+$0x0], $0xffff;
	(pc) =	sbr.rel @p1 .LBB2_9-.Ltmp3, $4  }
0xe9: {  	v21 =	vand.u32 $0xFFFF0000, v25;
	v17 =	vshrl.u32 v28, $0x15;
	[tilespmem:v6+s20+$0x0] =	vst.idx.add.f32.msk $0xffff, v13;
	v6 =	vmov v18  }
0xea: {  	v13 =	vadd.f32 v8, v16;
	v21 =	vmul.f32 v21, v23;
	v16 =	vld.idx.msk [tilespmem:v26+s2+$0x0], $0xffff;
	v22 =	vshrl.u32 v15, $0xA  }
0xeb: {  	v18 =	vand.u32 $0x3FF, v15;
	[tilespmem:v19+s20+$0x0] =	vst.idx.add.f32.msk $0xffff, v8;
	v8 =	vand.u32 $0x3FF, v22  }
0xec: {  	s4 =	sadd.s32 $0xA0, s4;
	v20 =	vadd.f32 v20, v13;
	v13 =	vmul.f32 v27, v21;
	v19 =	vld.idx.msk [tilespmem:v29+s0+$0x0], $0xffff  }
0xed: {  	_ =	sdelay $0x1  }
0xee: {  	v7 =	vand.u32 $0xFFFF0000, v7  }
0xef: {  	v15 =	vshrl.u32 v15, $0x15;
	v20 =	vadd.f32 v13, v20;
	v7 =	vmul.f32 v7, v11  }
0xf0: {  	v11 =	vld.idx.msk [tilespmem:v17+s2+$0x0], $0xffff  }
0xf1: {  	v12 =	vadd.f32 v12, v20;
	v7 =	vmul.f32 v16, v7  }
0xf2: {  	v4 =	vand.u32 $0xFFFF0000, v4;
	v16 =	vld.idx.msk [tilespmem:v18+s0+$0x0], $0xffff  }
0xf3: {  	v4 =	vmul.f32 v4, v19;
	v12 =	vadd.f32 v7, v12  }
0xf4: {  	v15 =	vld.idx.msk [tilespmem:v15+s2+$0x0], $0xffff  }
0xf5: {  	v4 =	vmul.f32 v11, v4;
	v9 =	vadd.f32 v9, v12  }
0xf6: {  	v3 =	vand.u32 $0xFFFF0000, v3  }
0xf7: {  	v3 =	vmul.f32 v3, v16;
	v9 =	vadd.f32 v4, v9;
	_ =	sdelay $0x1  }
0xf8: {  	v9 =	vadd.f32 v10, v9;
	v10 =	vmul.f32 v15, v3;
	_ =	sdelay $0x1  }
0xf9: {  	v3 =	vadd.f32 v10, v9;
	_ =	sdelay $0x1  }
0xfa: {  	(xrf2) =	vadd.scan.msk.f32 $0xffff, v3;
	_ =	sdelay $0x9  }
0xfb: {  	v3, _, _ =	vpop (xrf2)  }
0xfc: {  	(v2sf) =	vpush v3, $0xF;
	_ =	sdelay $0xb  }
0xfd: {  	v3 =	vmov s30  }
0xfe: {  	v3 =	vand.u32 $0xFFFFFFFE, v3  }
0xff: {  	v3 =	vbroadcast v3, $0x0  }
0x100: {  	s4 =	spop (v2sf)  }
0x101: {  	[tilespmem:v14+s20+$0x0] =	vst.idx.add.f32.msk $0xffff, v13;
	s4 =	sadd.f32 $1.000000000e-30, s4  }
0x102: {  	[tilespmem:v5+s20+$0x0] =	vst.idx.add.f32.msk $0xffff, v7  }
0x103: {  	[tilespmem:v8+s20+$0x0] =	vst.idx.add.f32.msk $0xffff, v10;
	v8 =	vmov s4  }
0x104: {  	[tilespmem:v6+s20+$0x0] =	vst.idx.add.f32.msk $0xffff, v4;
	(erf) = vrcp.f32 v8  }
0x105: {  	s4 =	simm.s32 $0x8440;
	[tilespmem:v3+s21+$0x0] =	vst.idx.msk $0x1, v8  }
0x106: {  	s6 =	simm.s32 $0x7C40;
	v5 =	vld [tilespmem:s4+$0x30]  }
0x107: {  	v6 =	vld [tilespmem:s6+$0x30]  }
0x108: {  	v8 =	vld [tilespmem:s4+$0xFFFFFFD0]  }
0x109: {  	v10 =	vld [tilespmem:s4+$0xFFFFFFE0]  }
0x10a: {  	v11 =	vld [tilespmem:s6+$0xFFFFFFE0]  }
0x10b: {  	v9 =	vld [tilespmem:s6+$0xFFFFFFD0];
	_ =	sdelay $0x1  }
0x10c: {  	v12 =	vld [tilespmem:s4+$0xFFFFFFF0];
	v4 =	vpop (erf)  }
0x10d: {  	v13 =	vld [tilespmem:s6+$0xFFFFFFF0];
	v6 =	vmul.f32 $9.999999740e-06, v6;
	v5 =	vmul.f32 v5, v4  }
0x10e: {  	v14 =	vld [tilespmem:s4+$0x0];
	v11 =	vmul.f32 $9.999999740e-06, v11;
	v10 =	vmul.f32 v10, v4  }
0x10f: {  	v15 =	vld [tilespmem:s6+$0x0];
	v9 =	vmul.f32 $9.999999740e-06, v9;
	v8 =	vmul.f32 v8, v4;
	v6 =	vadd.f32 v6, v5  }
0x110: {  	s19 =	simm.s32 $0x8840;
	v7 =	vld [tilespmem:s6+$0xFFFFFFC0];
	v17 =	vadd.f32 v11, v10  }
0x111: {  	[tilespmem:s19+$0x30] =	vst v6;
	v6 =	vadd.f32 v9, v8;
	v9 =	vld [tilespmem:s4+$0x10]  }
0x112: {  	v5 =	vimm.f32 $0.0e+00;
	v8 =	vld [tilespmem:s6+$0x10];
	[tilespmem:s19+$0xFFFFFFE0] =	vst v17  }
0x113: {  	v63 =	vmul.f32 $9.999999740e-06, v13;
	v16 =	vmul.f32 v12, v4;
	v10 =	vld [tilespmem:s4+$0x20];
	[tilespmem:s4+$0x30] =	vst v5  }
0x114: {  	s18 =	simm.s32 $0x7680;
	v15 =	vmul.f32 $9.999999740e-06, v15;
	v13 =	vmul.f32 v14, v4;
	v11 =	vld [tilespmem:s6+$0x20];
	[tilespmem:s19+$0xFFFFFFD0] =	vst v6  }
0x115: {  	s7 =	simm.s32 $0x0;
	s5 =	simm.s32 $0x7A40;
	s8 =	simm.s32 $0x84C0;
	v12 =	vld [tilespmem:s4+$0xFFFFFFC0];
	v14 =	vadd.f32 v63, v16;
	v6 =	vmul.f32 $9.999999740e-06, v7;
	v7 =	vimm.f32 $0.0e+00;
	[tilespmem:s4+$0xFFFFFFD0] =	vst v5  }
.LBB2_11:
0x116: {  	v16 =	vld [tilespmem:s8+$0x30];
	[tilespmem:s4+$0xFFFFFFE0] =	vst v7;
	v9 =	vmul.f32 v9, v4;
	s6 =	sadd.s32 $0x80, s6  }
0x117: {  	v17 =	vld [tilespmem:s6+$0x30];
	[tilespmem:s19+$0xFFFFFFF0] =	vst v14;
	v13 =	vadd.f32 v15, v13;
	v8 =	vmul.f32 $9.999999740e-06, v8  }
0x118: {  	s7 =	sadd.s32 $0x80, s7;
	v14 =	vld [tilespmem:s6+$0xFFFFFFC0];
	[tilespmem:s4+$0xFFFFFFF0] =	vst v7;
	v10 =	vmul.f32 v10, v4  }
0x119: {  	p1 =	slt.u32 s7, $0x380;
	v15 =	vld [tilespmem:s8+$0xFFFFFFD0];
	[tilespmem:s19+$0x0] =	vst v13;
	v8 =	vadd.f32 v8, v9;
	v9 =	vmul.f32 $9.999999740e-06, v11  }
0x11a: {  	v11 =	vld [tilespmem:s6+$0xFFFFFFD0];
	v12 =	vmul.f32 v12, v4;
	[tilespmem:s4+$0x0] =	vst v7  }
0x11b: {  	v13 =	vld [tilespmem:s8+$0xFFFFFFE0];
	[tilespmem:s19+$0x10] =	vst v8;
	v8 =	vadd.f32 v9, v10  }
0x11c: {  	v10 =	vmul.f32 v16, v4;
	v9 =	vld [tilespmem:s6+$0xFFFFFFE0];
	v16 =	vmul.f32 $9.999999740e-06, v17;
	v12 =	vadd.f32 v6, v12;
	[tilespmem:s4+$0x10] =	vst v7  }
0x11d: {  	v6 =	vmul.f32 $9.999999740e-06, v14;
	v14 =	vld [tilespmem:s8+$0xFFFFFFF0];
	[tilespmem:s19+$0x20] =	vst v8  }
0x11e: {  	v8 =	vmul.f32 v15, v4;
	v15 =	vld [tilespmem:s6+$0xFFFFFFF0];
	v10 =	vadd.f32 v16, v10;
	[tilespmem:s19+$0xFFFFFFC0] =	vst v12  }
0x11f: {  	s19 =	sadd.s32 $0x80, s19;
	v11 =	vmul.f32 $9.999999740e-06, v11;
	v12 =	vld [tilespmem:s8+$0x0];
	[tilespmem:s4+$0xFFFFFFC0] =	vst v7  }
0x120: {  	v13 =	vmul.f32 v13, v4;
	v16 =	vld [tilespmem:s6+$0x0];
	[tilespmem:s19+$0x30] =	vst v10  }
.Ltmp4:
0x121: {  	v10 =	vadd.f32 v11, v8;
	v11 =	vmul.f32 $9.999999740e-06, v9;
	v9 =	vld [tilespmem:s8+$0x10];
	[tilespmem:s8+$0x30] =	vst v5;
	(pc) =	sbr.rel @p1 .LBB2_11-.Ltmp4, $4  }
0x122: {  	v14 =	vmul.f32 v14, v4;
	v8 =	vld [tilespmem:s6+$0x10];
	[tilespmem:s4+$0x20] =	vst v7;
	v7 =	vmov v5;
	s4 =	smov.u32 s8  }
0x123: {  	[tilespmem:s19+$0xFFFFFFD0] =	vst v10;
	v17 =	vadd.f32 v11, v13;
	v15 =	vmul.f32 $9.999999740e-06, v15;
	v10 =	vld [tilespmem:s8+$0x20]  }
0x124: {  	[tilespmem:s8+$0xFFFFFFD0] =	vst v7;
	v13 =	vmul.f32 v12, v4;
	v11 =	vld [tilespmem:s6+$0x20]  }
0x125: {  	s8 =	sadd.s32 $0x80, s8;
	v12 =	vld [tilespmem:s4+$0xFFFFFFC0];
	[tilespmem:s19+$0xFFFFFFE0] =	vst v17;
	v14 =	vadd.f32 v15, v14;
	v15 =	vmul.f32 $9.999999740e-06, v16  }
0x126: {  	[tilespmem:s4+$0xFFFFFFE0] =	vst v7  }
0x127: {  	v9 =	vmul.f32 v9, v4;
	[tilespmem:s19+$0xFFFFFFF0] =	vst v14;
	v13 =	vadd.f32 v15, v13;
	v8 =	vmul.f32 $9.999999740e-06, v8  }
0x128: {  	[tilespmem:s4+$0xFFFFFFF0] =	vst v7  }
0x129: {  	v10 =	vmul.f32 v10, v4;
	[tilespmem:s19+$0x0] =	vst v13;
	v8 =	vadd.f32 v8, v9;
	v9 =	vmul.f32 $9.999999740e-06, v11  }
0x12a: {  	v4 =	vmul.f32 v12, v4;
	[tilespmem:s4+$0x0] =	vst v7  }
0x12b: {  	[tilespmem:s19+$0x10] =	vst v8;
	v8 =	vadd.f32 v9, v10  }
0x12c: {  	v4 =	vadd.f32 v6, v4;
	[tilespmem:s4+$0x10] =	vst v7  }
0x12d: {  	[tilespmem:s19+$0x20] =	vst v8  }
0x12e: {  	[tilespmem:s19+$0xFFFFFFC0] =	vst v4  }
0x12f: {  	[tilespmem:s4+$0x20] =	vst v7  }
0x130: {  	[tilespmem:s4+$0xFFFFFFC0] =	vst v7  }
0x131: {  	v4 =	vld [tilespmem:s5+$0x30]  }
0x132: {  	v6 =	vld [tilespmem:s5+$0x20]  }
0x133: {  	v7 =	vld [tilespmem:s5+$0x10]  }
0x134: {  	v10 =	vld [tilespmem:s18+$0x60]  }
0x135: {  	v8 =	vld [tilespmem:s5+$0x0]  }
0x136: {  	v11 =	vld [tilespmem:s18+$0x40]  }
0x137: {  	v9 =	vld [tilespmem:s5+$0xFFFFFFF0]  }
0x138: {  	v12 =	vld [tilespmem:s18+$0xFFFFFF80]  }
0x139: {  	v13 =	vld [tilespmem:s18+$0x20]  }
0x13a: {  	v14 =	vld [tilespmem:s5+$0xFFFFFFE0]  }
0x13b: {  	v15 =	vld [tilespmem:s18+$0x0]  }
0x13c: {  	v17 =	vld [tilespmem:s18+$0xFFFFFFA0];
	v16 =	vshrl.u32 v10, $0x15  }
0x13d: {  	v18 =	vld [tilespmem:s5+$0xFFFFFFD0];
	v19 =	vand.u32 $0x3FF, v12  }
0x13e: {  	v20 =	vld [tilespmem:s18+$0xFFFFFFE0];
	v21 =	vshrl.u32 v11, $0x15  }
0x13f: {  	v22 =	vld [tilespmem:s5+$0xFFFFFFC0];
	v23 =	vshrl.u32 v12, $0x15  }
0x140: {  	v24 =	vld [tilespmem:s18+$0xFFFFFFC0];
	v25 =	vand.u32 $0x3FF, v11  }
0x141: {  	v26 =	vand.u32 $0x3FF, v17;
	v16 =	vld.idx.msk [tilespmem:v16+s2+$0x0], $0xffff  }
0x142: {  	v27 =	vshrl.u32 v13, $0x15;
	v19 =	vld.idx.msk [tilespmem:v19+s23+$0x0], $0xffff  }
0x143: {  	v28 =	vshrl.u32 v17, $0x15;
	v21 =	vld.idx.msk [tilespmem:v21+s2+$0x0], $0xffff  }
0x144: {  	v29 =	vand.u32 $0x3FF, v20;
	v23 =	vld.idx.msk [tilespmem:v23+s2+$0x0], $0xffff  }
0x145: {  	v30 =	vand.u32 $0x3FF, v24;
	v25 =	vld.idx.msk [tilespmem:v25+s23+$0x0], $0xffff  }
0x146: {  	v31 =	vshrl.u32 v24, $0x15;
	v26 =	vld.idx.msk [tilespmem:v26+s23+$0x0], $0xffff  }
0x147: {  	v43 =	vshrl.u32 v20, $0x15;
	v27 =	vld.idx.msk [tilespmem:v27+s2+$0x0], $0xffff  }
0x148: {  	v12 =	vshrl.u32 v12, $0xA;
	v45 =	vand.u32 $0x3FF, v15;
	v28 =	vld.idx.msk [tilespmem:v28+s2+$0x0], $0xffff  }
0x149: {  	v32 =	vshll.u32 v22, $0x10;
	v12 =	vand.u32 $0x3FF, v12;
	v29 =	vld.idx.msk [tilespmem:v29+s23+$0x0], $0xffff  }
0x14a: {  	v44 =	vld.idx.msk [tilespmem:v30+s23+$0x0], $0xffff;
	v19 =	vmul.f32 v32, v19  }
0x14b: {  	v46 =	vshrl.u32 v15, $0x15;
	v31 =	vld.idx.msk [tilespmem:v31+s2+$0x0], $0xffff  }
0x14c: {  	v17 =	vshrl.u32 v17, $0xA;
	v48 =	vand.u32 $0x3FF, v13;
	v47 =	vld.idx.msk [tilespmem:v43+s2+$0x0], $0xffff;
	v19 =	vmul.f32 v23, v19  }
0x14d: {  	v33 =	vshll.u32 v18, $0x10;
	v24 =	vshrl.u32 v24, $0xA;
	v17 =	vand.u32 $0x3FF, v17;
	v30 =	vld.idx.msk [tilespmem:v45+s23+$0x0], $0xffff  }
0x14e: {  	v34 =	vshll.u32 v14, $0x10;
	v20 =	vshrl.u32 v20, $0xA;
	[tilespmem:v12+s24+$0x0] =	vst.idx.add.f32.msk $0xffff, v19;
	v12 =	vmul.f32 v33, v26  }
0x14f: {  	v11 =	vshrl.u32 v11, $0xA;
	v41 =	vshll.u32 v6, $0x10;
	v24 =	vand.u32 $0x3FF, v24;
	v26 =	vld [tilespmem:s18+$0xFFFFFF90]  }
0x150: {  	v11 =	vand.u32 $0x3FF, v11;
	v51 =	vld.idx.msk [tilespmem:v46+s2+$0x0], $0xffff;
	v49 =	vmul.f32 v34, v44;
	v12 =	vmul.f32 v28, v12  }
0x151: {  	v50 =	vshll.u32 v9, $0x10;
	v20 =	vand.u32 $0x3FF, v20;
	v32 =	vld.idx.msk [tilespmem:v48+s23+$0x0], $0xffff;
	v25 =	vmul.f32 v41, v25  }
0x152: {  	v15 =	vshrl.u32 v15, $0xA;
	v29 =	vmul.f32 v50, v29;
	[tilespmem:v17+s24+$0x0] =	vst.idx.add.f32.msk $0xffff, v12;
	v17 =	vmul.f32 v31, v49  }
0x153: {  	v53 =	vshll.u32 v8, $0x10;
	v15 =	vand.u32 $0x3FF, v15;
	v21 =	vmul.f32 v21, v25;
	v23 =	vld [tilespmem:s18+$0xFFFFFFB0]  }
0x154: {  	v55 =	vmul.f32 v53, v30;
	v35 =	vand.u32 $0x3FF, v26;
	[tilespmem:v24+s24+$0x0] =	vst.idx.add.f32.msk $0xffff, v17;
	v24 =	vmul.f32 v47, v29  }
0x155: {  	[tilespmem:v11+s24+$0x0] =	vst.idx.add.f32.msk $0xffff, v21  }
0x156: {  	v52 =	vshrl.u32 v26, $0x15;
	[tilespmem:v20+s24+$0x0] =	vst.idx.add.f32.msk $0xffff, v24;
	v20 =	vmul.f32 v51, v55  }
0x157: {  	v28 =	vld [tilespmem:s18+$0xFFFFFFD0]  }
0x158: {  	v13 =	vshrl.u32 v13, $0xA;
	v54 =	vand.u32 $0x3FF, v23;
	[tilespmem:v15+s24+$0x0] =	vst.idx.add.f32.msk $0xffff, v20  }
0x159: {  	v59 =	vshll.u32 v7, $0x10;
	v13 =	vand.u32 $0x3FF, v13;
	v56 =	vld.idx.msk [tilespmem:v35+s23+$0x0], $0xffff  }
0x15a: {  	v57 =	vshrl.u32 v23, $0x15;
	v15 =	vmul.f32 v59, v32;
	v35 =	vld [tilespmem:s18+$0xFFFFFFF0]  }
0x15b: {  	v36 =	vand.u32 $0x3FF, v10;
	v58 =	vld.idx.msk [tilespmem:v52+s2+$0x0], $0xffff  }
0x15c: {  	v62 =	vld [tilespmem:s18+$0x10];
	v60 =	vand.u32 $0x3FF, v28;
	v15 =	vmul.f32 v27, v15  }
0x15d: {  	v22 =	vand.u32 $0xFFFF0000, v22;
	v61 =	vld.idx.msk [tilespmem:v54+s23+$0x0], $0xffff  }
0x15e: {  	v63 =	vshrl.u32 v28, $0x15;
	[tilespmem:v13+s24+$0x0] =	vst.idx.add.f32.msk $0xffff, v15;
	v22 =	vmul.f32 v22, v56  }
0x15f: {  	v40 =	vld.idx.msk [tilespmem:v57+s2+$0x0], $0xffff  }
0x160: {  	v5 =	vadd.f32 v19, v5;
	v13 =	vld.idx.msk [tilespmem:v36+s23+$0x0], $0xffff;
	v37 =	vand.u32 $0x3FF, v35;
	v42 =	vmul.f32 v58, v22  }
0x161: {  	v18 =	vand.u32 $0xFFFF0000, v18;
	v10 =	vshrl.u32 v10, $0xA;
	v43 =	vld.idx.msk [tilespmem:v60+s23+$0x0], $0xffff  }
0x162: {  	v45 =	vld [tilespmem:s18+$0x30];
	v44 =	vshrl.u32 v35, $0x15;
	v5 =	vadd.f32 v42, v5;
	v18 =	vmul.f32 v18, v61  }
0x163: {  	v10 =	vand.u32 $0x3FF, v10;
	v47 =	vand.u32 $0x3FF, v62;
	v27 =	vld.idx.msk [tilespmem:v63+s2+$0x0], $0xffff  }
0x164: {  	v46 =	vshll.u32 v4, $0x10;
	v49 =	vld [tilespmem:s18+$0x50];
	v5 =	vadd.f32 v12, v5;
	v11 =	vmul.f32 v40, v18  }
0x165: {  	v48 =	vld.idx.msk [tilespmem:v37+s23+$0x0], $0xffff;
	v12 =	vmul.f32 v46, v13;
	v13 =	vand.u32 $0xFFFF0000, v14;
	v14 =	vshrl.u32 v62, $0x15  }
0x166: {  	v22 =	vmul.f32 v13, v43;
	v5 =	vadd.f32 v11, v5  }
0x167: {  	v13 =	vmul.f32 v16, v12;
	v12 =	vld.idx.msk [tilespmem:v44+s2+$0x0], $0xffff  }
0x168: {  	v50 =	vand.u32 $0x3FF, v45;
	v53 =	vld.idx.msk [tilespmem:v47+s23+$0x0], $0xffff;
	v51 =	vmul.f32 v27, v22;
	v5 =	vadd.f32 v17, v5  }
0x169: {  	v9 =	vand.u32 $0xFFFF0000, v9;
	v26 =	vshrl.u32 v26, $0xA;
	v59 =	vshrl.u32 v49, $0x15;
	[tilespmem:v10+s24+$0x0] =	vst.idx.add.f32.msk $0xffff, v13  }
0x16a: {  	v10 =	vshrl.u32 v45, $0x15;
	v9 =	vmul.f32 v9, v48;
	v14 =	vld.idx.msk [tilespmem:v14+s2+$0x0], $0xffff;
	v5 =	vadd.f32 v51, v5  }
0x16b: {  	v23 =	vshrl.u32 v23, $0xA;
	v55 =	vshrl.u32 v28, $0xA;
	v57 =	vand.u32 $0x3FF, v49;
	v56 =	vld [tilespmem:s18+$0x70]  }
0x16c: {  	v54 =	vand.u32 $0x3FF, v23;
	v9 =	vmul.f32 v12, v9;
	v5 =	vadd.f32 v24, v5  }
0x16d: {  	v8 =	vand.u32 $0xFFFF0000, v8;
	v52 =	vand.u32 $0x3FF, v26;
	v16 =	vld.idx.msk [tilespmem:v50+s23+$0x0], $0xffff;
	v12 =	vand.u32 $0x3FF, v55  }
0x16e: {  	v63 =	vld.idx.msk [tilespmem:v59+s2+$0x0], $0xffff;
	v58 =	vshrl.u32 v35, $0xA;
	v8 =	vmul.f32 v8, v53;
	v5 =	vadd.f32 v9, v5  }
0x16f: {  	v60 =	vshrl.u32 v62, $0xA;
	v23 =	vand.u32 $0x3FF, v58;
	v10 =	vld.idx.msk [tilespmem:v10+s2+$0x0], $0xffff  }
0x170: {  	v61 =	vld.idx.msk [tilespmem:v57+s23+$0x0], $0xffff;
	v8 =	vmul.f32 v14, v8;
	v14 =	vand.u32 $0x3FF, v56;
	v5 =	vadd.f32 v20, v5  }
0x171: {  	v7 =	vand.u32 $0xFFFF0000, v7;
	[tilespmem:v54+s24+$0x0] =	vst.idx.add.f32.msk $0xffff, v11;
	v11 =	vshrl.u32 v45, $0xA;
	v22 =	vand.u32 $0x3FF, v60  }
0x172: {  	v7 =	vmul.f32 v7, v16;
	[tilespmem:v12+s24+$0x0] =	vst.idx.add.f32.msk $0xffff, v51;
	v12 =	vshrl.u32 v56, $0x15;
	v5 =	vadd.f32 v8, v5  }
0x173: {  	[tilespmem:v52+s24+$0x0] =	vst.idx.add.f32.msk $0xffff, v42;
	v62 =	vand.u32 $0x3FF, v11  }
0x174: {  	[tilespmem:v23+s24+$0x0] =	vst.idx.add.f32.msk $0xffff, v9;
	v7 =	vmul.f32 v10, v7;
	v5 =	vadd.f32 v15, v5  }
0x175: {  	v6 =	vand.u32 $0xFFFF0000, v6;
	v10 =	vld.idx.msk [tilespmem:v14+s23+$0x0], $0xffff  }
0x176: {  	[tilespmem:v22+s24+$0x0] =	vst.idx.add.f32.msk $0xffff, v8;
	v14 =	vmul.f32 v6, v61;
	v6 =	vshrl.u32 v56, $0xA;
	v9 =	vadd.f32 v7, v5  }
0x177: {  	v8 =	vshrl.u32 v49, $0xA;
	v6 =	vand.u32 $0x3FF, v6;
	v11 =	vld.idx.msk [tilespmem:v12+s2+$0x0], $0xffff  }
0x178: {  	s19 =	simm.s32 $0x0;
	s4 =	simm.s32 $0x7AC0;
	[tilespmem:v62+s24+$0x0] =	vst.idx.add.f32.msk $0xffff, v7;
	v5 =	vand.u32 $0x3FF, v8;
	v7 =	vmul.f32 v63, v14;
	v12 =	vadd.f32 v21, v9  }
.LBB2_13:
0x179: {  	v8 =	vand.u32 $0xFFFF0000, v4;
	v4 =	vld [tilespmem:s4+$0x30]  }
0x17a: {  	v9 =	vld [tilespmem:s4+$0x20];
	v12 =	vadd.f32 v7, v12;
	v8 =	vmul.f32 v8, v10  }
0x17b: {  	s18 =	sadd.s32 $0x100, s18;
	v10 =	vld [tilespmem:s4+$0x10]  }
0x17c: {  	v14 =	vld [tilespmem:s18+$0x60];
	v12 =	vadd.f32 v13, v12;
	v8 =	vmul.f32 v11, v8  }
0x17d: {  	v11 =	vld [tilespmem:s4+$0x0]  }
0x17e: {  	v19 =	vld [tilespmem:s18+$0x40];
	v15 =	vadd.f32 v8, v12  }
0x17f: {  	v12 =	vld [tilespmem:s4+$0xFFFFFFF0]  }
0x180: {  	v20 =	vld [tilespmem:s18+$0x20]  }
0x181: {  	s19 =	sadd.s32 $0x100, s19;
	v21 =	vld [tilespmem:s18+$0xFFFFFF80]  }
0x182: {  	p1 =	slt.u32 s19, $0x300;
	v13 =	vld [tilespmem:s4+$0xFFFFFFE0]  }
0x183: {  	v22 =	vld [tilespmem:s18+$0x0]  }
0x184: {  	v16 =	vshrl.u32 v14, $0x15;
	v17 =	vld [tilespmem:s4+$0xFFFFFFD0]  }
0x185: {  	v18 =	vand.u32 $0x3FF, v14;
	v23 =	vld [tilespmem:s18+$0xFFFFFFA0]  }
0x186: {  	v24 =	vand.u32 $0x3FF, v21;
	v25 =	vld [tilespmem:s18+$0xFFFFFFE0]  }
0x187: {  	v27 =	vshrl.u32 v19, $0x15;
	v26 =	vld [tilespmem:s4+$0xFFFFFFC0]  }
0x188: {  	v28 =	vshrl.u32 v21, $0x15;
	v29 =	vld [tilespmem:s18+$0xFFFFFFC0]  }
0x189: {  	v30 =	vand.u32 $0x3FF, v19;
	v16 =	vld.idx.msk [tilespmem:v16+s2+$0x0], $0xffff  }
0x18a: {  	v31 =	vand.u32 $0x3FF, v23;
	v18 =	vld.idx.msk [tilespmem:v18+s23+$0x0], $0xffff  }
0x18b: {  	v32 =	vshrl.u32 v20, $0x15;
	v24 =	vld.idx.msk [tilespmem:v24+s23+$0x0], $0xffff  }
0x18c: {  	v33 =	vshrl.u32 v23, $0x15;
	v27 =	vld.idx.msk [tilespmem:v27+s2+$0x0], $0xffff  }
0x18d: {  	v34 =	vand.u32 $0x3FF, v25;
	v28 =	vld.idx.msk [tilespmem:v28+s2+$0x0], $0xffff  }
0x18e: {  	v35 =	vand.u32 $0x3FF, v29;
	v30 =	vld.idx.msk [tilespmem:v30+s23+$0x0], $0xffff  }
0x18f: {  	v21 =	vshrl.u32 v21, $0xA;
	v36 =	vshrl.u32 v29, $0x15;
	v31 =	vld.idx.msk [tilespmem:v31+s23+$0x0], $0xffff  }
0x190: {  	v21 =	vand.u32 $0x3FF, v21;
	v37 =	vshll.u32 v26, $0x10;
	v32 =	vld.idx.msk [tilespmem:v32+s2+$0x0], $0xffff  }
0x191: {  	v24 =	vmul.f32 v37, v24;
	v33 =	vld.idx.msk [tilespmem:v33+s2+$0x0], $0xffff  }
0x192: {  	v37 =	vshrl.u32 v25, $0x15;
	v34 =	vld.idx.msk [tilespmem:v34+s23+$0x0], $0xffff  }
0x193: {  	v23 =	vshrl.u32 v23, $0xA;
	v24 =	vmul.f32 v28, v24;
	v28 =	vld.idx.msk [tilespmem:v35+s23+$0x0], $0xffff;
	v35 =	vand.u32 $0x3FF, v22  }
0x194: {  	v38 =	vshll.u32 v17, $0x10;
	v23 =	vand.u32 $0x3FF, v23;
	v36 =	vld.idx.msk [tilespmem:v36+s2+$0x0], $0xffff  }
0x195: {  	[tilespmem:v21+s24+$0x0] =	vst.idx.add.f32.msk $0xffff, v24;
	v21 =	vmul.f32 v38, v31  }
0x196: {  	v38 =	vshrl.u32 v22, $0x15;
	v31 =	vld [tilespmem:s18+$0xFFFFFF90]  }
0x197: {  	v29 =	vshrl.u32 v29, $0xA;
	v21 =	vmul.f32 v33, v21;
	v33 =	vld.idx.msk [tilespmem:v37+s2+$0x0], $0xffff;
	v37 =	vand.u32 $0x3FF, v20  }
0x198: {  	v39 =	vshll.u32 v13, $0x10;
	v29 =	vand.u32 $0x3FF, v29;
	v35 =	vld.idx.msk [tilespmem:v35+s23+$0x0], $0xffff  }
0x199: {  	v25 =	vshrl.u32 v25, $0xA;
	[tilespmem:v23+s24+$0x0] =	vst.idx.add.f32.msk $0xffff, v21;
	v23 =	vmul.f32 v39, v28  }
0x19a: {  	v25 =	vand.u32 $0x3FF, v25;
	v39 =	vshll.u32 v12, $0x10;
	v28 =	vld [tilespmem:s18+$0xFFFFFFB0]  }
0x19b: {  	v34 =	vmul.f32 v39, v34;
	v40 =	vand.u32 $0x3FF, v31;
	v23 =	vmul.f32 v36, v23;
	v36 =	vld.idx.msk [tilespmem:v38+s2+$0x0], $0xffff  }
0x19c: {  	v38 =	vshrl.u32 v31, $0xA;
	v37 =	vld.idx.msk [tilespmem:v37+s23+$0x0], $0xffff  }
0x19d: {  	v22 =	vshrl.u32 v22, $0xA;
	v31 =	vshrl.u32 v31, $0x15;
	[tilespmem:v29+s24+$0x0] =	vst.idx.add.f32.msk $0xffff, v23;
	v29 =	vmul.f32 v33, v34  }
0x19e: {  	v22 =	vand.u32 $0x3FF, v22;
	v33 =	vand.u32 $0x3FF, v38;
	v38 =	vshll.u32 v11, $0x10;
	v34 =	vld [tilespmem:s18+$0xFFFFFFD0]  }
0x19f: {  	v39 =	vshrl.u32 v28, $0xA;
	v41 =	vand.u32 $0x3FF, v28;
	[tilespmem:v25+s24+$0x0] =	vst.idx.add.f32.msk $0xffff, v29;
	v25 =	vmul.f32 v38, v35  }
0x1a0: {  	v35 =	vld.idx.msk [tilespmem:v40+s23+$0x0], $0xffff;
	v38 =	vand.u32 $0x3FF, v39  }
0x1a1: {  	v20 =	vshrl.u32 v20, $0xA;
	v28 =	vshrl.u32 v28, $0x15;
	v39 =	vld [tilespmem:s18+$0xFFFFFFF0];
	v25 =	vmul.f32 v36, v25  }
0x1a2: {  	v20 =	vand.u32 $0x3FF, v20;
	v36 =	vshll.u32 v10, $0x10;
	v31 =	vld.idx.msk [tilespmem:v31+s2+$0x0], $0xffff  }
0x1a3: {  	v40 =	vshrl.u32 v34, $0xA;
	v42 =	vand.u32 $0x3FF, v34;
	[tilespmem:v22+s24+$0x0] =	vst.idx.add.f32.msk $0xffff, v25;
	v22 =	vmul.f32 v36, v37  }
0x1a4: {  	v19 =	vshrl.u32 v19, $0xA;
	v36 =	vld.idx.msk [tilespmem:v41+s23+$0x0], $0xffff;
	v37 =	vand.u32 $0x3FF, v40  }
0x1a5: {  	v26 =	vand.u32 $0xFFFF0000, v26;
	v34 =	vshrl.u32 v34, $0x15;
	v40 =	vld [tilespmem:s18+$0x10];
	v22 =	vmul.f32 v32, v22  }
0x1a6: {  	v19 =	vand.u32 $0x3FF, v19;
	v26 =	vmul.f32 v26, v35;
	v32 =	vshll.u32 v9, $0x10;
	v28 =	vld.idx.msk [tilespmem:v28+s2+$0x0], $0xffff  }
0x1a7: {  	v35 =	vand.u32 $0x3FF, v39;
	[tilespmem:v20+s24+$0x0] =	vst.idx.add.f32.msk $0xffff, v22;
	v20 =	vmul.f32 v32, v30;
	v30 =	vshll.u32 v4, $0x10  }
0x1a8: {  	v14 =	vshrl.u32 v14, $0xA;
	v15 =	vadd.f32 v24, v15;
	v24 =	vmul.f32 v31, v26;
	v26 =	vld.idx.msk [tilespmem:v42+s23+$0x0], $0xffff  }
0x1a9: {  	v17 =	vand.u32 $0xFFFF0000, v17;
	v31 =	vshrl.u32 v39, $0x15;
	v32 =	vld [tilespmem:s18+$0x30];
	v20 =	vmul.f32 v27, v20  }
0x1aa: {  	v14 =	vand.u32 $0x3FF, v14;
	v15 =	vadd.f32 v24, v15;
	v17 =	vmul.f32 v17, v36;
	v27 =	vld.idx.msk [tilespmem:v34+s2+$0x0], $0xffff  }
0x1ab: {  	v18 =	vmul.f32 v30, v18;
	v34 =	vshrl.u32 v39, $0xA;
	v36 =	vand.u32 $0x3FF, v40;
	[tilespmem:v19+s24+$0x0] =	vst.idx.add.f32.msk $0xffff, v20  }
0x1ac: {  	v15 =	vadd.f32 v21, v15;
	v17 =	vmul.f32 v28, v17;
	v21 =	vshrl.u32 v40, $0xA;
	v19 =	vld.idx.msk [tilespmem:v35+s23+$0x0], $0xffff  }
0x1ad: {  	v30 =	vshrl.u32 v40, $0x15;
	v28 =	vand.u32 $0xFFFF0000, v13;
	v13 =	vmul.f32 v16, v18;
	v35 =	vld [tilespmem:s18+$0x50]  }
0x1ae: {  	v15 =	vadd.f32 v17, v15;
	v16 =	vmul.f32 v28, v26;
	v18 =	vld.idx.msk [tilespmem:v31+s2+$0x0], $0xffff;
	v26 =	vshrl.u32 v32, $0xA  }
0x1af: {  	v21 =	vand.u32 $0x3FF, v21;
	v28 =	vand.u32 $0x3FF, v34;
	v31 =	vand.u32 $0x3FF, v32;
	[tilespmem:v14+s24+$0x0] =	vst.idx.add.f32.msk $0xffff, v13  }
0x1b0: {  	v14 =	vadd.f32 v23, v15;
	v15 =	vmul.f32 v27, v16;
	v23 =	vand.u32 $0x3FF, v26;
	v16 =	vld.idx.msk [tilespmem:v36+s23+$0x0], $0xffff  }
0x1b1: {  	v12 =	vand.u32 $0xFFFF0000, v12;
	v26 =	vshrl.u32 v32, $0x15;
	v27 =	vld [tilespmem:s18+$0x70]  }
0x1b2: {  	v14 =	vadd.f32 v15, v14;
	v12 =	vmul.f32 v12, v19;
	v19 =	vld.idx.msk [tilespmem:v30+s2+$0x0], $0xffff;
	v30 =	vshrl.u32 v35, $0xA  }
0x1b3: {  	[tilespmem:v33+s24+$0x0] =	vst.idx.add.f32.msk $0xffff, v24;
	v24 =	vand.u32 $0x3FF, v35;
	v30 =	vand.u32 $0x3FF, v30  }
0x1b4: {  	v14 =	vadd.f32 v29, v14;
	v12 =	vmul.f32 v18, v12;
	v18 =	vld.idx.msk [tilespmem:v31+s23+$0x0], $0xffff  }
0x1b5: {  	v11 =	vand.u32 $0xFFFF0000, v11;
	[tilespmem:v38+s24+$0x0] =	vst.idx.add.f32.msk $0xffff, v17;
	v17 =	vshrl.u32 v35, $0x15  }
0x1b6: {  	v14 =	vadd.f32 v12, v14;
	v11 =	vmul.f32 v11, v16;
	v16 =	vld.idx.msk [tilespmem:v26+s2+$0x0], $0xffff;
	v26 =	vshrl.u32 v27, $0xA  }
0x1b7: {  	[tilespmem:v37+s24+$0x0] =	vst.idx.add.f32.msk $0xffff, v15;
	v15 =	vand.u32 $0x3FF, v27;
	v26 =	vand.u32 $0x3FF, v26  }
0x1b8: {  	v14 =	vadd.f32 v25, v14;
	v11 =	vmul.f32 v19, v11;
	v19 =	vld.idx.msk [tilespmem:v24+s23+$0x0], $0xffff  }
0x1b9: {  	v10 =	vand.u32 $0xFFFF0000, v10;
	[tilespmem:v28+s24+$0x0] =	vst.idx.add.f32.msk $0xffff, v12;
	v12 =	vshrl.u32 v27, $0x15  }
0x1ba: {  	v14 =	vadd.f32 v11, v14;
	v10 =	vmul.f32 v10, v18;
	v17 =	vld.idx.msk [tilespmem:v17+s2+$0x0], $0xffff  }
0x1bb: {  	[tilespmem:v21+s24+$0x0] =	vst.idx.add.f32.msk $0xffff, v11  }
.Ltmp5:
0x1bc: {  	v11 =	vadd.f32 v22, v14;
	v14 =	vmul.f32 v16, v10;
	v10 =	vld.idx.msk [tilespmem:v15+s23+$0x0], $0xffff;
	(pc) =	sbr.rel @p1 .LBB2_13-.Ltmp5, $4  }
0x1bd: {  	v9 =	vand.u32 $0xFFFF0000, v9;
	[tilespmem:v5+s24+$0x0] =	vst.idx.add.f32.msk $0xffff, v7;
	v5 =	vmov v30  }
0x1be: {  	v7 =	vadd.f32 v14, v11;
	v9 =	vmul.f32 v9, v19;
	v11 =	vld.idx.msk [tilespmem:v12+s2+$0x0], $0xffff  }
0x1bf: {  	[tilespmem:v23+s24+$0x0] =	vst.idx.add.f32.msk $0xffff, v14  }
0x1c0: {  	s4 =	sadd.s32 $0x80, s4;
	v12 =	vadd.f32 v20, v7;
	v7 =	vmul.f32 v17, v9;
	[tilespmem:v6+s24+$0x0] =	vst.idx.add.f32.msk $0xffff, v8;
	v6 =	vmov v26  }
0x1c1: {  	v4 =	vand.u32 $0xFFFF0000, v4  }
0x1c2: {  	v8 =	vadd.f32 v7, v12;
	v4 =	vmul.f32 v4, v10;
	_ =	sdelay $0x1  }
0x1c3: {  	v8 =	vadd.f32 v13, v8;
	v4 =	vmul.f32 v11, v4;
	_ =	sdelay $0x1  }
0x1c4: {  	v8 =	vadd.f32 v4, v8;
	_ =	sdelay $0x1  }
0x1c5: {  	(xrf2) =	vadd.scan.msk.f32 $0xffff, v8;
	_ =	sdelay $0x9  }
0x1c6: {  	v8, _, _ =	vpop (xrf2)  }
0x1c7: {  	(v2sf) =	vpush v8, $0xF;
	_ =	sdelay $0xe  }
0x1c8: {  	s4 =	spop (v2sf)  }
0x1c9: {  	s4 =	sadd.f32 $1.000000000e-30, s4;
	_ =	sdelay $0x1  }
0x1ca: {  	v63 =	vmov s4  }
0x1cb: {  	(erf) = vrcp.f32 v63;
	_ =	sdelay $0x6  }
0x1cc: {  	[tilespmem:v5+s24+$0x0] =	vst.idx.add.f32.msk $0xffff, v7  }
0x1cd: {  	[tilespmem:v6+s24+$0x0] =	vst.idx.add.f32.msk $0xffff, v4  }
0x1ce: {  	p1 =	por $0x1, $0x1;
	s4 =	simm.s32 $0x0;
	[tilespmem:v3+s25+$0x0] =	vst.idx.msk $0x1, v63;
	v4 =	vpop (erf)  }
.LBB2_15:
0x1cf: {  	v3 =	vld [tilespmem:s4+$0x8E00]  }
0x1d0: {  	v5 =	vld [tilespmem:s4+$0x8C00]  }
0x1d1: {  	v6 =	vld [tilespmem:s4+$0x8E10]  }
0x1d2: {  	v7 =	vld [tilespmem:s4+$0x8C10]  }
0x1d3: {  	v8 =	vld [tilespmem:s4+$0x8E20]  }
0x1d4: {  	v9 =	vld [tilespmem:s4+$0x8C20]  }
0x1d5: {  	v10 =	vld [tilespmem:s4+$0x8E30]  }
0x1d6: {  	v11 =	vld [tilespmem:s4+$0x8C30]  }
0x1d7: {  	v12 =	vld [tilespmem:s4+$0x8E40]  }
0x1d8: {  	v13 =	vld [tilespmem:s4+$0x8C40]  }
0x1d9: {  	v14 =	vld [tilespmem:s4+$0x8E50]  }
0x1da: {  	v15 =	vld [tilespmem:s4+$0x8C50]  }
0x1db: {  	v16 =	vld [tilespmem:s4+$0x8E60];
	v3 =	vmul.f32 v3, v4;
	v5 =	vmul.f32 $9.999999740e-06, v5  }
0x1dc: {  	v17 =	vld [tilespmem:s4+$0x8C60];
	v6 =	vmul.f32 v6, v4;
	v7 =	vmul.f32 $9.999999740e-06, v7  }
0x1dd: {  	v59 =	vmul.f32 $9.999999740e-06, v9;
	v3 =	vadd.f32 v5, v3;
	v5 =	vmul.f32 v8, v4  }
0x1de: {  	[tilespmem:s4+$0x8E00] =	vst v0;
	v60 =	vmul.f32 $9.999999740e-06, v11;
	v6 =	vadd.f32 v7, v6;
	v7 =	vmul.f32 v10, v4  }
0x1df: {  	v61 =	vmul.f32 $9.999999740e-06, v13;
	[tilespmem:s4+$0x8F00] =	vst v3;
	v3 =	vadd.f32 v59, v5;
	v5 =	vmul.f32 v12, v4  }
0x1e0: {  	v62 =	vmul.f32 $9.999999740e-06, v15;
	[tilespmem:s4+$0x8F10] =	vst v6;
	v6 =	vadd.f32 v60, v7;
	v7 =	vmul.f32 v14, v4  }
0x1e1: {  	v63 =	vmul.f32 $9.999999740e-06, v17;
	[tilespmem:s4+$0x8F20] =	vst v3;
	v3 =	vadd.f32 v61, v5;
	v5 =	vmul.f32 v16, v4  }
0x1e2: {  	[tilespmem:s4+$0x8F30] =	vst v6;
	v6 =	vadd.f32 v62, v7  }
0x1e3: {  	[tilespmem:s4+$0x8F40] =	vst v3;
	v3 =	vadd.f32 v63, v5;
	v5 =	vld [tilespmem:s4+$0x8E70]  }
0x1e4: {  	[tilespmem:s4+$0x8F50] =	vst v6;
	v6 =	vld [tilespmem:s4+$0x8C70]  }
0x1e5: {  	[tilespmem:s4+$0x8E10] =	vst v0  }
0x1e6: {  	[tilespmem:s4+$0x8E20] =	vst v0  }
0x1e7: {  	[tilespmem:s4+$0x8E30] =	vst v0  }
0x1e8: {  	[tilespmem:s4+$0x8E40] =	vst v0;
	p2 =	por p1, p1  }
.Ltmp6:
0x1e9: {  	[tilespmem:s4+$0x8F60] =	vst v3;
	v3 =	vmul.f32 v5, v4;
	v5 =	vmul.f32 $9.999999740e-06, v6;
	(pc) =	sbr.rel @p2 .LBB2_15-.Ltmp6, $4  }
0x1ea: {  	[tilespmem:s4+$0x8E50] =	vst v0  }
0x1eb: {  	[tilespmem:s4+$0x8E60] =	vst v0;
	v3 =	vadd.f32 v5, v3  }
0x1ec: {  	[tilespmem:s4+$0x8E70] =	vst v0  }
0x1ed: {  	p1 =	por $0x0, $0x0;
	[tilespmem:s4+$0x8F70] =	vst v3;
	s4 =	simm.s32 $0x80  }
0x1ee: {  	_ =	swait.ge [sflag:s26], $0x800  }
0x1ef: {  	[sflag:s26] =	ssyncset.done $0x0  }
0x1f0: {  	s4 =	simm.s32 $0x9840;
	[sflag:s26] =	ssyncadd.s32 $0xFFFFF800  }
0x1f1: {  	v3 =	vld [tilespmem:s4+$0xFFFFFFD0]  }
0x1f2: {  	v4 =	vld [tilespmem:s4+$0x30]  }
0x1f3: {  	v5 =	vld [tilespmem:s4+$0x20]  }
0x1f4: {  	v6 =	vld [tilespmem:s4+$0x0]  }
0x1f5: {  	v7 =	vld [tilespmem:s4+$0xFFFFFFE0]  }
0x1f6: {  	v8 =	vld [tilespmem:s4+$0xFFFFFFC0]  }
0x1f7: {  	v9 =	vld [tilespmem:s4+$0xFFFFFFF0]  }
0x1f8: {  	v10 =	vld [tilespmem:s4+$0x10];
	_ =	sdelay $0x1  }
0x1f9: {  	v3 =	vmax.f32 v3, $-3.000000000e+01;
	v5 =	vmax.f32 v5, $-3.000000000e+01  }
0x1fa: {  	v4 =	vmax.f32 v4, $-3.000000000e+01;
	v6 =	vmax.f32 v6, $-3.000000000e+01;
	v3 =	vmin.f32 v3, $3.000000000e+01  }
0x1fb: {  	v7 =	vmax.f32 v7, $-3.000000000e+01;
	v8 =	vmax.f32 v8, $-3.000000000e+01;
	v3 =	vmul.f32 $1.442695020e+00, v3  }
0x1fc: {  	s5 =	simm.s32 $0x98C0;
	v9 =	vmax.f32 v9, $-3.000000000e+01;
	v10 =	vmax.f32 v10, $-3.000000000e+01;
	v4 =	vmin.f32 v4, $3.000000000e+01  }
0x1fd: {  	v11 =	vld [tilespmem:s5+$0xFFFFFFD0];
	v7 =	vmin.f32 v7, $3.000000000e+01;
	v4 =	vmul.f32 $1.442695020e+00, v4;
	(erf) = vpow2.f32 v3  }
0x1fe: {  	v12 =	vld [tilespmem:s5+$0x20];
	v5 =	vmin.f32 v5, $3.000000000e+01;
	v8 =	vmin.f32 v8, $3.000000000e+01;
	v13 =	vmul.f32 $1.442695020e+00, v7  }
0x1ff: {  	v14 =	vld [tilespmem:s5+$0xFFFFFFE0];
	v6 =	vmin.f32 v6, $3.000000000e+01;
	v3 =	vmul.f32 $1.442695020e+00, v5;
	(erf) = vpow2.f32 v4  }
0x200: {  	v7 =	vmin.f32 v10, $3.000000000e+01;
	v6 =	vmul.f32 $1.442695020e+00, v6;
	v5 =	vld [tilespmem:s5+$0x30];
	v4 =	vmul.f32 $1.442695020e+00, v8  }
0x201: {  	v7 =	vmul.f32 $1.442695020e+00, v7;
	v8 =	vld [tilespmem:s5+$0x0];
	(erf) = vpow2.f32 v3;
	v3 =	vmin.f32 v9, $3.000000000e+01  }
0x202: {  	(erf) = vpow2.f32 v4;
	v9 =	vmul.f32 $1.442695020e+00, v3;
	v3 =	vld [tilespmem:s5+$0x10]  }
0x203: {  	v10 =	vmax.f32 v12, $-3.000000000e+01;
	(erf) = vpow2.f32 v7;
	v7 =	vld [tilespmem:s5+$0xFFFFFFC0]  }
0x204: {  	v4 =	vmax.f32 v11, $-3.000000000e+01;
	v11 =	vmin.f32 v10, $3.000000000e+01;
	(erf) = vpow2.f32 v6;
	v6 =	vld [tilespmem:s5+$0xFFFFFFF0]  }
0x205: {  	v4 =	vmin.f32 v4, $3.000000000e+01;
	v5 =	vmax.f32 v5, $-3.000000000e+01;
	(erf) = vpow2.f32 v9  }
0x206: {  	s4 =	simm.s32 $0xA040;
	v9 =	vmul.f32 $1.442695020e+00, v4;
	v4 =	vmax.f32 v8, $-3.000000000e+01;
	v10 =	vmin.f32 v5, $3.000000000e+01;
	v63 =	vpop (erf)  }
0x207: {  	s6 =	simm.s32 $0x80;
	s7 =	simm.s32 $0x9940;
	s5 =	simm.s32 $0xA040;
	v8 =	vmax.f32 v14, $-3.000000000e+01;
	v5 =	vmul.f32 $1.442695020e+00, v11;
	(erf) = vpow2.f32 v13;
	[tilespmem:s4+$0xFFFFFFD0] =	vst v63  }
.LBB2_17:
0x208: {  	v11 =	vld [tilespmem:s7+$0xFFFFFFD0];
	s6 =	sadd.s32 $0x80, s6;
	v7 =	vmax.f32 v7, $-3.000000000e+01;
	v14 =	vmul.f32 $1.442695020e+00, v10;
	(erf) = vpow2.f32 v9;
	s4 =	sadd.s32 $0x80, s4;
	v9 =	vpop (erf)  }
0x209: {  	v13 =	vmax.f32 v3, $-3.000000000e+01;
	v12 =	vld [tilespmem:s7+$0x30];
	p1 =	slt.u32 s6, $0x780;
	v7 =	vmin.f32 v7, $3.000000000e+01;
	v6 =	vmax.f32 v6, $-3.000000000e+01;
	[tilespmem:s5+$0x30] =	vst v9  }
0x20a: {  	v8 =	vmin.f32 v8, $3.000000000e+01;
	v9 =	vld [tilespmem:s7+$0x20];
	v6 =	vmin.f32 v6, $3.000000000e+01;
	(erf) = vpow2.f32 v14;
	v10 =	vpop (erf)  }
0x20b: {  	v7 =	vmul.f32 $1.442695020e+00, v7;
	v14 =	vmul.f32 $1.442695020e+00, v8;
	v8 =	vmin.f32 v13, $3.000000000e+01;
	v3 =	vld [tilespmem:s7+$0x10];
	[tilespmem:s5+$0x20] =	vst v10;
	v10 =	vpop (erf)  }
0x20c: {  	v4 =	vmin.f32 v4, $3.000000000e+01;
	v8 =	vmul.f32 $1.442695020e+00, v8;
	v13 =	vld [tilespmem:s7+$0x0];
	(erf) = vpow2.f32 v5;
	[tilespmem:s5+$0xFFFFFFC0] =	vst v10;
	v5 =	vpop (erf)  }
0x20d: {  	v4 =	vmul.f32 $1.442695020e+00, v4;
	v10 =	vmax.f32 v11, $-3.000000000e+01;
	v11 =	vld [tilespmem:s7+$0xFFFFFFE0];
	(erf) = vpow2.f32 v7;
	[tilespmem:s5+$0x10] =	vst v5;
	v5 =	vpop (erf)  }
.Ltmp7:
0x20e: {  	v15 =	vmul.f32 $1.442695020e+00, v6;
	v7 =	vld [tilespmem:s7+$0xFFFFFFC0];
	(erf) = vpow2.f32 v8;
	[tilespmem:s5+$0x0] =	vst v5;
	v5 =	vpop (erf);
	(pc) =	sbr.rel @p1 .LBB2_17-.Ltmp7, $4  }
0x20f: {  	v16 =	vmax.f32 v12, $-3.000000000e+01;
	v6 =	vld [tilespmem:s7+$0xFFFFFFF0];
	v9 =	vmax.f32 v9, $-3.000000000e+01;
	(erf) = vpow2.f32 v4;
	[tilespmem:s5+$0xFFFFFFF0] =	vst v5  }
0x210: {  	v4 =	vmin.f32 v10, $3.000000000e+01;
	v5 =	vmin.f32 v9, $3.000000000e+01;
	(erf) = vpow2.f32 v15;
	v8 =	vpop (erf)  }
0x211: {  	v10 =	vmin.f32 v16, $3.000000000e+01;
	v9 =	vmul.f32 $1.442695020e+00, v4;
	v4 =	vmax.f32 v13, $-3.000000000e+01;
	v12 =	vpop (erf);
	[tilespmem:s5+$0xFFFFFFE0] =	vst v8;
	s5 =	smov.u32 s4  }
0x212: {  	s7 =	sadd.s32 $0x80, s7;
	v5 =	vmul.f32 $1.442695020e+00, v5;
	v8 =	vmax.f32 v11, $-3.000000000e+01;
	[tilespmem:s4+$0xFFFFFFD0] =	vst v12;
	(erf) = vpow2.f32 v14  }
0x213: {  	v7 =	vmax.f32 v7, $-3.000000000e+01;
	v10 =	vmul.f32 $1.442695020e+00, v10  }
0x214: {  	(erf) = vpow2.f32 v9;
	v3 =	vmax.f32 v3, $-3.000000000e+01;
	v4 =	vmin.f32 v4, $3.000000000e+01  }
0x215: {  	v7 =	vmin.f32 v7, $3.000000000e+01;
	v6 =	vmax.f32 v6, $-3.000000000e+01;
	v4 =	vmul.f32 $1.442695020e+00, v4  }
0x216: {  	v3 =	vmin.f32 v3, $3.000000000e+01;
	(erf) = vpow2.f32 v10;
	v7 =	vmul.f32 $1.442695020e+00, v7  }
0x217: {  	v9 =	vpop (erf);
	v3 =	vmul.f32 $1.442695020e+00, v3;
	(erf) = vpow2.f32 v5;
	v5 =	vmin.f32 v6, $3.000000000e+01  }
0x218: {  	[tilespmem:s5+$0x30] =	vst v9;
	v6 =	vpop (erf);
	(erf) = vpow2.f32 v7;
	v7 =	vmin.f32 v8, $3.000000000e+01;
	v5 =	vmul.f32 $1.442695020e+00, v5  }
0x219: {  	[tilespmem:s5+$0x20] =	vst v6;
	v6 =	vpop (erf);
	(erf) = vpow2.f32 v3;
	v3 =	vmul.f32 $1.442695020e+00, v7  }
0x21a: {  	[tilespmem:s5+$0xFFFFFFC0] =	vst v6;
	v6 =	vpop (erf);
	(erf) = vpow2.f32 v4  }
0x21b: {  	[tilespmem:s5+$0x10] =	vst v6;
	v4 =	vpop (erf);
	(erf) = vpow2.f32 v5  }
0x21c: {  	[tilespmem:s5+$0x0] =	vst v4;
	v4 =	vpop (erf);
	(erf) = vpow2.f32 v3  }
0x21d: {  	v3 =	vpop (erf);
	[tilespmem:s5+$0xFFFFFFF0] =	vst v4  }
0x21e: {  	s4 =	sadd.s32 $0x80, s4;
	v4 =	vpop (erf);
	[tilespmem:s5+$0xFFFFFFE0] =	vst v3  }
0x21f: {  	[tilespmem:s4+$0xFFFFFFD0] =	vst v4;
	v3 =	vpop (erf)  }
0x220: {  	s5 =	sadd.s32 @!p0 $0x3, s30;
	[tilespmem:s4+$0x30] =	vst v3;
	v3 =	vpop (erf)  }
0x221: {  	s6 =	sshll.u32 @!p0 s5, $0xB;
	[tilespmem:s4+$0x20] =	vst v3;
	v3 =	vpop (erf)  }
0x222: {  	s5 =	sshll.u32 @!p0 s5, $0x7;
	s6 =	sand.u32 @!p0 $0x7C000, s6;
	[tilespmem:s4+$0xFFFFFFC0] =	vst v3;
	v3 =	vpop (erf)  }
0x223: {  	s5 =	sand.u32 @!p0 $0x380, s5;
	s6 =	sadd.s32 @!p0 s9, s6;
	[tilespmem:s4+$0x10] =	vst v3;
	v3 =	vpop (erf)  }
0x224: {  	s5 =	sor.u32 @!p0 s5, s6;
	[tilespmem:s4+$0x0] =	vst v3;
	v3 =	vpop (erf)  }
0x225: {  	s7 =	simm.s32 @!p0 $0x9800;
	s5 =	sshrl.u32 @!p0 s5, $0x3;
	[tilespmem:s4+$0xFFFFFFF0] =	vst v3;
	v3 =	vpop (erf)  }
0x226: {  	s6 =	simm.s32 @!p0 $0x400;
	s5 =	sadd.s32 @!p0 s3, s5;
	[tilespmem:s4+$0xFFFFFFE0] =	vst v3;
	s4 =	simm.s32 @!p0 $0x80  }
0x227: {  	[tilespmem:s7], [sflag:$0x2] =	stream.strided.gather @!p0 [hbm4b:s5+s4], $0x800, s6, s4, $0x38;
	[tilespmem:$0xA900] =	vst v63  }
0x228: {  	s4 =	simm.s32 $0x50  }
0x229: {  	v5 =	vld [tilespmem:s4+$0xFFFFFFB0];
	_ =	sdelay $0x1  }
0x22a: {  	v6 =	vld [tilespmem:s4+$0xFFFFFFD0]  }
0x22b: {  	s18 =	simm.s32 $0x40;
	v8 =	vld [tilespmem:s4+$0x10]  }
0x22c: {  	s6 =	simm.s32 $0x30;
	s7 =	sand.u32 $0x7FF0, s18;
	v9 =	vld [tilespmem:s4+$0xFFFFFFF0]  }
0x22d: {  	s8 =	simm.s32 $0x0;
	s5 =	sand.u32 $0x7FF0, s6;
	v3 =	vld [tilespmem:s7+$0x4E80];
	v7 =	vand.u32 $0x3FF, v5  }
0x22e: {  	s19 =	simm.s32 $0x0;
	s7 =	sand.u32 $0x3FF0, s8;
	s8 =	simm.s32 $0x80;
	v4 =	vld [tilespmem:s5+$0x4E80]  }
0x22f: {  	v11 =	vld [tilespmem:s7+$0x4E80];
	s5 =	sand.u32 $0xFF80, s8;
	s7 =	sand.u32 $0x60, s19;
	v10 =	vshrl.u32 v5, $0x15  }
0x230: {  	s5 =	sor.u32 s7, s5;
	v12 =	vand.u32 $0x3FF, v6  }
0x231: {  	s8 =	simm.s32 $0x10;
	v15 =	vld [tilespmem:s5+$0x0]  }
0x232: {  	s7 =	sand.u32 $0x7FF0, s8;
	v14 =	vshrl.u32 v6, $0x15;
	v13 =	vld.idx.msk [tilespmem:v7+s0+$0x0], $0xffff  }
0x233: {  	v17 =	vld [tilespmem:s7+$0x4E80];
	v16 =	vand.u32 $0x3FF, v8  }
0x234: {  	s8 =	simm.s32 $0x20;
	v18 =	vand.u32 $0x3FF, v9;
	v10 =	vld.idx.msk [tilespmem:v10+s2+$0x0], $0xffff  }
0x235: {  	s5 =	sand.u32 $0x7FF0, s8;
	v5 =	vshrl.u32 v5, $0xA;
	v19 =	vshrl.u32 v9, $0x15;
	v12 =	vld.idx.msk [tilespmem:v12+s0+$0x0], $0xffff  }
0x236: {  	v20 =	vshll.u32 v11, $0x10;
	v5 =	vand.u32 $0x3FF, v5;
	v7 =	vld [tilespmem:s5+$0x4E80]  }
0x237: {  	v14 =	vld.idx.msk [tilespmem:v14+s2+$0x0], $0xffff;
	v13 =	vmul.f32 v20, v13  }
0x238: {  	v16 =	vld.idx.msk [tilespmem:v16+s0+$0x0], $0xffff;
	v20 =	vshrl.u32 v8, $0x15  }
0x239: {  	v6 =	vshrl.u32 v6, $0xA;
	v13 =	vmul.f32 v10, v13;
	v10 =	vld.idx.msk [tilespmem:v18+s0+$0x0], $0xffff;
	v18 =	vand.u32 $0x3FF, v15  }
0x23a: {  	v6 =	vand.u32 $0x3FF, v6;
	v21 =	vshll.u32 v17, $0x10;
	v19 =	vld.idx.msk [tilespmem:v19+s2+$0x0], $0xffff  }
0x23b: {  	[tilespmem:v5+s20+$0x0] =	vst.idx.add.f32.msk $0xffff, v13;
	v5 =	vmul.f32 v21, v12  }
0x23c: {  	v21 =	vld [tilespmem:s4+$0xFFFFFFC0]  }
0x23d: {  	v22 =	vshrl.u32 v15, $0x15;
	v23 =	vmul.f32 v14, v5;
	v5 =	vshrl.u32 v9, $0xA;
	v9 =	vld.idx.msk [tilespmem:v20+s2+$0x0], $0xffff  }
0x23e: {  	v12 =	vshll.u32 v7, $0x10;
	v5 =	vand.u32 $0x3FF, v5;
	v14 =	vld.idx.msk [tilespmem:v18+s0+$0x0], $0xffff  }
0x23f: {  	v8 =	vshrl.u32 v8, $0xA;
	[tilespmem:v6+s20+$0x0] =	vst.idx.add.f32.msk $0xffff, v23;
	v6 =	vmul.f32 v12, v10  }
0x240: {  	v8 =	vand.u32 $0x3FF, v8;
	v10 =	vshll.u32 v4, $0x10;
	v18 =	vld [tilespmem:s4+$0xFFFFFFE0]  }
0x241: {  	v20 =	vand.u32 $0x3FF, v21;
	v12 =	vmul.f32 v19, v6;
	v6 =	vmul.f32 v10, v16  }
0x242: {  	v10 =	vld.idx.msk [tilespmem:v22+s2+$0x0], $0xffff  }
0x243: {  	v16 =	vshrl.u32 v21, $0x15;
	[tilespmem:v5+s20+$0x0] =	vst.idx.add.f32.msk $0xffff, v12;
	v9 =	vmul.f32 v9, v6;
	v5 =	vshrl.u32 v15, $0xA  }
0x244: {  	v15 =	vshll.u32 v3, $0x10;
	v6 =	vld [tilespmem:s4+$0x0];
	v5 =	vand.u32 $0x3FF, v5  }
0x245: {  	v19 =	vand.u32 $0x3FF, v18;
	[tilespmem:v8+s20+$0x0] =	vst.idx.add.f32.msk $0xffff, v9;
	v8 =	vmul.f32 v15, v14  }
0x246: {  	v14 =	vld.idx.msk [tilespmem:v20+s0+$0x0], $0xffff  }
0x247: {  	v20 =	vshrl.u32 v18, $0x15;
	v22 =	vld [tilespmem:s4+$0x20];
	v10 =	vmul.f32 v10, v8  }
0x248: {  	v8 =	vld.idx.msk [tilespmem:v16+s2+$0x0], $0xffff  }
0x249: {  	v16 =	vand.u32 $0x3FF, v6;
	[tilespmem:v5+s20+$0x0] =	vst.idx.add.f32.msk $0xffff, v10  }
0x24a: {  	v11 =	vand.u32 $0xFFFF0000, v11;
	v5 =	vshrl.u32 v21, $0xA;
	v21 =	vshrl.u32 v6, $0x15;
	v19 =	vld.idx.msk [tilespmem:v19+s0+$0x0], $0xffff  }
0x24b: {  	v24 =	vand.u32 $0x3FF, v5;
	v5 =	vshrl.u32 v18, $0xA;
	v15 =	vld [tilespmem:s4+$0x40];
	v11 =	vmul.f32 v11, v14  }
0x24c: {  	v18 =	vimm.f32 $0.0e+00;
	v14 =	vand.u32 $0x3FF, v5;
	v25 =	vld.idx.msk [tilespmem:v20+s2+$0x0], $0xffff;
	v26 =	vand.u32 $0x3FF, v22  }
0x24d: {  	v5 =	vshrl.u32 v6, $0xA;
	v13 =	vadd.f32 v13, v18;
	v8 =	vmul.f32 v8, v11  }
0x24e: {  	v6 =	vshrl.u32 v22, $0xA;
	v11 =	vld.idx.msk [tilespmem:v16+s0+$0x0], $0xffff;
	v16 =	vand.u32 $0xFFFF0000, v17;
	v17 =	vshrl.u32 v22, $0x15  }
0x24f: {  	v5 =	vand.u32 $0x3FF, v5;
	v13 =	vadd.f32 v8, v13;
	v19 =	vmul.f32 v16, v19;
	v16 =	vld.idx.msk [tilespmem:v21+s2+$0x0], $0xffff  }
0x250: {  	v6 =	vand.u32 $0x3FF, v6;
	v20 =	vshrl.u32 v15, $0xA;
	[tilespmem:v24+s20+$0x0] =	vst.idx.add.f32.msk $0xffff, v8;
	v18 =	vand.u32 $0x3FF, v15  }
0x251: {  	s4 =	sor.u32 $0x1, s30;
	s30 =	simm.s32 $0xF0;
	v8 =	vand.u32 $0x3FF, v20;
	v20 =	vadd.f32 v23, v13;
	v13 =	vmul.f32 v25, v19;
	v19 =	vld.idx.msk [tilespmem:v26+s0+$0x0], $0xffff  }
.LBB2_19:
0x252: {  	v21 =	vld [tilespmem:s30+$0xFFFFFFB0];
	v7 =	vand.u32 $0xFFFF0000, v7;
	v15 =	vshrl.u32 v15, $0x15  }
0x253: {  	v20 =	vadd.f32 v13, v20;
	v7 =	vmul.f32 v7, v11;
	v17 =	vld.idx.msk [tilespmem:v17+s2+$0x0], $0xffff  }
0x254: {  	[tilespmem:v14+s20+$0x0] =	vst.idx.add.f32.msk $0xffff, v13  }
0x255: {  	v12 =	vadd.f32 v12, v20;
	v11 =	vmul.f32 v16, v7;
	v7 =	vld.idx.msk [tilespmem:v18+s0+$0x0], $0xffff  }
0x256: {  	v4 =	vand.u32 $0xFFFF0000, v4;
	v14 =	vld [tilespmem:s30+$0xFFFFFFD0]  }
0x257: {  	v4 =	vmul.f32 v4, v19;
	v12 =	vadd.f32 v11, v12;
	v15 =	vld.idx.msk [tilespmem:v15+s2+$0x0], $0xffff  }
0x258: {  	s18 =	sadd.s32 $0x50, s18;
	v16 =	vand.u32 $0x3FF, v21;
	v18 =	vld [tilespmem:s30+$0x10]  }
0x259: {  	s5 =	sadd.s32 $0xFFFFFFF0, s18;
	s6 =	sand.u32 $0x7FF0, s18;
	v13 =	vmul.f32 v17, v4;
	v19 =	vld [tilespmem:s30+$0xFFFFFFF0];
	v9 =	vadd.f32 v9, v12  }
0x25a: {  	s7 =	sadd.s32 $0xFFFFFFC0, s18;
	s5 =	sand.u32 $0x7FF0, s5;
	v17 =	vand.u32 $0xFFFF0000, v3;
	v12 =	vshrl.u32 v21, $0x15;
	v3 =	vld [tilespmem:s6+$0x4E80]  }
0x25b: {  	s6 =	sand.u32 $0x3FF0, s7;
	v7 =	vmul.f32 v17, v7;
	v4 =	vld [tilespmem:s5+$0x4E80];
	s5 =	sadd.s32 $0x120, s19;
	s19 =	sadd.s32 $0xA0, s19;
	v9 =	vadd.f32 v13, v9  }
0x25c: {  	v20 =	vand.u32 $0x3FF, v14;
	v17 =	vld [tilespmem:s6+$0x4E80];
	s5 =	sand.u32 $0xFF80, s5;
	s6 =	sand.u32 $0x60, s19;
	p0 =	slt.u32 s19, $0x4D80  }
0x25d: {  	v16 =	vld.idx.msk [tilespmem:v16+s0+$0x0], $0xffff;
	s5 =	sor.u32 s6, s5;
	v9 =	vadd.f32 v10, v9;
	v10 =	vmul.f32 v15, v7  }
0x25e: {  	s6 =	sadd.s32 $0xFFFFFFD0, s18;
	v15 =	vshrl.u32 v14, $0x15;
	v22 =	vld [tilespmem:s5+$0x0]  }
0x25f: {  	v23 =	vand.u32 $0x3FF, v18;
	s5 =	sand.u32 $0x7FF0, s6;
	v12 =	vld.idx.msk [tilespmem:v12+s2+$0x0], $0xffff;
	v24 =	vadd.f32 v10, v9  }
0x260: {  	v9 =	vand.u32 $0x3FF, v19;
	v25 =	vld [tilespmem:s5+$0x4E80];
	s5 =	sadd.s32 $0xFFFFFFE0, s18  }
0x261: {  	v7 =	vshrl.u32 v21, $0xA;
	v21 =	vshrl.u32 v19, $0x15;
	v20 =	vld.idx.msk [tilespmem:v20+s0+$0x0], $0xffff;
	s5 =	sand.u32 $0x7FF0, s5  }
0x262: {  	v27 =	vand.u32 $0x3FF, v7;
	v26 =	vshll.u32 v17, $0x10;
	v7 =	vld [tilespmem:s5+$0x4E80]  }
0x263: {  	v16 =	vmul.f32 v26, v16;
	v15 =	vld.idx.msk [tilespmem:v15+s2+$0x0], $0xffff  }
0x264: {  	v26 =	vshrl.u32 v18, $0x15;
	v23 =	vld.idx.msk [tilespmem:v23+s0+$0x0], $0xffff  }
0x265: {  	v16 =	vmul.f32 v12, v16;
	v12 =	vshrl.u32 v14, $0xA;
	v14 =	vand.u32 $0x3FF, v22;
	v9 =	vld.idx.msk [tilespmem:v9+s0+$0x0], $0xffff  }
0x266: {  	v28 =	vshll.u32 v25, $0x10;
	v12 =	vand.u32 $0x3FF, v12;
	v21 =	vld.idx.msk [tilespmem:v21+s2+$0x0], $0xffff  }
0x267: {  	v20 =	vmul.f32 v28, v20;
	[tilespmem:v27+s20+$0x0] =	vst.idx.add.f32.msk $0xffff, v16  }
0x268: {  	v28 =	vshrl.u32 v22, $0x15;
	v27 =	vld [tilespmem:s30+$0xFFFFFFC0]  }
0x269: {  	v20 =	vmul.f32 v15, v20;
	v15 =	vshrl.u32 v19, $0xA;
	v19 =	vld.idx.msk [tilespmem:v26+s2+$0x0], $0xffff  }
0x26a: {  	v26 =	vshll.u32 v7, $0x10;
	v15 =	vand.u32 $0x3FF, v15;
	v14 =	vld.idx.msk [tilespmem:v14+s0+$0x0], $0xffff  }
0x26b: {  	v9 =	vmul.f32 v26, v9;
	[tilespmem:v12+s20+$0x0] =	vst.idx.add.f32.msk $0xffff, v20;
	v12 =	vshrl.u32 v18, $0xA  }
0x26c: {  	v26 =	vshll.u32 v4, $0x10;
	v18 =	vld [tilespmem:s30+$0xFFFFFFE0];
	v29 =	vand.u32 $0x3FF, v12  }
0x26d: {  	v12 =	vmul.f32 v21, v9;
	v9 =	vmul.f32 v26, v23;
	v30 =	vand.u32 $0x3FF, v27;
	v21 =	vld.idx.msk [tilespmem:v28+s2+$0x0], $0xffff  }
0x26e: {  	v23 =	vshrl.u32 v27, $0xA;
	[tilespmem:v8+s20+$0x0] =	vst.idx.add.f32.msk $0xffff, v10  }
0x26f: {  	v8 =	vshrl.u32 v27, $0x15;
	v9 =	vmul.f32 v19, v9;
	v10 =	vshrl.u32 v22, $0xA;
	[tilespmem:v15+s20+$0x0] =	vst.idx.add.f32.msk $0xffff, v12  }
0x270: {  	v19 =	vand.u32 $0x3FF, v23;
	v22 =	vshll.u32 v3, $0x10;
	v23 =	vand.u32 $0x3FF, v10;
	v15 =	vld [tilespmem:s30+$0x0]  }
0x271: {  	v22 =	vmul.f32 v22, v14;
	v10 =	vshrl.u32 v18, $0xA;
	v26 =	vand.u32 $0x3FF, v18;
	[tilespmem:v29+s20+$0x0] =	vst.idx.add.f32.msk $0xffff, v9  }
0x272: {  	v27 =	vld.idx.msk [tilespmem:v30+s0+$0x0], $0xffff;
	v14 =	vand.u32 $0x3FF, v10  }
0x273: {  	v18 =	vshrl.u32 v18, $0x15;
	v10 =	vmul.f32 v21, v22;
	v28 =	vld [tilespmem:s30+$0x20]  }
0x274: {  	v8 =	vld.idx.msk [tilespmem:v8+s2+$0x0], $0xffff  }
0x275: {  	v21 =	vshrl.u32 v15, $0xA;
	v22 =	vand.u32 $0x3FF, v15;
	[tilespmem:v23+s20+$0x0] =	vst.idx.add.f32.msk $0xffff, v10  }
0x276: {  	v23 =	vld.idx.msk [tilespmem:v26+s0+$0x0], $0xffff;
	v21 =	vand.u32 $0x3FF, v21  }
0x277: {  	v17 =	vand.u32 $0xFFFF0000, v17;
	v26 =	vshrl.u32 v15, $0x15;
	v15 =	vld [tilespmem:s30+$0x40]  }
0x278: {  	v17 =	vmul.f32 v17, v27;
	v27 =	vld.idx.msk [tilespmem:v18+s2+$0x0], $0xffff;
	v18 =	vshrl.u32 v28, $0xA  }
0x279: {  	v29 =	vand.u32 $0x3FF, v28;
	v18 =	vand.u32 $0x3FF, v18;
	[tilespmem:v5+s20+$0x0] =	vst.idx.add.f32.msk $0xffff, v11;
	v5 =	vmov v21  }
.Ltmp8:
0x27a: {  	v16 =	vadd.f32 v16, v24;
	v8 =	vmul.f32 v8, v17;
	v11 =	vld.idx.msk [tilespmem:v22+s0+$0x0], $0xffff;
	(pc) =	sbr.rel @p0 .LBB2_19-.Ltmp8, $4  }
0x27b: {  	v21 =	vand.u32 $0xFFFF0000, v25;
	v17 =	vshrl.u32 v28, $0x15;
	[tilespmem:v6+s20+$0x0] =	vst.idx.add.f32.msk $0xffff, v13;
	v6 =	vmov v18  }
0x27c: {  	v13 =	vadd.f32 v8, v16;
	v21 =	vmul.f32 v21, v23;
	v16 =	vld.idx.msk [tilespmem:v26+s2+$0x0], $0xffff;
	v22 =	vshrl.u32 v15, $0xA  }
0x27d: {  	v18 =	vand.u32 $0x3FF, v15;
	[tilespmem:v19+s20+$0x0] =	vst.idx.add.f32.msk $0xffff, v8;
	v8 =	vand.u32 $0x3FF, v22  }
0x27e: {  	s30 =	sadd.s32 $0xA0, s30;
	v20 =	vadd.f32 v20, v13;
	v13 =	vmul.f32 v27, v21;
	v19 =	vld.idx.msk [tilespmem:v29+s0+$0x0], $0xffff  }
0x27f: {  	_ =	sdelay $0x1  }
0x280: {  	v7 =	vand.u32 $0xFFFF0000, v7  }
0x281: {  	v15 =	vshrl.u32 v15, $0x15;
	v20 =	vadd.f32 v13, v20;
	v7 =	vmul.f32 v7, v11  }
0x282: {  	v60 =	vld.idx.msk [tilespmem:v17+s2+$0x0], $0xffff  }
0x283: {  	v12 =	vadd.f32 v12, v20;
	v7 =	vmul.f32 v16, v7  }
0x284: {  	v61 =	vld.idx.msk [tilespmem:v18+s0+$0x0], $0xffff;
	v4 =	vand.u32 $0xFFFF0000, v4  }
0x285: {  	v4 =	vmul.f32 v4, v19;
	v12 =	vadd.f32 v7, v12  }
0x286: {  	v15 =	vld.idx.msk [tilespmem:v15+s2+$0x0], $0xffff  }
0x287: {  	v4 =	vmul.f32 v60, v4;
	v9 =	vadd.f32 v9, v12  }
0x288: {  	v3 =	vand.u32 $0xFFFF0000, v3  }
0x289: {  	v3 =	vmul.f32 v3, v61;
	v9 =	vadd.f32 v4, v9;
	_ =	sdelay $0x1  }
0x28a: {  	v62 =	vmul.f32 v15, v3;
	v9 =	vadd.f32 v10, v9;
	_ =	sdelay $0x1  }
0x28b: {  	v3 =	vadd.f32 v62, v9;
	_ =	sdelay $0x1  }
0x28c: {  	(xrf2) =	vadd.scan.msk.f32 $0xffff, v3;
	_ =	sdelay $0x9  }
0x28d: {  	v3, _, _ =	vpop (xrf2)  }
0x28e: {  	(v2sf) =	vpush v3, $0xF;
	_ =	sdelay $0xe  }
0x28f: {  	s5 =	spop (v2sf)  }
0x290: {  	s5 =	sadd.f32 $1.000000000e-30, s5;
	_ =	sdelay $0x1  }
0x291: {  	v63 =	vmov s5  }
0x292: {  	(erf) = vrcp.f32 v63;
	_ =	sdelay $0x3  }
0x293: {  	p0 =	sne.s32 s29, $0x31;
	v3 =	vmov s4  }
.Ltmp9:
0x294: {  	[tilespmem:v14+s20+$0x0] =	vst.idx.add.f32.msk $0xffff, v13;
	(pc) =	sbr.rel @p0 .LBB2_24-.Ltmp9, $4  }
0x295: {  	[tilespmem:v5+s20+$0x0] =	vst.idx.add.f32.msk $0xffff, v7  }
0x296: {  	[tilespmem:v6+s20+$0x0] =	vst.idx.add.f32.msk $0xffff, v4  }
0x297: {  	[tilespmem:v8+s20+$0x0] =	vst.idx.add.f32.msk $0xffff, v62  }
0x298: {  	[tilespmem:v3+s21+$0x0] =	vst.idx.msk $0x1, v63;
	v4 =	vpop (erf)  }
0x299: {  	s5 =	simm.s32 $0x0  }
0x29a: {  	v6 =	vld [tilespmem:s5+$0x8400]  }
0x29b: {  	v5 =	vimm.f32 $0.0e+00;
	s4 =	simm.s32 $0x40;
	v7 =	vld [tilespmem:s5+$0x8000]  }
.LBB2_22:
0x29c: {  	_ = 	snop  }
0x29d: {  	p1 =	sne.s32 s4, $0xFC0  }
.Ltmp10:
0x29e: {  	_ = 	snop;
	(pc) =	sbr.rel @p1 .LBB2_22-.Ltmp10, $4  }
0x29f: {  	_ = 	snop  }
0x2a0: {  	s5 =	sshra.s32 s4, $0x2;
	v8 =	vmul.f32 v7, v6  }
0x2a1: {  	v6 =	vld [tilespmem:s5+$0x8400]  }
0x2a2: {  	s4 =	sadd.s32 $0x40, s4;
	v7 =	vld [tilespmem:s5+$0x8000];
	v5 =	vadd.f32 v8, v5  }
0x2a3: {  	_ =	sdelay $0x3  }
0x2a4: {  	v6 =	vmul.f32 v7, v6;
	_ =	sdelay $0x1  }
0x2a5: {  	v5 =	vadd.f32 v6, v5;
	_ =	sdelay $0x1  }
0x2a6: {  	(xrf2) =	vadd.scan.msk.f32 $0xffff, v5;
	_ =	sdelay $0x9  }
0x2a7: {  	v5, _, _ =	vpop (xrf2)  }
0x2a8: {  	v5 =	vbroadcast v5, $0xF;
	_ =	sdelay $0x1  }
0x2a9: {  	v5 =	vmul.f32 v5, v4;
	_ =	sdelay $0x1  }
0x2aa: {  	v5 =	vadd.f32 $1.000000000e-30, v5;
	_ =	sdelay $0x1  }
0x2ab: {  	[tilespmem:v2+s21+$0x0] =	vst.idx.msk $0x1, v5  }
.LBB2_24:
0x2ac: {  	s4 =	simm.s32 $0x8440  }
0x2ad: {  	s5 =	simm.s32 $0x7C40;
	v5 =	vld [tilespmem:s4+$0x30]  }
0x2ae: {  	v6 =	vld [tilespmem:s5+$0x30]  }
0x2af: {  	v8 =	vld [tilespmem:s4+$0xFFFFFFD0]  }
0x2b0: {  	v10 =	vld [tilespmem:s4+$0xFFFFFFE0]  }
0x2b1: {  	v11 =	vld [tilespmem:s5+$0xFFFFFFE0]  }
0x2b2: {  	v9 =	vld [tilespmem:s5+$0xFFFFFFD0];
	_ =	sdelay $0x1  }
0x2b3: {  	v12 =	vld [tilespmem:s4+$0xFFFFFFF0]  }
0x2b4: {  	v13 =	vld [tilespmem:s5+$0xFFFFFFF0];
	v5 =	vmul.f32 v5, v4;
	v6 =	vmul.f32 $9.999999740e-06, v6  }
0x2b5: {  	v14 =	vld [tilespmem:s4+$0x0];
	v10 =	vmul.f32 v10, v4;
	v11 =	vmul.f32 $9.999999740e-06, v11  }
0x2b6: {  	v15 =	vld [tilespmem:s5+$0x0];
	v8 =	vmul.f32 v8, v4;
	v9 =	vmul.f32 $9.999999740e-06, v9;
	v6 =	vadd.f32 v6, v5  }
0x2b7: {  	s19 =	simm.s32 $0x8840;
	v7 =	vld [tilespmem:s5+$0xFFFFFFC0];
	v17 =	vadd.f32 v11, v10  }
0x2b8: {  	[tilespmem:s19+$0x30] =	vst v6;
	v6 =	vadd.f32 v9, v8;
	v9 =	vld [tilespmem:s4+$0x10]  }
0x2b9: {  	v5 =	vimm.f32 $0.0e+00;
	v8 =	vld [tilespmem:s5+$0x10];
	[tilespmem:s19+$0xFFFFFFE0] =	vst v17  }
0x2ba: {  	v16 =	vmul.f32 v12, v4;
	v18 =	vmul.f32 $9.999999740e-06, v13;
	v12 =	vld [tilespmem:s4+$0x20];
	[tilespmem:s4+$0x30] =	vst v5  }
0x2bb: {  	v13 =	vmul.f32 v14, v4;
	v15 =	vmul.f32 $9.999999740e-06, v15;
	v10 =	vld [tilespmem:s5+$0x20];
	[tilespmem:s19+$0xFFFFFFD0] =	vst v6  }
0x2bc: {  	s6 =	simm.s32 $0x0;
	s7 =	simm.s32 $0x84C0;
	v11 =	vld [tilespmem:s4+$0xFFFFFFC0];
	v14 =	vadd.f32 v18, v16;
	v6 =	vmul.f32 $9.999999740e-06, v7;
	v7 =	vimm.f32 $0.0e+00;
	[tilespmem:s4+$0xFFFFFFD0] =	vst v5  }
.LBB2_25:
0x2bd: {  	v16 =	vld [tilespmem:s7+$0x30];
	[tilespmem:s4+$0xFFFFFFE0] =	vst v7;
	v9 =	vmul.f32 v9, v4;
	s5 =	sadd.s32 $0x80, s5  }
0x2be: {  	v17 =	vld [tilespmem:s5+$0x30];
	[tilespmem:s19+$0xFFFFFFF0] =	vst v14;
	v13 =	vadd.f32 v15, v13;
	v8 =	vmul.f32 $9.999999740e-06, v8  }
0x2bf: {  	s6 =	sadd.s32 $0x80, s6;
	v14 =	vld [tilespmem:s5+$0xFFFFFFC0];
	[tilespmem:s4+$0xFFFFFFF0] =	vst v7;
	v12 =	vmul.f32 v12, v4  }
0x2c0: {  	p1 =	slt.u32 s6, $0x380;
	v15 =	vld [tilespmem:s7+$0xFFFFFFD0];
	[tilespmem:s19+$0x0] =	vst v13;
	v8 =	vadd.f32 v8, v9;
	v9 =	vmul.f32 $9.999999740e-06, v10  }
0x2c1: {  	v10 =	vld [tilespmem:s5+$0xFFFFFFD0];
	v11 =	vmul.f32 v11, v4;
	[tilespmem:s4+$0x0] =	vst v7  }
0x2c2: {  	v13 =	vld [tilespmem:s7+$0xFFFFFFE0];
	[tilespmem:s19+$0x10] =	vst v8;
	v8 =	vadd.f32 v9, v12  }
0x2c3: {  	v12 =	vmul.f32 v16, v4;
	v9 =	vld [tilespmem:s5+$0xFFFFFFE0];
	v16 =	vmul.f32 $9.999999740e-06, v17;
	v11 =	vadd.f32 v6, v11;
	[tilespmem:s4+$0x10] =	vst v7  }
0x2c4: {  	v6 =	vmul.f32 $9.999999740e-06, v14;
	v14 =	vld [tilespmem:s7+$0xFFFFFFF0];
	[tilespmem:s19+$0x20] =	vst v8  }
0x2c5: {  	v8 =	vmul.f32 v15, v4;
	v15 =	vld [tilespmem:s5+$0xFFFFFFF0];
	v12 =	vadd.f32 v16, v12;
	[tilespmem:s19+$0xFFFFFFC0] =	vst v11  }
0x2c6: {  	s19 =	sadd.s32 $0x80, s19;
	v10 =	vmul.f32 $9.999999740e-06, v10;
	v11 =	vld [tilespmem:s7+$0x0];
	[tilespmem:s4+$0xFFFFFFC0] =	vst v7  }
0x2c7: {  	s18 =	simm.s32 $0x7680;
	v13 =	vmul.f32 v13, v4;
	v16 =	vld [tilespmem:s5+$0x0];
	[tilespmem:s19+$0x30] =	vst v12  }
.Ltmp11:
0x2c8: {  	s8 =	simm.s32 $0x7A40;
	v10 =	vadd.f32 v10, v8;
	v12 =	vmul.f32 $9.999999740e-06, v9;
	v9 =	vld [tilespmem:s7+$0x10];
	[tilespmem:s7+$0x30] =	vst v5;
	(pc) =	sbr.rel @p1 .LBB2_25-.Ltmp11, $4  }
0x2c9: {  	v14 =	vmul.f32 v14, v4;
	v8 =	vld [tilespmem:s5+$0x10];
	[tilespmem:s4+$0x20] =	vst v7;
	v7 =	vmov v5;
	s4 =	smov.u32 s7  }
0x2ca: {  	[tilespmem:s19+$0xFFFFFFD0] =	vst v10;
	v17 =	vadd.f32 v12, v13;
	v15 =	vmul.f32 $9.999999740e-06, v15;
	v12 =	vld [tilespmem:s7+$0x20]  }
0x2cb: {  	[tilespmem:s7+$0xFFFFFFD0] =	vst v7;
	v13 =	vmul.f32 v11, v4;
	v10 =	vld [tilespmem:s5+$0x20]  }
0x2cc: {  	s7 =	sadd.s32 $0x80, s7;
	v11 =	vld [tilespmem:s4+$0xFFFFFFC0];
	[tilespmem:s19+$0xFFFFFFE0] =	vst v17;
	v14 =	vadd.f32 v15, v14;
	v15 =	vmul.f32 $9.999999740e-06, v16  }
0x2cd: {  	[tilespmem:s4+$0xFFFFFFE0] =	vst v7  }
0x2ce: {  	v9 =	vmul.f32 v9, v4;
	[tilespmem:s19+$0xFFFFFFF0] =	vst v14;
	v13 =	vadd.f32 v15, v13;
	v8 =	vmul.f32 $9.999999740e-06, v8  }
0x2cf: {  	[tilespmem:s4+$0xFFFFFFF0] =	vst v7  }
0x2d0: {  	v12 =	vmul.f32 v12, v4;
	[tilespmem:s19+$0x0] =	vst v13;
	v8 =	vadd.f32 v8, v9;
	v9 =	vmul.f32 $9.999999740e-06, v10  }
0x2d1: {  	v4 =	vmul.f32 v11, v4;
	[tilespmem:s4+$0x0] =	vst v7  }
0x2d2: {  	[tilespmem:s19+$0x10] =	vst v8;
	v8 =	vadd.f32 v9, v12  }
0x2d3: {  	v4 =	vadd.f32 v6, v4;
	[tilespmem:s4+$0x10] =	vst v7  }
0x2d4: {  	[tilespmem:s19+$0x20] =	vst v8  }
0x2d5: {  	[tilespmem:s19+$0xFFFFFFC0] =	vst v4  }
0x2d6: {  	[tilespmem:s4+$0x20] =	vst v7  }
0x2d7: {  	[tilespmem:s4+$0xFFFFFFC0] =	vst v7  }
0x2d8: {  	v4 =	vld [tilespmem:s8+$0x30]  }
0x2d9: {  	v6 =	vld [tilespmem:s8+$0x20]  }
0x2da: {  	v7 =	vld [tilespmem:s8+$0x10]  }
0x2db: {  	v10 =	vld [tilespmem:s18+$0x60]  }
0x2dc: {  	v8 =	vld [tilespmem:s8+$0x0]  }
0x2dd: {  	v11 =	vld [tilespmem:s18+$0x40]  }
0x2de: {  	v9 =	vld [tilespmem:s8+$0xFFFFFFF0]  }
0x2df: {  	v12 =	vld [tilespmem:s18+$0xFFFFFF80]  }
0x2e0: {  	v13 =	vld [tilespmem:s18+$0x20]  }
0x2e1: {  	v14 =	vld [tilespmem:s8+$0xFFFFFFE0]  }
0x2e2: {  	v15 =	vld [tilespmem:s18+$0x0]  }
0x2e3: {  	v17 =	vld [tilespmem:s18+$0xFFFFFFA0];
	v16 =	vshrl.u32 v10, $0x15  }
0x2e4: {  	v18 =	vld [tilespmem:s8+$0xFFFFFFD0];
	v19 =	vand.u32 $0x3FF, v12  }
0x2e5: {  	v20 =	vld [tilespmem:s18+$0xFFFFFFE0];
	v21 =	vshrl.u32 v11, $0x15  }
0x2e6: {  	v22 =	vld [tilespmem:s8+$0xFFFFFFC0];
	v23 =	vshrl.u32 v12, $0x15  }
0x2e7: {  	v24 =	vld [tilespmem:s18+$0xFFFFFFC0];
	v25 =	vand.u32 $0x3FF, v11  }
0x2e8: {  	v26 =	vand.u32 $0x3FF, v17;
	v16 =	vld.idx.msk [tilespmem:v16+s2+$0x0], $0xffff  }
0x2e9: {  	v27 =	vshrl.u32 v13, $0x15;
	v19 =	vld.idx.msk [tilespmem:v19+s23+$0x0], $0xffff  }
0x2ea: {  	v28 =	vshrl.u32 v17, $0x15;
	v21 =	vld.idx.msk [tilespmem:v21+s2+$0x0], $0xffff  }
0x2eb: {  	v29 =	vand.u32 $0x3FF, v20;
	v23 =	vld.idx.msk [tilespmem:v23+s2+$0x0], $0xffff  }
0x2ec: {  	v30 =	vand.u32 $0x3FF, v24;
	v25 =	vld.idx.msk [tilespmem:v25+s23+$0x0], $0xffff  }
0x2ed: {  	v31 =	vshrl.u32 v24, $0x15;
	v26 =	vld.idx.msk [tilespmem:v26+s23+$0x0], $0xffff  }
0x2ee: {  	v43 =	vshrl.u32 v20, $0x15;
	v27 =	vld.idx.msk [tilespmem:v27+s2+$0x0], $0xffff  }
0x2ef: {  	v12 =	vshrl.u32 v12, $0xA;
	v45 =	vand.u32 $0x3FF, v15;
	v28 =	vld.idx.msk [tilespmem:v28+s2+$0x0], $0xffff  }
0x2f0: {  	v32 =	vshll.u32 v22, $0x10;
	v12 =	vand.u32 $0x3FF, v12;
	v29 =	vld.idx.msk [tilespmem:v29+s23+$0x0], $0xffff  }
0x2f1: {  	v44 =	vld.idx.msk [tilespmem:v30+s23+$0x0], $0xffff;
	v19 =	vmul.f32 v32, v19  }
0x2f2: {  	v46 =	vshrl.u32 v15, $0x15;
	v31 =	vld.idx.msk [tilespmem:v31+s2+$0x0], $0xffff  }
0x2f3: {  	v17 =	vshrl.u32 v17, $0xA;
	v48 =	vand.u32 $0x3FF, v13;
	v47 =	vld.idx.msk [tilespmem:v43+s2+$0x0], $0xffff;
	v19 =	vmul.f32 v23, v19  }
0x2f4: {  	v33 =	vshll.u32 v18, $0x10;
	v24 =	vshrl.u32 v24, $0xA;
	v17 =	vand.u32 $0x3FF, v17;
	v30 =	vld.idx.msk [tilespmem:v45+s23+$0x0], $0xffff  }
0x2f5: {  	v34 =	vshll.u32 v14, $0x10;
	v20 =	vshrl.u32 v20, $0xA;
	[tilespmem:v12+s24+$0x0] =	vst.idx.add.f32.msk $0xffff, v19;
	v12 =	vmul.f32 v33, v26  }
0x2f6: {  	v11 =	vshrl.u32 v11, $0xA;
	v41 =	vshll.u32 v6, $0x10;
	v24 =	vand.u32 $0x3FF, v24;
	v26 =	vld [tilespmem:s18+$0xFFFFFF90]  }
0x2f7: {  	v11 =	vand.u32 $0x3FF, v11;
	v51 =	vld.idx.msk [tilespmem:v46+s2+$0x0], $0xffff;
	v49 =	vmul.f32 v34, v44;
	v12 =	vmul.f32 v28, v12  }
0x2f8: {  	v50 =	vshll.u32 v9, $0x10;
	v20 =	vand.u32 $0x3FF, v20;
	v32 =	vld.idx.msk [tilespmem:v48+s23+$0x0], $0xffff;
	v25 =	vmul.f32 v41, v25  }
0x2f9: {  	v15 =	vshrl.u32 v15, $0xA;
	v29 =	vmul.f32 v50, v29;
	[tilespmem:v17+s24+$0x0] =	vst.idx.add.f32.msk $0xffff, v12;
	v17 =	vmul.f32 v31, v49  }
0x2fa: {  	v53 =	vshll.u32 v8, $0x10;
	v15 =	vand.u32 $0x3FF, v15;
	v21 =	vmul.f32 v21, v25;
	v23 =	vld [tilespmem:s18+$0xFFFFFFB0]  }
0x2fb: {  	v55 =	vmul.f32 v53, v30;
	v35 =	vand.u32 $0x3FF, v26;
	[tilespmem:v24+s24+$0x0] =	vst.idx.add.f32.msk $0xffff, v17;
	v24 =	vmul.f32 v47, v29  }
0x2fc: {  	[tilespmem:v11+s24+$0x0] =	vst.idx.add.f32.msk $0xffff, v21  }
0x2fd: {  	v52 =	vshrl.u32 v26, $0x15;
	[tilespmem:v20+s24+$0x0] =	vst.idx.add.f32.msk $0xffff, v24;
	v20 =	vmul.f32 v51, v55  }
0x2fe: {  	v28 =	vld [tilespmem:s18+$0xFFFFFFD0]  }
0x2ff: {  	v13 =	vshrl.u32 v13, $0xA;
	v54 =	vand.u32 $0x3FF, v23;
	[tilespmem:v15+s24+$0x0] =	vst.idx.add.f32.msk $0xffff, v20  }
0x300: {  	v59 =	vshll.u32 v7, $0x10;
	v13 =	vand.u32 $0x3FF, v13;
	v56 =	vld.idx.msk [tilespmem:v35+s23+$0x0], $0xffff  }
0x301: {  	v57 =	vshrl.u32 v23, $0x15;
	v15 =	vmul.f32 v59, v32;
	v35 =	vld [tilespmem:s18+$0xFFFFFFF0]  }
0x302: {  	v36 =	vand.u32 $0x3FF, v10;
	v58 =	vld.idx.msk [tilespmem:v52+s2+$0x0], $0xffff  }
0x303: {  	v62 =	vld [tilespmem:s18+$0x10];
	v60 =	vand.u32 $0x3FF, v28;
	v15 =	vmul.f32 v27, v15  }
0x304: {  	v22 =	vand.u32 $0xFFFF0000, v22;
	v61 =	vld.idx.msk [tilespmem:v54+s23+$0x0], $0xffff  }
0x305: {  	v63 =	vshrl.u32 v28, $0x15;
	[tilespmem:v13+s24+$0x0] =	vst.idx.add.f32.msk $0xffff, v15;
	v22 =	vmul.f32 v22, v56  }
0x306: {  	v40 =	vld.idx.msk [tilespmem:v57+s2+$0x0], $0xffff  }
0x307: {  	v5 =	vadd.f32 v19, v5;
	v13 =	vld.idx.msk [tilespmem:v36+s23+$0x0], $0xffff;
	v37 =	vand.u32 $0x3FF, v35;
	v42 =	vmul.f32 v58, v22  }
0x308: {  	v18 =	vand.u32 $0xFFFF0000, v18;
	v10 =	vshrl.u32 v10, $0xA;
	v43 =	vld.idx.msk [tilespmem:v60+s23+$0x0], $0xffff  }
0x309: {  	v45 =	vld [tilespmem:s18+$0x30];
	v44 =	vshrl.u32 v35, $0x15;
	v5 =	vadd.f32 v42, v5;
	v18 =	vmul.f32 v18, v61  }
0x30a: {  	v10 =	vand.u32 $0x3FF, v10;
	v47 =	vand.u32 $0x3FF, v62;
	v27 =	vld.idx.msk [tilespmem:v63+s2+$0x0], $0xffff  }
0x30b: {  	v46 =	vshll.u32 v4, $0x10;
	v49 =	vld [tilespmem:s18+$0x50];
	v5 =	vadd.f32 v12, v5;
	v11 =	vmul.f32 v40, v18  }
0x30c: {  	v48 =	vld.idx.msk [tilespmem:v37+s23+$0x0], $0xffff;
	v12 =	vmul.f32 v46, v13;
	v13 =	vand.u32 $0xFFFF0000, v14;
	v14 =	vshrl.u32 v62, $0x15  }
0x30d: {  	v22 =	vmul.f32 v13, v43;
	v5 =	vadd.f32 v11, v5  }
0x30e: {  	v13 =	vmul.f32 v16, v12;
	v12 =	vld.idx.msk [tilespmem:v44+s2+$0x0], $0xffff  }
0x30f: {  	v50 =	vand.u32 $0x3FF, v45;
	v53 =	vld.idx.msk [tilespmem:v47+s23+$0x0], $0xffff;
	v51 =	vmul.f32 v27, v22;
	v5 =	vadd.f32 v17, v5  }
0x310: {  	v9 =	vand.u32 $0xFFFF0000, v9;
	v26 =	vshrl.u32 v26, $0xA;
	v59 =	vshrl.u32 v49, $0x15;
	[tilespmem:v10+s24+$0x0] =	vst.idx.add.f32.msk $0xffff, v13  }
0x311: {  	v10 =	vshrl.u32 v45, $0x15;
	v9 =	vmul.f32 v9, v48;
	v14 =	vld.idx.msk [tilespmem:v14+s2+$0x0], $0xffff;
	v5 =	vadd.f32 v51, v5  }
0x312: {  	v23 =	vshrl.u32 v23, $0xA;
	v55 =	vshrl.u32 v28, $0xA;
	v57 =	vand.u32 $0x3FF, v49;
	v56 =	vld [tilespmem:s18+$0x70]  }
0x313: {  	v54 =	vand.u32 $0x3FF, v23;
	v9 =	vmul.f32 v12, v9;
	v5 =	vadd.f32 v24, v5  }
0x314: {  	v8 =	vand.u32 $0xFFFF0000, v8;
	v52 =	vand.u32 $0x3FF, v26;
	v16 =	vld.idx.msk [tilespmem:v50+s23+$0x0], $0xffff;
	v12 =	vand.u32 $0x3FF, v55  }
0x315: {  	v63 =	vld.idx.msk [tilespmem:v59+s2+$0x0], $0xffff;
	v58 =	vshrl.u32 v35, $0xA;
	v8 =	vmul.f32 v8, v53;
	v5 =	vadd.f32 v9, v5  }
0x316: {  	v60 =	vshrl.u32 v62, $0xA;
	v23 =	vand.u32 $0x3FF, v58;
	v10 =	vld.idx.msk [tilespmem:v10+s2+$0x0], $0xffff  }
0x317: {  	v61 =	vld.idx.msk [tilespmem:v57+s23+$0x0], $0xffff;
	v8 =	vmul.f32 v14, v8;
	v14 =	vand.u32 $0x3FF, v56;
	v5 =	vadd.f32 v20, v5  }
0x318: {  	v7 =	vand.u32 $0xFFFF0000, v7;
	[tilespmem:v54+s24+$0x0] =	vst.idx.add.f32.msk $0xffff, v11;
	v11 =	vshrl.u32 v45, $0xA;
	v22 =	vand.u32 $0x3FF, v60  }
0x319: {  	v7 =	vmul.f32 v7, v16;
	[tilespmem:v12+s24+$0x0] =	vst.idx.add.f32.msk $0xffff, v51;
	v12 =	vshrl.u32 v56, $0x15;
	v5 =	vadd.f32 v8, v5  }
0x31a: {  	[tilespmem:v52+s24+$0x0] =	vst.idx.add.f32.msk $0xffff, v42;
	v62 =	vand.u32 $0x3FF, v11  }
0x31b: {  	[tilespmem:v23+s24+$0x0] =	vst.idx.add.f32.msk $0xffff, v9;
	v7 =	vmul.f32 v10, v7;
	v5 =	vadd.f32 v15, v5  }
0x31c: {  	v6 =	vand.u32 $0xFFFF0000, v6;
	v10 =	vld.idx.msk [tilespmem:v14+s23+$0x0], $0xffff  }
0x31d: {  	[tilespmem:v22+s24+$0x0] =	vst.idx.add.f32.msk $0xffff, v8;
	v14 =	vmul.f32 v6, v61;
	v6 =	vshrl.u32 v56, $0xA;
	v9 =	vadd.f32 v7, v5  }
0x31e: {  	v8 =	vshrl.u32 v49, $0xA;
	v6 =	vand.u32 $0x3FF, v6;
	v11 =	vld.idx.msk [tilespmem:v12+s2+$0x0], $0xffff  }
0x31f: {  	s19 =	simm.s32 $0x0;
	s4 =	simm.s32 $0x7AC0;
	[tilespmem:v62+s24+$0x0] =	vst.idx.add.f32.msk $0xffff, v7;
	v5 =	vand.u32 $0x3FF, v8;
	v7 =	vmul.f32 v63, v14;
	v12 =	vadd.f32 v21, v9  }
.LBB2_27:
0x320: {  	v8 =	vand.u32 $0xFFFF0000, v4;
	v4 =	vld [tilespmem:s4+$0x30]  }
0x321: {  	v9 =	vld [tilespmem:s4+$0x20];
	v12 =	vadd.f32 v7, v12;
	v8 =	vmul.f32 v8, v10  }
0x322: {  	s18 =	sadd.s32 $0x100, s18;
	v10 =	vld [tilespmem:s4+$0x10]  }
0x323: {  	v14 =	vld [tilespmem:s18+$0x60];
	v12 =	vadd.f32 v13, v12;
	v8 =	vmul.f32 v11, v8  }
0x324: {  	v11 =	vld [tilespmem:s4+$0x0]  }
0x325: {  	v19 =	vld [tilespmem:s18+$0x40];
	v15 =	vadd.f32 v8, v12  }
0x326: {  	v12 =	vld [tilespmem:s4+$0xFFFFFFF0]  }
0x327: {  	v20 =	vld [tilespmem:s18+$0x20]  }
0x328: {  	s19 =	sadd.s32 $0x100, s19;
	v21 =	vld [tilespmem:s18+$0xFFFFFF80]  }
0x329: {  	p1 =	slt.u32 s19, $0x300;
	v13 =	vld [tilespmem:s4+$0xFFFFFFE0]  }
0x32a: {  	v22 =	vld [tilespmem:s18+$0x0]  }
0x32b: {  	v16 =	vshrl.u32 v14, $0x15;
	v17 =	vld [tilespmem:s4+$0xFFFFFFD0]  }
0x32c: {  	v18 =	vand.u32 $0x3FF, v14;
	v23 =	vld [tilespmem:s18+$0xFFFFFFA0]  }
0x32d: {  	v24 =	vand.u32 $0x3FF, v21;
	v25 =	vld [tilespmem:s18+$0xFFFFFFE0]  }
0x32e: {  	v27 =	vshrl.u32 v19, $0x15;
	v26 =	vld [tilespmem:s4+$0xFFFFFFC0]  }
0x32f: {  	v28 =	vshrl.u32 v21, $0x15;
	v29 =	vld [tilespmem:s18+$0xFFFFFFC0]  }
0x330: {  	v30 =	vand.u32 $0x3FF, v19;
	v16 =	vld.idx.msk [tilespmem:v16+s2+$0x0], $0xffff  }
0x331: {  	v31 =	vand.u32 $0x3FF, v23;
	v18 =	vld.idx.msk [tilespmem:v18+s23+$0x0], $0xffff  }
0x332: {  	v32 =	vshrl.u32 v20, $0x15;
	v24 =	vld.idx.msk [tilespmem:v24+s23+$0x0], $0xffff  }
0x333: {  	v33 =	vshrl.u32 v23, $0x15;
	v27 =	vld.idx.msk [tilespmem:v27+s2+$0x0], $0xffff  }
0x334: {  	v34 =	vand.u32 $0x3FF, v25;
	v28 =	vld.idx.msk [tilespmem:v28+s2+$0x0], $0xffff  }
0x335: {  	v35 =	vand.u32 $0x3FF, v29;
	v30 =	vld.idx.msk [tilespmem:v30+s23+$0x0], $0xffff  }
0x336: {  	v21 =	vshrl.u32 v21, $0xA;
	v36 =	vshrl.u32 v29, $0x15;
	v31 =	vld.idx.msk [tilespmem:v31+s23+$0x0], $0xffff  }
0x337: {  	v21 =	vand.u32 $0x3FF, v21;
	v37 =	vshll.u32 v26, $0x10;
	v32 =	vld.idx.msk [tilespmem:v32+s2+$0x0], $0xffff  }
0x338: {  	v24 =	vmul.f32 v37, v24;
	v33 =	vld.idx.msk [tilespmem:v33+s2+$0x0], $0xffff  }
0x339: {  	v37 =	vshrl.u32 v25, $0x15;
	v34 =	vld.idx.msk [tilespmem:v34+s23+$0x0], $0xffff  }
0x33a: {  	v23 =	vshrl.u32 v23, $0xA;
	v24 =	vmul.f32 v28, v24;
	v28 =	vld.idx.msk [tilespmem:v35+s23+$0x0], $0xffff;
	v35 =	vand.u32 $0x3FF, v22  }
0x33b: {  	v38 =	vshll.u32 v17, $0x10;
	v23 =	vand.u32 $0x3FF, v23;
	v36 =	vld.idx.msk [tilespmem:v36+s2+$0x0], $0xffff  }
0x33c: {  	[tilespmem:v21+s24+$0x0] =	vst.idx.add.f32.msk $0xffff, v24;
	v21 =	vmul.f32 v38, v31  }
0x33d: {  	v38 =	vshrl.u32 v22, $0x15;
	v31 =	vld [tilespmem:s18+$0xFFFFFF90]  }
0x33e: {  	v29 =	vshrl.u32 v29, $0xA;
	v21 =	vmul.f32 v33, v21;
	v33 =	vld.idx.msk [tilespmem:v37+s2+$0x0], $0xffff;
	v37 =	vand.u32 $0x3FF, v20  }
0x33f: {  	v39 =	vshll.u32 v13, $0x10;
	v29 =	vand.u32 $0x3FF, v29;
	v35 =	vld.idx.msk [tilespmem:v35+s23+$0x0], $0xffff  }
0x340: {  	v25 =	vshrl.u32 v25, $0xA;
	[tilespmem:v23+s24+$0x0] =	vst.idx.add.f32.msk $0xffff, v21;
	v23 =	vmul.f32 v39, v28  }
0x341: {  	v25 =	vand.u32 $0x3FF, v25;
	v39 =	vshll.u32 v12, $0x10;
	v28 =	vld [tilespmem:s18+$0xFFFFFFB0]  }
0x342: {  	v34 =	vmul.f32 v39, v34;
	v40 =	vand.u32 $0x3FF, v31;
	v23 =	vmul.f32 v36, v23;
	v36 =	vld.idx.msk [tilespmem:v38+s2+$0x0], $0xffff  }
0x343: {  	v38 =	vshrl.u32 v31, $0xA;
	v37 =	vld.idx.msk [tilespmem:v37+s23+$0x0], $0xffff  }
0x344: {  	v22 =	vshrl.u32 v22, $0xA;
	v31 =	vshrl.u32 v31, $0x15;
	[tilespmem:v29+s24+$0x0] =	vst.idx.add.f32.msk $0xffff, v23;
	v29 =	vmul.f32 v33, v34  }
0x345: {  	v22 =	vand.u32 $0x3FF, v22;
	v33 =	vand.u32 $0x3FF, v38;
	v38 =	vshll.u32 v11, $0x10;
	v34 =	vld [tilespmem:s18+$0xFFFFFFD0]  }
0x346: {  	v39 =	vshrl.u32 v28, $0xA;
	v41 =	vand.u32 $0x3FF, v28;
	[tilespmem:v25+s24+$0x0] =	vst.idx.add.f32.msk $0xffff, v29;
	v25 =	vmul.f32 v38, v35  }
0x347: {  	v35 =	vld.idx.msk [tilespmem:v40+s23+$0x0], $0xffff;
	v38 =	vand.u32 $0x3FF, v39  }
0x348: {  	v20 =	vshrl.u32 v20, $0xA;
	v28 =	vshrl.u32 v28, $0x15;
	v39 =	vld [tilespmem:s18+$0xFFFFFFF0];
	v25 =	vmul.f32 v36, v25  }
0x349: {  	v20 =	vand.u32 $0x3FF, v20;
	v36 =	vshll.u32 v10, $0x10;
	v31 =	vld.idx.msk [tilespmem:v31+s2+$0x0], $0xffff  }
0x34a: {  	v40 =	vshrl.u32 v34, $0xA;
	v42 =	vand.u32 $0x3FF, v34;
	[tilespmem:v22+s24+$0x0] =	vst.idx.add.f32.msk $0xffff, v25;
	v22 =	vmul.f32 v36, v37  }
0x34b: {  	v19 =	vshrl.u32 v19, $0xA;
	v36 =	vld.idx.msk [tilespmem:v41+s23+$0x0], $0xffff;
	v37 =	vand.u32 $0x3FF, v40  }
0x34c: {  	v26 =	vand.u32 $0xFFFF0000, v26;
	v34 =	vshrl.u32 v34, $0x15;
	v40 =	vld [tilespmem:s18+$0x10];
	v22 =	vmul.f32 v32, v22  }
0x34d: {  	v19 =	vand.u32 $0x3FF, v19;
	v26 =	vmul.f32 v26, v35;
	v32 =	vshll.u32 v9, $0x10;
	v28 =	vld.idx.msk [tilespmem:v28+s2+$0x0], $0xffff  }
0x34e: {  	v35 =	vand.u32 $0x3FF, v39;
	[tilespmem:v20+s24+$0x0] =	vst.idx.add.f32.msk $0xffff, v22;
	v20 =	vmul.f32 v32, v30;
	v30 =	vshll.u32 v4, $0x10  }
0x34f: {  	v14 =	vshrl.u32 v14, $0xA;
	v15 =	vadd.f32 v24, v15;
	v24 =	vmul.f32 v31, v26;
	v26 =	vld.idx.msk [tilespmem:v42+s23+$0x0], $0xffff  }
0x350: {  	v17 =	vand.u32 $0xFFFF0000, v17;
	v31 =	vshrl.u32 v39, $0x15;
	v32 =	vld [tilespmem:s18+$0x30];
	v20 =	vmul.f32 v27, v20  }
0x351: {  	v14 =	vand.u32 $0x3FF, v14;
	v15 =	vadd.f32 v24, v15;
	v17 =	vmul.f32 v17, v36;
	v27 =	vld.idx.msk [tilespmem:v34+s2+$0x0], $0xffff  }
0x352: {  	v18 =	vmul.f32 v30, v18;
	v34 =	vshrl.u32 v39, $0xA;
	v36 =	vand.u32 $0x3FF, v40;
	[tilespmem:v19+s24+$0x0] =	vst.idx.add.f32.msk $0xffff, v20  }
0x353: {  	v15 =	vadd.f32 v21, v15;
	v17 =	vmul.f32 v28, v17;
	v21 =	vshrl.u32 v40, $0xA;
	v19 =	vld.idx.msk [tilespmem:v35+s23+$0x0], $0xffff  }
0x354: {  	v30 =	vshrl.u32 v40, $0x15;
	v28 =	vand.u32 $0xFFFF0000, v13;
	v13 =	vmul.f32 v16, v18;
	v35 =	vld [tilespmem:s18+$0x50]  }
0x355: {  	v15 =	vadd.f32 v17, v15;
	v16 =	vmul.f32 v28, v26;
	v18 =	vld.idx.msk [tilespmem:v31+s2+$0x0], $0xffff;
	v26 =	vshrl.u32 v32, $0xA  }
0x356: {  	v21 =	vand.u32 $0x3FF, v21;
	v28 =	vand.u32 $0x3FF, v34;
	v31 =	vand.u32 $0x3FF, v32;
	[tilespmem:v14+s24+$0x0] =	vst.idx.add.f32.msk $0xffff, v13  }
0x357: {  	v14 =	vadd.f32 v23, v15;
	v15 =	vmul.f32 v27, v16;
	v23 =	vand.u32 $0x3FF, v26;
	v16 =	vld.idx.msk [tilespmem:v36+s23+$0x0], $0xffff  }
0x358: {  	v12 =	vand.u32 $0xFFFF0000, v12;
	v26 =	vshrl.u32 v32, $0x15;
	v27 =	vld [tilespmem:s18+$0x70]  }
0x359: {  	v14 =	vadd.f32 v15, v14;
	v12 =	vmul.f32 v12, v19;
	v19 =	vld.idx.msk [tilespmem:v30+s2+$0x0], $0xffff;
	v30 =	vshrl.u32 v35, $0xA  }
0x35a: {  	[tilespmem:v33+s24+$0x0] =	vst.idx.add.f32.msk $0xffff, v24;
	v24 =	vand.u32 $0x3FF, v35;
	v30 =	vand.u32 $0x3FF, v30  }
0x35b: {  	v14 =	vadd.f32 v29, v14;
	v12 =	vmul.f32 v18, v12;
	v18 =	vld.idx.msk [tilespmem:v31+s23+$0x0], $0xffff  }
0x35c: {  	v11 =	vand.u32 $0xFFFF0000, v11;
	[tilespmem:v38+s24+$0x0] =	vst.idx.add.f32.msk $0xffff, v17;
	v17 =	vshrl.u32 v35, $0x15  }
0x35d: {  	v14 =	vadd.f32 v12, v14;
	v11 =	vmul.f32 v11, v16;
	v16 =	vld.idx.msk [tilespmem:v26+s2+$0x0], $0xffff;
	v26 =	vshrl.u32 v27, $0xA  }
0x35e: {  	[tilespmem:v37+s24+$0x0] =	vst.idx.add.f32.msk $0xffff, v15;
	v15 =	vand.u32 $0x3FF, v27;
	v26 =	vand.u32 $0x3FF, v26  }
0x35f: {  	v14 =	vadd.f32 v25, v14;
	v11 =	vmul.f32 v19, v11;
	v19 =	vld.idx.msk [tilespmem:v24+s23+$0x0], $0xffff  }
0x360: {  	v10 =	vand.u32 $0xFFFF0000, v10;
	[tilespmem:v28+s24+$0x0] =	vst.idx.add.f32.msk $0xffff, v12;
	v12 =	vshrl.u32 v27, $0x15  }
0x361: {  	v14 =	vadd.f32 v11, v14;
	v10 =	vmul.f32 v10, v18;
	v17 =	vld.idx.msk [tilespmem:v17+s2+$0x0], $0xffff  }
0x362: {  	[tilespmem:v21+s24+$0x0] =	vst.idx.add.f32.msk $0xffff, v11  }
.Ltmp12:
0x363: {  	v11 =	vadd.f32 v22, v14;
	v14 =	vmul.f32 v16, v10;
	v10 =	vld.idx.msk [tilespmem:v15+s23+$0x0], $0xffff;
	(pc) =	sbr.rel @p1 .LBB2_27-.Ltmp12, $4  }
0x364: {  	v9 =	vand.u32 $0xFFFF0000, v9;
	[tilespmem:v5+s24+$0x0] =	vst.idx.add.f32.msk $0xffff, v7;
	v5 =	vmov v30  }
0x365: {  	v7 =	vadd.f32 v14, v11;
	v9 =	vmul.f32 v9, v19;
	v11 =	vld.idx.msk [tilespmem:v12+s2+$0x0], $0xffff  }
0x366: {  	[tilespmem:v23+s24+$0x0] =	vst.idx.add.f32.msk $0xffff, v14  }
0x367: {  	s4 =	sadd.s32 $0x80, s4;
	v12 =	vadd.f32 v20, v7;
	v7 =	vmul.f32 v17, v9;
	[tilespmem:v6+s24+$0x0] =	vst.idx.add.f32.msk $0xffff, v8;
	v6 =	vmov v26  }
0x368: {  	v4 =	vand.u32 $0xFFFF0000, v4  }
0x369: {  	v8 =	vadd.f32 v7, v12;
	v4 =	vmul.f32 v4, v10;
	_ =	sdelay $0x1  }
0x36a: {  	v8 =	vadd.f32 v13, v8;
	v4 =	vmul.f32 v11, v4;
	_ =	sdelay $0x1  }
0x36b: {  	v8 =	vadd.f32 v4, v8;
	_ =	sdelay $0x1  }
0x36c: {  	(xrf2) =	vadd.scan.msk.f32 $0xffff, v8;
	_ =	sdelay $0x9  }
0x36d: {  	v8, _, _ =	vpop (xrf2)  }
0x36e: {  	(v2sf) =	vpush v8, $0xF;
	_ =	sdelay $0xe  }
0x36f: {  	s4 =	spop (v2sf)  }
0x370: {  	s4 =	sadd.f32 $1.000000000e-30, s4;
	_ =	sdelay $0x1  }
0x371: {  	v63 =	vmov s4  }
0x372: {  	(erf) = vrcp.f32 v63;
	_ =	sdelay $0x4  }
.Ltmp13:
0x373: {  	_ = 	snop;
	(pc) =	sbr.rel @p0 .LBB2_30-.Ltmp13, $4  }
0x374: {  	_ = 	snop  }
0x375: {  	[tilespmem:v5+s24+$0x0] =	vst.idx.add.f32.msk $0xffff, v7  }
0x376: {  	[tilespmem:v6+s24+$0x0] =	vst.idx.add.f32.msk $0xffff, v4  }
0x377: {  	[tilespmem:v3+s25+$0x0] =	vst.idx.msk $0x1, v63;
	v4 =	vpop (erf)  }
0x378: {  	v3 =	vld [tilespmem:$0x8E00]  }
0x379: {  	v5 =	vld [tilespmem:$0x8D00]  }
0x37a: {  	v6 =	vld [tilespmem:$0x8E10]  }
0x37b: {  	v7 =	vld [tilespmem:$0x8D10]  }
0x37c: {  	v8 =	vld [tilespmem:$0x8E20]  }
0x37d: {  	v9 =	vld [tilespmem:$0x8D20]  }
0x37e: {  	v10 =	vld [tilespmem:$0x8D30];
	v3 =	vmul.f32 v5, v3  }
0x37f: {  	v5 =	vld [tilespmem:$0x8E30]  }
0x380: {  	v11 =	vld [tilespmem:$0x8D40];
	v6 =	vmul.f32 v7, v6;
	v3 =	vadd.f32 $0.0e+00, v3  }
0x381: {  	v7 =	vld [tilespmem:$0x8E40]  }
0x382: {  	v49 =	vld [tilespmem:$0x8E50];
	v3 =	vadd.f32 v6, v3;
	v6 =	vmul.f32 v9, v8  }
0x383: {  	v50 =	vld [tilespmem:$0x8D50]  }
0x384: {  	v51 =	vld [tilespmem:$0x8D60];
	v5 =	vmul.f32 v10, v5;
	v3 =	vadd.f32 v6, v3  }
0x385: {  	v6 =	vld [tilespmem:$0x8E60]  }
0x386: {  	v52 =	vld [tilespmem:$0x8D70];
	v3 =	vadd.f32 v5, v3;
	v5 =	vmul.f32 v11, v7  }
0x387: {  	v7 =	vld [tilespmem:$0x8E70]  }
0x388: {  	v53 =	vld [tilespmem:$0x8E80];
	v3 =	vadd.f32 v5, v3;
	v5 =	vmul.f32 v50, v49  }
0x389: {  	v54 =	vld [tilespmem:$0x8D80]  }
0x38a: {  	v55 =	vld [tilespmem:$0x8D90];
	v3 =	vadd.f32 v5, v3;
	v5 =	vmul.f32 v51, v6  }
0x38b: {  	v6 =	vld [tilespmem:$0x8E90]  }
0x38c: {  	v56 =	vld [tilespmem:$0x8DA0];
	v3 =	vadd.f32 v5, v3;
	v5 =	vmul.f32 v52, v7  }
0x38d: {  	v7 =	vld [tilespmem:$0x8EA0]  }
0x38e: {  	v57 =	vld [tilespmem:$0x8EB0];
	v3 =	vadd.f32 v5, v3;
	v5 =	vmul.f32 v54, v53  }
0x38f: {  	v58 =	vld [tilespmem:$0x8DB0]  }
0x390: {  	v59 =	vld [tilespmem:$0x8DC0];
	v3 =	vadd.f32 v5, v3;
	v5 =	vmul.f32 v55, v6  }
0x391: {  	v6 =	vld [tilespmem:$0x8EC0]  }
0x392: {  	v60 =	vld [tilespmem:$0x8DD0];
	v3 =	vadd.f32 v5, v3;
	v5 =	vmul.f32 v56, v7  }
0x393: {  	v7 =	vld [tilespmem:$0x8ED0]  }
0x394: {  	v61 =	vld [tilespmem:$0x8EE0];
	v3 =	vadd.f32 v5, v3;
	v5 =	vmul.f32 v58, v57  }
0x395: {  	v62 =	vld [tilespmem:$0x8DE0]  }
0x396: {  	v63 =	vld [tilespmem:$0x8DF0];
	v3 =	vadd.f32 v5, v3;
	v5 =	vmul.f32 v59, v6  }
0x397: {  	v6 =	vld [tilespmem:$0x8EF0]  }
0x398: {  	v3 =	vadd.f32 v5, v3;
	v5 =	vmul.f32 v60, v7;
	_ =	sdelay $0x1  }
0x399: {  	v3 =	vadd.f32 v5, v3;
	v5 =	vmul.f32 v62, v61;
	_ =	sdelay $0x1  }
0x39a: {  	v3 =	vadd.f32 v5, v3;
	v5 =	vmul.f32 v63, v6;
	_ =	sdelay $0x1  }
0x39b: {  	v3 =	vadd.f32 v5, v3;
	_ =	sdelay $0x1  }
0x39c: {  	(xrf2) =	vadd.scan.msk.f32 $0xffff, v3;
	_ =	sdelay $0x9  }
0x39d: {  	v3, _, _ =	vpop (xrf2)  }
0x39e: {  	v3 =	vbroadcast v3, $0xF;
	_ =	sdelay $0x1  }
0x39f: {  	v3 =	vmul.f32 v3, v4;
	_ =	sdelay $0x1  }
0x3a0: {  	v3 =	vadd.f32 $1.000000000e-30, v3;
	_ =	sdelay $0x1  }
0x3a1: {  	[tilespmem:v2+s25+$0x0] =	vst.idx.msk $0x1, v3  }
.LBB2_30:
0x3a2: {  	s4 =	simm.s32 $0x0;
	p0 =	por $0x1, $0x1  }
.LBB2_31:
0x3a3: {  	v3 =	vld [tilespmem:s4+$0x8E00]  }
0x3a4: {  	v5 =	vld [tilespmem:s4+$0x8C00]  }
0x3a5: {  	v6 =	vld [tilespmem:s4+$0x8E10]  }
0x3a6: {  	v7 =	vld [tilespmem:s4+$0x8C10]  }
0x3a7: {  	v8 =	vld [tilespmem:s4+$0x8E20]  }
0x3a8: {  	v9 =	vld [tilespmem:s4+$0x8C20]  }
0x3a9: {  	v10 =	vld [tilespmem:s4+$0x8E30]  }
0x3aa: {  	v11 =	vld [tilespmem:s4+$0x8C30]  }
0x3ab: {  	v12 =	vld [tilespmem:s4+$0x8E40]  }
0x3ac: {  	v13 =	vld [tilespmem:s4+$0x8C40]  }
0x3ad: {  	v14 =	vld [tilespmem:s4+$0x8E50]  }
0x3ae: {  	v15 =	vld [tilespmem:s4+$0x8C50]  }
0x3af: {  	v16 =	vld [tilespmem:s4+$0x8E60];
	v3 =	vmul.f32 v3, v4;
	v5 =	vmul.f32 $9.999999740e-06, v5  }
0x3b0: {  	v17 =	vld [tilespmem:s4+$0x8C60];
	v6 =	vmul.f32 v6, v4;
	v7 =	vmul.f32 $9.999999740e-06, v7  }
0x3b1: {  	v59 =	vmul.f32 $9.999999740e-06, v9;
	v3 =	vadd.f32 v5, v3;
	v5 =	vmul.f32 v8, v4  }
0x3b2: {  	[tilespmem:s4+$0x8E00] =	vst v0;
	v60 =	vmul.f32 $9.999999740e-06, v11;
	v6 =	vadd.f32 v7, v6;
	v7 =	vmul.f32 v10, v4  }
0x3b3: {  	v61 =	vmul.f32 $9.999999740e-06, v13;
	[tilespmem:s4+$0x8F00] =	vst v3;
	v3 =	vadd.f32 v59, v5;
	v5 =	vmul.f32 v12, v4  }
0x3b4: {  	v62 =	vmul.f32 $9.999999740e-06, v15;
	[tilespmem:s4+$0x8F10] =	vst v6;
	v6 =	vadd.f32 v60, v7;
	v7 =	vmul.f32 v14, v4  }
0x3b5: {  	v63 =	vmul.f32 $9.999999740e-06, v17;
	[tilespmem:s4+$0x8F20] =	vst v3;
	v3 =	vadd.f32 v61, v5;
	v5 =	vmul.f32 v16, v4  }
0x3b6: {  	[tilespmem:s4+$0x8F30] =	vst v6;
	v6 =	vadd.f32 v62, v7  }
0x3b7: {  	[tilespmem:s4+$0x8F40] =	vst v3;
	v3 =	vadd.f32 v63, v5;
	v5 =	vld [tilespmem:s4+$0x8E70]  }
0x3b8: {  	[tilespmem:s4+$0x8F50] =	vst v6;
	v6 =	vld [tilespmem:s4+$0x8C70]  }
0x3b9: {  	[tilespmem:s4+$0x8E10] =	vst v0  }
0x3ba: {  	[tilespmem:s4+$0x8E20] =	vst v0  }
0x3bb: {  	[tilespmem:s4+$0x8E30] =	vst v0  }
0x3bc: {  	[tilespmem:s4+$0x8E40] =	vst v0;
	p1 =	por p0, p0  }
.Ltmp14:
0x3bd: {  	[tilespmem:s4+$0x8F60] =	vst v3;
	v3 =	vmul.f32 v5, v4;
	v5 =	vmul.f32 $9.999999740e-06, v6;
	(pc) =	sbr.rel @p1 .LBB2_31-.Ltmp14, $4  }
0x3be: {  	[tilespmem:s4+$0x8E50] =	vst v0  }
0x3bf: {  	[tilespmem:s4+$0x8E60] =	vst v0;
	v3 =	vadd.f32 v5, v3  }
0x3c0: {  	[tilespmem:s4+$0x8E70] =	vst v0  }
0x3c1: {  	p0 =	por $0x0, $0x0;
	[tilespmem:s4+$0x8F70] =	vst v3;
	s4 =	simm.s32 $0x80  }
0x3c2: {  	s29 =	sadd.s32 $0x1, s29  }
0x3c3: {  	p0 =	sne.s32 s29, $0x32  }
.Ltmp15:
0x3c4: {  	_ = 	snop;
	(pc) =	sbr.rel @p0 .LBB2_6-.Ltmp15, $1  }
0x3c5: {  	_ =	sdelay $0x3  }
0x3c6: {  	[hbm4b:s15+s1] =	stream.linear.scatter [tilespmem:s21], [sflag:$0x3], $0x80, $0x38;
	[tilespmem:$0xA900] =	vst v63  }
0x3c7: {  	s28 =	sadd.s32 $0x1, s28;
	_ =	swait.ge [sflag:s22], $0x80  }
0x3c8: {  	p0 =	sne.s32 s28, s17;
	[sflag:s22] =	ssyncset.done $0x0  }
.Ltmp16:
0x3c9: {  	[sflag:s22] =	ssyncadd.s32 $0xFFFFFF80;
	(pc) =	sbr.rel @p0 .LBB2_1-.Ltmp16, $4  }
0x3ca: {  	[hbm4b:s16+s1] =	stream.linear.scatter [tilespmem:s25], [sflag:$0x3], $0x80, $0x38;
	[tilespmem:$0xA900] =	vst v63  }
0x3cb: {  	_ =	swait.ge [sflag:s22], $0x80  }
0x3cc: {  	[sflag:s22] =	ssyncset.done $0x0  }
0x3cd: {  	[sflag:s22] =	ssyncadd.s32 $0xFFFFFF80  }
0x3ce: {  	_ =	sfence.sel $0x180000  }
0x3cf: {  	[bflag:$0x0] =	sbarrier.arrive $0xFFFF  }
0x3d0: {  	_ =	strace $0x90000047  }
0x3d1: {  	s0 =	stileid.u32;
	[bflag:$0x2] =	sbarrier.arrive $0xFFFF  }
0x3d2: {  	p0 =	sne.s32 s0, $0x0;
	s0 =	rddreg [dreg:$0x1]  }
0x3d3: {  	s0 =	sadd.s32 @!p0 $0x100000, s0  }
0x3d4: {  	[sflag:s0] =	ssyncadd.tile.s32 @!p0 $0x1;
	_ =	shalt  }
.Lfunc_end2:
_tile_overlayer_lowered:
.L_overlay_start_2:
0x3d5: {  	(tag) =	ssettag $0x2  }
0x3d6: {  	s0 =	rddreg [dreg:$0x0];
	s2 =	stileid.u32  }
0x3d7: {  	s1 =	rddreg [dreg:$0x1];
	p0 =	sne.s32 s2, $0x0  }
0x3d8: {  	s3 =	rddreg [dreg:$0x2];
	[bflag:$0x3] =	sbarrier.arrive $0xFFFF;
	s2 =	simm.s32 @!p0 $0x1C03  }
0x3d9: {  	[timem:s3], [sflag:s2] =	dma.local @!p0 [hbm:s0], s1  }
0x3da: {  	s0 =	simm.s32 @!p0 $0x3  }
0x3db: {  	_ =	swait.ge @!p0 [sflag:s0], s1  }
0x3dc: {  	s1 =	ssub.s32 @!p0 $0x0, s1;
	[sflag:s0] =	ssyncset.done @!p0 $0x0  }
0x3dd: {  	[sflag:s0] =	ssyncadd.s32 @!p0 s1  }
0x3de: {  	[bflag:$0x3] =	sbarrier.arrive $0xFFFF  }
0x3df: {  	_ =	shalt  }

</sc_bundles>
